<compile_context>
chip_gen: v7x
topology: tpu7x:2x2x1
jax: 0.10.2.dev20260603
libtpu: 0.0.44.dev20260713+nightly
codegen_flags: <defaults>
</compile_context>

<pallas_src>
import functools

import jax
import jax.numpy as jnp
from jax import lax
from jax.experimental import pallas as pl
from jax.experimental.pallas import tpu as pltpu
from jax.experimental.pallas import tpu_sc as plsc

N_NODES = 50000
N_EDGES = 800000
MSG = 10
HID = 10
NUM_ET = 8
NUM_CLASSES = 16

MSGP = 16
ROW_BLK = 2048
N_GRID = (N_NODES + ROW_BLK - 1) // ROW_BLK

NW = 32
IDX_W = 128
STREAMS_PER_STEP = 10
STEP_E = IDX_W * STREAMS_PER_STEP
STEPS_PER_W = 20
E_PER_W = STEP_E * STEPS_PER_W
E_PAD = E_PER_W * NW
ROWS_PER_W = E_PER_W // IDX_W
CORE0_ROWS = 280
CORE1_ROWS = 120
NPAD = 50048
NPW = NPAD // 16



PACK_BLK = ROW_BLK // 8
N_PACK = N_NODES // 8
NPAD_PACK = NPAD * MSGP // 128


def _x_table_body(f_ref, t_ref, x_ref):
    x_ref[...] = jnp.dot(f_ref[...], t_ref[...],
                         preferred_element_type=jnp.float32)


def _x_table(features, t2):
    row = lambda i: (i, 0)
    fixed = lambda i: (0, 0)
    return pl.pallas_call(
        _x_table_body,
        grid=(N_GRID,),
        in_specs=[
            pl.BlockSpec((ROW_BLK, HID), row),
            pl.BlockSpec((HID, NUM_ET * MSGP), fixed),
        ],
        out_specs=pl.BlockSpec((ROW_BLK, NUM_ET * MSGP), row),
        out_shape=jax.ShapeDtypeStruct((N_NODES, NUM_ET * MSGP), jnp.float32),
    )(features, t2)


def _h_gates_body(fp_ref, bdhr, bdhz, bdhn, bhr, bhz, bhn,
                  ghr_ref, ghz_ref, ghn_ref):
    fp = fp_ref[...]
    ghr_ref[...] = jnp.dot(fp, bdhr[...], preferred_element_type=jnp.float32) + bhr[...]
    ghz_ref[...] = jnp.dot(fp, bdhz[...], preferred_element_type=jnp.float32) + bhz[...]
    ghn_ref[...] = jnp.dot(fp, bdhn[...], preferred_element_type=jnp.float32) + bhn[...]


def _h_gates(fp, bdhr, bdhz, bdhn, bhr, bhz, bhn):
    row = lambda i: (i, 0)
    fixed = lambda i: (0, 0)
    packed = jax.ShapeDtypeStruct((N_PACK, 128), jnp.float32)
    pblk = pl.BlockSpec((PACK_BLK, 128), row)
    return pl.pallas_call(
        _h_gates_body,
        grid=(N_GRID,),
        in_specs=[
            pblk,
            pl.BlockSpec((128, 128), fixed),
            pl.BlockSpec((128, 128), fixed),
            pl.BlockSpec((128, 128), fixed),
            pl.BlockSpec((1, 128), fixed),
            pl.BlockSpec((1, 128), fixed),
            pl.BlockSpec((1, 128), fixed),
        ],
        out_specs=[pblk, pblk, pblk],
        out_shape=[packed, packed, packed],
    )(fp, bdhr, bdhz, bdhn, bhr, bhz, bhn)



@functools.cache
def _make_sc_kernel():
    @functools.partial(
        pl.kernel,
        out_type=jax.ShapeDtypeStruct((2, NPAD, MSGP), jnp.float32),
        mesh=plsc.VectorSubcoreMesh(core_axis_name="c", subcore_axis_name="s"),
        compiler_params=pltpu.CompilerParams(use_tc_tiling_on_sc=False),
        scratch_types=[
            pltpu.VMEM((4, STREAMS_PER_STEP, IDX_W), jnp.int32),
            pltpu.VMEM((4, STREAMS_PER_STEP, IDX_W), jnp.int32),
            pltpu.VMEM((2, STEP_E, MSGP), jnp.float32),
            pltpu.VMEM_SHARED((NPAD, MSGP), jnp.float32),
            pltpu.SemaphoreType.DMA,
            pltpu.SemaphoreType.DMA,
            pltpu.SemaphoreType.DMA,
        ],
    )
    def _sc_gather_scatter(zeros_hbm, gidx_hbm, didx_hbm, x2_hbm, out_hbm,
                           gv, dv, rows, acc, sem_i, sem_g, sem_s):
        cid = lax.axis_index("c")
        sid = lax.axis_index("s")
        my_rows = lax.select(cid == 0, CORE0_ROWS, CORE1_ROWS)
        my_steps = my_rows // STREAMS_PER_STEP
        row_base = cid * 16 * CORE0_ROWS + sid * my_rows
        r0 = sid * NPW
        pltpu.sync_copy(zeros_hbm.at[pl.ds(r0, NPW)], acc.at[pl.ds(r0, NPW)])
        plsc.subcore_barrier()

        def idx_copies(bb, b4):
            base = row_base + bb * STREAMS_PER_STEP
            src = pl.ds(base, STREAMS_PER_STEP)
            return (pltpu.make_async_copy(gidx_hbm.at[src], gv.at[b4], sem_i),
                    pltpu.make_async_copy(didx_hbm.at[src], dv.at[b4], sem_i))

        def scat_desc(b2, b4, r):
            return pltpu.make_async_copy(
                rows.at[b2, pl.ds(r * IDX_W, IDX_W)],
                acc.at[dv.at[b4, r]], sem_s)

        for pb in (0, 1):
            @pl.when(pb < my_steps)
            def _():
                for c in idx_copies(pb, pb):
                    c.start()

        def step(bb, carry):
            b2 = lax.rem(bb, 2)
            b4 = lax.rem(bb, 4)
            nb4 = lax.rem(bb + 2, 4)
            for c in idx_copies(bb, b4):
                c.wait()
            @pl.when(bb >= 2)
            def _():
                for r in range(STREAMS_PER_STEP):
                    scat_desc(b2, nb4, r).wait()
            gcps = [
                pltpu.async_copy(x2_hbm.at[gv.at[b4, r]],
                                 rows.at[b2, pl.ds(r * IDX_W, IDX_W)], sem_g)
                for r in range(STREAMS_PER_STEP)
            ]
            @pl.when(bb < my_steps - 2)
            def _():
                for c in idx_copies(bb + 2, nb4):
                    c.start()
            for c in gcps:
                c.wait()
            for r in range(STREAMS_PER_STEP):
                pltpu.async_copy(rows.at[b2, pl.ds(r * IDX_W, IDX_W)],
                                 acc.at[dv.at[b4, r]], sem_s, add=True)
            return carry

        lax.fori_loop(0, my_steps, step, 0)
        for db in (2, 1):
            bb = my_steps - db

            @pl.when(bb >= 0)
            def _():
                for r in range(STREAMS_PER_STEP):
                    scat_desc(lax.rem(bb, 2), lax.rem(bb, 4), r).wait()
        plsc.subcore_barrier()
        pltpu.sync_copy(acc.at[pl.ds(r0, NPW)], out_hbm.at[cid, pl.ds(r0, NPW)])

    return _sc_gather_scatter



def _dense_post_body(pa_ref, pb_ref, ghr_ref, ghz_ref, ghn_ref, fp_ref,
                     bdr, bdz, bdn, bir, biz, bin_, bdout, bout, out_ref):
    red = pa_ref[0] + pb_ref[0]
    gi_r = jnp.dot(red, bdr[...], preferred_element_type=jnp.float32) + bir[...]
    gi_z = jnp.dot(red, bdz[...], preferred_element_type=jnp.float32) + biz[...]
    gi_n = jnp.dot(red, bdn[...], preferred_element_type=jnp.float32) + bin_[...]
    r = jax.nn.sigmoid(gi_r + ghr_ref[...])
    z = jax.nn.sigmoid(gi_z + ghz_ref[...])
    n = jnp.tanh(gi_n + r * ghn_ref[...])
    h = (1.0 - z) * n + z * fp_ref[...]
    out_ref[...] = jnp.dot(h, bdout[...], preferred_element_type=jnp.float32) + bout[...]


def _dense_post(pp, ghr, ghz, ghn, fp,
                bdr, bdz, bdn, bir, biz, bin_, bdout, bout):
    prow = lambda i: (i, 0)
    fixed = lambda i: (0, 0)
    pblk = pl.BlockSpec((PACK_BLK, 128), prow)
    return pl.pallas_call(
        _dense_post_body,
        grid=(N_GRID,),
        in_specs=[
            pl.BlockSpec((1, PACK_BLK, 128), lambda i: (0, i, 0)),
            pl.BlockSpec((1, PACK_BLK, 128), lambda i: (1, i, 0)),
            pblk, pblk, pblk, pblk,
            pl.BlockSpec((128, 128), fixed),
            pl.BlockSpec((128, 128), fixed),
            pl.BlockSpec((128, 128), fixed),
            pl.BlockSpec((1, 128), fixed),
            pl.BlockSpec((1, 128), fixed),
            pl.BlockSpec((1, 128), fixed),
            pl.BlockSpec((128, 128), fixed),
            pl.BlockSpec((1, 128), fixed),
        ],
        out_specs=pl.BlockSpec((PACK_BLK, 128), prow),
        out_shape=jax.ShapeDtypeStruct((N_PACK, 128), jnp.float32),
    )(pp, pp, ghr, ghz, ghn, fp,
      bdr, bdz, bdn, bir, biz, bin_, bdout, bout)



def kernel(features, src_list, dst_list, edge_types, edge_matrix,
           W_ih, W_hh, b_ih, b_hh, W_out, b_out):
    f32 = jnp.float32
    em3 = edge_matrix.reshape(NUM_ET, MSG, HID).transpose(2, 0, 1)
    t2 = jnp.pad(em3, ((0, 0), (0, 0), (0, MSGP - MSG))).reshape(HID, NUM_ET * MSGP)

    eye8 = jnp.eye(8, dtype=f32)
    pad_sq = lambda w: jnp.pad(w, ((0, MSGP - w.shape[0]), (0, MSGP - w.shape[1])))
    bd = lambda w: jnp.kron(eye8, pad_sq(w))
    tile_b = lambda b: jnp.tile(jnp.pad(b, (0, MSGP - b.shape[0])), 8).reshape(1, 128)
    bdhr = bd(W_hh[0 * HID:1 * HID].T)
    bdhz = bd(W_hh[1 * HID:2 * HID].T)
    bdhn = bd(W_hh[2 * HID:3 * HID].T)
    bhr = tile_b(b_hh[0 * HID:1 * HID])
    bhz = tile_b(b_hh[1 * HID:2 * HID])
    bhn = tile_b(b_hh[2 * HID:3 * HID])
    bdr = bd(W_ih[0 * HID:1 * HID].T)
    bdz = bd(W_ih[1 * HID:2 * HID].T)
    bdn = bd(W_ih[2 * HID:3 * HID].T)
    bir = tile_b(b_ih[0 * HID:1 * HID])
    biz = tile_b(b_ih[1 * HID:2 * HID])
    bin_ = tile_b(b_ih[2 * HID:3 * HID])

    bdout = bd(W_out.T)
    bout = jnp.tile(b_out, 8).reshape(1, 128)

    fp = jnp.pad(features, ((0, 0), (0, MSGP - HID))).reshape(N_PACK, 128)

    x = _x_table(features, t2)
    x2 = x.reshape(N_NODES * NUM_ET, MSGP)
    ghr, ghz, ghn = _h_gates(fp, bdhr, bdhz, bdhn, bhr, bhz, bhn)

    pad_e = E_PAD - N_EDGES
    gidx = src_list * NUM_ET + edge_types
    gidx = jnp.concatenate([gidx, jnp.zeros((pad_e,), jnp.int32)])
    didx = jnp.concatenate([dst_list, jnp.full((pad_e,), N_NODES, jnp.int32)])
    gidx2 = gidx.reshape(-1, IDX_W)
    didx2 = didx.reshape(-1, IDX_W)
    zeros_acc = jnp.zeros((NPAD, MSGP), f32)

    partials = _make_sc_kernel()(zeros_acc, gidx2, didx2, x2)
    pp = partials.reshape(2, NPAD_PACK, 128)

    out_p = _dense_post(pp, ghr, ghz, ghn, fp,
                        bdr, bdz, bdn, bir, biz, bin_, bdout, bout)
    return out_p.reshape(N_NODES, NUM_CLASSES)

# --- scband reference (transcript-rebuilt; emitter-appended) ---
"""Pipeline reference for scband-ggnn-33878702031447 (READ-ONLY COPY).

The authoritative reference and input builder live on the scoring server;
editing this copy changes nothing except your own understanding.
"""

import jax, jax.numpy as jnp
import numpy as np

N = 50000
E = 800000
MSG = 10
HID = 10
NUM_EDGE_TYPE = 8
NUM_CLASSES = 16


def setup_inputs(seed: int = 0) -> dict:
    key = jax.random.key(seed)
    ks = jax.random.split(key, 12)
    features = jax.random.normal(ks[0], (N, HID), dtype=jnp.float32)
    src_list = jax.random.randint(ks[1], (E,), 0, N, dtype=jnp.int32)
    dst_list = jax.random.randint(ks[2], (E,), 0, N, dtype=jnp.int32)
    edge_types = jax.random.randint(ks[3], (E,), 0, NUM_EDGE_TYPE, dtype=jnp.int32)
    # learned parameters
    edge_matrix = jax.random.normal(ks[4], (NUM_EDGE_TYPE, MSG * HID), dtype=jnp.float32) * 0.1
    W_ih = jax.random.normal(ks[5], (3 * HID, MSG), dtype=jnp.float32) * 0.1
    W_hh = jax.random.normal(ks[6], (3 * HID, HID), dtype=jnp.float32) * 0.1
    b_ih = jnp.zeros((3 * HID,), dtype=jnp.float32)
    b_hh = jnp.zeros((3 * HID,), dtype=jnp.float32)
    W_out = jax.random.normal(ks[7], (NUM_CLASSES, HID), dtype=jnp.float32) * 0.1
    b_out = jnp.zeros((NUM_CLASSES,), dtype=jnp.float32)
    return {
        "features": features,
        "src_list": src_list,
        "dst_list": dst_list,
        "edge_types": edge_types,
        "edge_matrix": edge_matrix,
        "W_ih": W_ih,
        "W_hh": W_hh,
        "b_ih": b_ih,
        "b_hh": b_hh,
        "W_out": W_out,
        "b_out": b_out,
    }


def reference(features, src_list, dst_list, edge_types, edge_matrix, W_ih, W_hh, b_ih, b_hh, W_out, b_out):
    # A = edge_matrix(edge_types).view(-1, msg_dim, hidden_dim)  (embedding gather)
    A = jnp.take(edge_matrix, edge_types, axis=0).reshape(-1, MSG, HID)
    # msgs = bmm(A, features[src].unsqueeze(2)).squeeze(2)
    src_feat = jnp.take(features, src_list, axis=0)  # [E, HID]
    msgs = jnp.einsum('emh,eh->em', A, src_feat)  # [E, MSG]
    # scatter_add into node-shaped buffer keyed by dst
    reduced_msgs = jnp.zeros((N, MSG), dtype=features.dtype).at[dst_list].add(msgs)
    # single-step GRU: input=reduced_msgs, h0=features
    gi = reduced_msgs @ W_ih.T + b_ih
    gh = features @ W_hh.T + b_hh
    i_r, i_z, i_n = gi[:, :HID], gi[:, HID:2 * HID], gi[:, 2 * HID:]
    h_r, h_z, h_n = gh[:, :HID], gh[:, HID:2 * HID], gh[:, 2 * HID:]
    r = jax.nn.sigmoid(i_r + h_r)
    z = jax.nn.sigmoid(i_z + h_z)
    n = jnp.tanh(i_n + r * h_n)
    h = (1.0 - z) * n + z * features
    # output projection
    out = h @ W_out.T + b_out
    return out

if __name__ == "__main__":
    import jax
    _d = setup_inputs()
    print(jax.jit(kernel)(*tuple(_d.values())))

</pallas_src>

<mosaic_0001>
#map = affine_map<(d0, d1) -> (0, 0)>
#map1 = affine_map<(d0, d1) -> (0, 0, 0)>
module attributes {stable_mosaic.version = 14 : i64} {
  func.func @_sc_gather_scatter(%arg0: i32, %arg1: i32, %arg2: memref<50048x16xf32, #tpu.memory_space<hbm>>, %arg3: memref<6400x128xi32, #tpu.memory_space<hbm>>, %arg4: memref<6400x128xi32, #tpu.memory_space<hbm>>, %arg5: memref<400000x16xf32, #tpu.memory_space<hbm>>, %arg6: memref<2x50048x16xf32, #tpu.memory_space<hbm>>, %arg7: memref<4x10x128xi32, #tpu.memory_space<vmem>>, %arg8: memref<4x10x128xi32, #tpu.memory_space<vmem>>, %arg9: memref<2x1280x16xf32, #tpu.memory_space<vmem>>, %arg10: memref<50048x16xf32, #tpu.memory_space<vmem_shared>>, %arg11: memref<!tpu.dma_semaphore, #tpu.memory_space<semaphore_mem>>, %arg12: memref<!tpu.dma_semaphore, #tpu.memory_space<semaphore_mem>>, %arg13: memref<!tpu.dma_semaphore, #tpu.memory_space<semaphore_mem>>) attributes {dimension_semantics = [#tpu.dimension_semantics<core_parallel>, #tpu.dimension_semantics<subcore_parallel>], iteration_bounds = array<i64: 2, 16>, scalar_prefetch = 0 : i64, scratch_operands = 7 : i64, tpu.core_type = #tpu.core_type<sc_vector_subcore>, window_params = [{transform_indices = #map}, {transform_indices = #map}, {transform_indices = #map}, {transform_indices = #map}, {transform_indices = #map1}]} {
    %eq3A = arith.constant 0 : i32
    %eq3A_0 = arith.cmpi eq, %arg0, %eq3A : i32
    %select_n3A = arith.constant 120 : i32
    %select_n3A_1 = arith.constant 280 : i32
    %select_n3A_2 = arith.select %eq3A_0, %select_n3A_1, %select_n3A : i32
    %jit3A = arith.constant 10 : i32
    %div3A = arith.divsi %select_n3A_2, %jit3A : i32
    %sign3A = arith.constant 0 : i32
    %sign3A_3 = arith.cmpi sgt, %select_n3A_2, %sign3A : i32
    %sign3A_4 = arith.extui %sign3A_3 : i1 to i32
    %sign3A_5 = arith.constant 0 : i32
    %sign3A_6 = arith.cmpi slt, %select_n3A_2, %sign3A_5 : i32
    %sign3A_7 = arith.extui %sign3A_6 : i1 to i32
    %sign3A_8 = arith.subi %sign3A_4, %sign3A_7 : i32
    %sign3A_9 = arith.constant 0 : i32
    %sign3A_10 = arith.cmpi sgt, %jit3A, %sign3A_9 : i32
    %sign3A_11 = arith.extui %sign3A_10 : i1 to i32
    %sign3A_12 = arith.constant 0 : i32
    %sign3A_13 = arith.cmpi slt, %jit3A, %sign3A_12 : i32
    %sign3A_14 = arith.extui %sign3A_13 : i1 to i32
    %sign3A_15 = arith.subi %sign3A_11, %sign3A_14 : i32
    %ne3A = arith.cmpi ne, %sign3A_8, %sign3A_15 : i32
    %rem3A = arith.remsi %select_n3A_2, %jit3A : i32
    %ne3A_16 = arith.constant 0 : i32
    %ne3A_17 = arith.cmpi ne, %rem3A, %ne3A_16 : i32
    %and3A = arith.andi %ne3A, %ne3A_17 : i1
    %sub3A = arith.constant 1 : i32
    %sub3A_18 = arith.subi %div3A, %sub3A : i32
    %select_n3A_19 = arith.select %and3A, %sub3A_18, %div3A : i32
    %mul3A = arith.constant 16 : i32
    %mul3A_20 = arith.muli %arg0, %mul3A : i32
    %mul3A_21 = arith.constant 280 : i32
    %mul3A_22 = arith.muli %mul3A_20, %mul3A_21 : i32
    %mul3A_23 = arith.muli %arg1, %select_n3A_2 : i32
    %add3A = arith.addi %mul3A_22, %mul3A_23 : i32
    %mul3A_24 = arith.constant 3128 : i32
    %mul3A_25 = arith.muli %arg1, %mul3A_24 : i32
    "tpu.region"() ({
      %run_scoped3A = tpu.sem_alloc : memref<!tpu.dma_semaphore, #tpu.memory_space<semaphore_mem>>
      %dma_start3A = arith.constant 0 : i32
      %dma_start3A_56 = tpu.memref_slice %arg10[%mul3A_25, %dma_start3A] : memref<50048x16xf32, #tpu.memory_space<vmem_shared>> -> memref<3128x16xf32, #tpu.memory_space<vmem_shared>>
      %dma_start3A_57 = arith.constant 0 : i32
      %dma_start3A_58 = tpu.memref_slice %arg2[%mul3A_25, %dma_start3A_57] : memref<50048x16xf32, #tpu.memory_space<hbm>> -> memref<3128x16xf32, #tpu.memory_space<hbm>>
      tpu.enqueue_dma source(%dma_start3A_58 : memref<3128x16xf32, #tpu.memory_space<hbm>>) target(%dma_start3A_56 : memref<3128x16xf32, #tpu.memory_space<vmem_shared>>) target_semaphore(%run_scoped3A : memref<!tpu.dma_semaphore, #tpu.memory_space<semaphore_mem>>)
      %dma_wait3A = arith.constant 0 : i32
      %dma_wait3A_59 = tpu.memref_slice %arg10[%mul3A_25, %dma_wait3A] : memref<50048x16xf32, #tpu.memory_space<vmem_shared>> -> memref<3128x16xf32, #tpu.memory_space<vmem_shared>>
      %dma_wait3A_60 = arith.constant 0 : i32
      %dma_wait3A_61 = tpu.memref_slice %arg2[%mul3A_25, %dma_wait3A_60] : memref<50048x16xf32, #tpu.memory_space<hbm>> -> memref<3128x16xf32, #tpu.memory_space<hbm>>
      tpu.wait_dma2 semaphore(%run_scoped3A : memref<!tpu.dma_semaphore, #tpu.memory_space<semaphore_mem>>) src(%dma_wait3A_61 : memref<3128x16xf32, #tpu.memory_space<hbm>>) dst(%dma_wait3A_59 : memref<3128x16xf32, #tpu.memory_space<vmem_shared>>)
      tpu.yield
    }) : () -> ()
    %barrier3A = arith.constant 0 : index
    tpu.barrier barrier_id(%barrier3A)
    %gt3A = arith.constant 0 : i32
    %gt3A_26 = arith.cmpi sgt, %select_n3A_19, %gt3A : i32
    %convert_element_type3A = arith.extui %gt3A_26 : i1 to i32
    %cond3A = arith.constant 0 : i32
    %cond3A_27 = arith.cmpi ne, %convert_element_type3A, %cond3A : i32
    scf.if %cond3A_27 {
      %add3A_56 = arith.constant 0 : i32
      %add3A_57 = arith.addi %add3A, %add3A_56 : i32
      %dma_start3A = arith.constant 0 : i32
      %dma_start3A_58 = arith.constant 0 : i32
      %dma_start3A_59 = arith.constant 0 : i32
      %dma_start3A_60 = tpu.memref_slice %arg7[%dma_start3A, %dma_start3A_58, %dma_start3A_59] : memref<4x10x128xi32, #tpu.memory_space<vmem>> -> memref<1x10x128xi32, #tpu.memory_space<vmem>>
      %dma_start3A_61 = tpu.memref_squeeze %dma_start3A_60 : memref<1x10x128xi32, #tpu.memory_space<vmem>> -> memref<10x128xi32, #tpu.memory_space<vmem>>
      %dma_start3A_62 = arith.constant 0 : i32
      %dma_start3A_63 = tpu.memref_slice %arg3[%add3A_57, %dma_start3A_62] : memref<6400x128xi32, #tpu.memory_space<hbm>> -> memref<10x128xi32, #tpu.memory_space<hbm>>
      %dma_start3A_64 = arith.constant 0 : i32
      %dma_start3A_65 = arith.constant 0 : i32
      %dma_start3A_66 = tpu.memref_slice %arg7[%dma_start3A, %dma_start3A_64, %dma_start3A_65] : memref<4x10x128xi32, #tpu.memory_space<vmem>> -> memref<1x10x128xi32, #tpu.memory_space<vmem>>
      %dma_start3A_67 = tpu.memref_squeeze %dma_start3A_66 : memref<1x10x128xi32, #tpu.memory_space<vmem>> -> memref<10x128xi32, #tpu.memory_space<vmem>>
      %dma_start3A_68 = arith.constant 0 : i32
      %dma_start3A_69 = tpu.memref_slice %arg3[%add3A_57, %dma_start3A_68] : memref<6400x128xi32, #tpu.memory_space<hbm>> -> memref<10x128xi32, #tpu.memory_space<hbm>>
      tpu.enqueue_dma source(%dma_start3A_69 : memref<10x128xi32, #tpu.memory_space<hbm>>) target(%dma_start3A_67 : memref<10x128xi32, #tpu.memory_space<vmem>>) target_semaphore(%arg11 : memref<!tpu.dma_semaphore, #tpu.memory_space<semaphore_mem>>)
      %dma_start3A_70 = arith.constant 0 : i32
      %dma_start3A_71 = arith.constant 0 : i32
      %dma_start3A_72 = arith.constant 0 : i32
      %dma_start3A_73 = tpu.memref_slice %arg8[%dma_start3A_70, %dma_start3A_71, %dma_start3A_72] : memref<4x10x128xi32, #tpu.memory_space<vmem>> -> memref<1x10x128xi32, #tpu.memory_space<vmem>>
      %dma_start3A_74 = tpu.memref_squeeze %dma_start3A_73 : memref<1x10x128xi32, #tpu.memory_space<vmem>> -> memref<10x128xi32, #tpu.memory_space<vmem>>
      %dma_start3A_75 = arith.constant 0 : i32
      %dma_start3A_76 = tpu.memref_slice %arg4[%add3A_57, %dma_start3A_75] : memref<6400x128xi32, #tpu.memory_space<hbm>> -> memref<10x128xi32, #tpu.memory_space<hbm>>
      %dma_start3A_77 = arith.constant 0 : i32
      %dma_start3A_78 = arith.constant 0 : i32
      %dma_start3A_79 = tpu.memref_slice %arg8[%dma_start3A_70, %dma_start3A_77, %dma_start3A_78] : memref<4x10x128xi32, #tpu.memory_space<vmem>> -> memref<1x10x128xi32, #tpu.memory_space<vmem>>
      %dma_start3A_80 = tpu.memref_squeeze %dma_start3A_79 : memref<1x10x128xi32, #tpu.memory_space<vmem>> -> memref<10x128xi32, #tpu.memory_space<vmem>>
      %dma_start3A_81 = arith.constant 0 : i32
      %dma_start3A_82 = tpu.memref_slice %arg4[%add3A_57, %dma_start3A_81] : memref<6400x128xi32, #tpu.memory_space<hbm>> -> memref<10x128xi32, #tpu.memory_space<hbm>>
      tpu.enqueue_dma source(%dma_start3A_82 : memref<10x128xi32, #tpu.memory_space<hbm>>) target(%dma_start3A_80 : memref<10x128xi32, #tpu.memory_space<vmem>>) target_semaphore(%arg11 : memref<!tpu.dma_semaphore, #tpu.memory_space<semaphore_mem>>)
    } else {
    }
    %gt3A_28 = arith.constant 1 : i32
    %gt3A_29 = arith.cmpi sgt, %select_n3A_19, %gt3A_28 : i32
    %convert_element_type3A_30 = arith.extui %gt3A_29 : i1 to i32
    %cond3A_31 = arith.constant 0 : i32
    %cond3A_32 = arith.cmpi ne, %convert_element_type3A_30, %cond3A_31 : i32
    scf.if %cond3A_32 {
      %add3A_56 = arith.constant 10 : i32
      %add3A_57 = arith.addi %add3A, %add3A_56 : i32
      %dma_start3A = arith.constant 1 : i32
      %dma_start3A_58 = arith.constant 0 : i32
      %dma_start3A_59 = arith.constant 0 : i32
      %dma_start3A_60 = tpu.memref_slice %arg7[%dma_start3A, %dma_start3A_58, %dma_start3A_59] : memref<4x10x128xi32, #tpu.memory_space<vmem>> -> memref<1x10x128xi32, #tpu.memory_space<vmem>>
      %dma_start3A_61 = tpu.memref_squeeze %dma_start3A_60 : memref<1x10x128xi32, #tpu.memory_space<vmem>> -> memref<10x128xi32, #tpu.memory_space<vmem>>
      %dma_start3A_62 = arith.constant 0 : i32
      %dma_start3A_63 = tpu.memref_slice %arg3[%add3A_57, %dma_start3A_62] : memref<6400x128xi32, #tpu.memory_space<hbm>> -> memref<10x128xi32, #tpu.memory_space<hbm>>
      %dma_start3A_64 = arith.constant 0 : i32
      %dma_start3A_65 = arith.constant 0 : i32
      %dma_start3A_66 = tpu.memref_slice %arg7[%dma_start3A, %dma_start3A_64, %dma_start3A_65] : memref<4x10x128xi32, #tpu.memory_space<vmem>> -> memref<1x10x128xi32, #tpu.memory_space<vmem>>
      %dma_start3A_67 = tpu.memref_squeeze %dma_start3A_66 : memref<1x10x128xi32, #tpu.memory_space<vmem>> -> memref<10x128xi32, #tpu.memory_space<vmem>>
      %dma_start3A_68 = arith.constant 0 : i32
      %dma_start3A_69 = tpu.memref_slice %arg3[%add3A_57, %dma_start3A_68] : memref<6400x128xi32, #tpu.memory_space<hbm>> -> memref<10x128xi32, #tpu.memory_space<hbm>>
      tpu.enqueue_dma source(%dma_start3A_69 : memref<10x128xi32, #tpu.memory_space<hbm>>) target(%dma_start3A_67 : memref<10x128xi32, #tpu.memory_space<vmem>>) target_semaphore(%arg11 : memref<!tpu.dma_semaphore, #tpu.memory_space<semaphore_mem>>)
      %dma_start3A_70 = arith.constant 1 : i32
      %dma_start3A_71 = arith.constant 0 : i32
      %dma_start3A_72 = arith.constant 0 : i32
      %dma_start3A_73 = tpu.memref_slice %arg8[%dma_start3A_70, %dma_start3A_71, %dma_start3A_72] : memref<4x10x128xi32, #tpu.memory_space<vmem>> -> memref<1x10x128xi32, #tpu.memory_space<vmem>>
      %dma_start3A_74 = tpu.memref_squeeze %dma_start3A_73 : memref<1x10x128xi32, #tpu.memory_space<vmem>> -> memref<10x128xi32, #tpu.memory_space<vmem>>
      %dma_start3A_75 = arith.constant 0 : i32
      %dma_start3A_76 = tpu.memref_slice %arg4[%add3A_57, %dma_start3A_75] : memref<6400x128xi32, #tpu.memory_space<hbm>> -> memref<10x128xi32, #tpu.memory_space<hbm>>
      %dma_start3A_77 = arith.constant 0 : i32
      %dma_start3A_78 = arith.constant 0 : i32
      %dma_start3A_79 = tpu.memref_slice %arg8[%dma_start3A_70, %dma_start3A_77, %dma_start3A_78] : memref<4x10x128xi32, #tpu.memory_space<vmem>> -> memref<1x10x128xi32, #tpu.memory_space<vmem>>
      %dma_start3A_80 = tpu.memref_squeeze %dma_start3A_79 : memref<1x10x128xi32, #tpu.memory_space<vmem>> -> memref<10x128xi32, #tpu.memory_space<vmem>>
      %dma_start3A_81 = arith.constant 0 : i32
      %dma_start3A_82 = tpu.memref_slice %arg4[%add3A_57, %dma_start3A_81] : memref<6400x128xi32, #tpu.memory_space<hbm>> -> memref<10x128xi32, #tpu.memory_space<hbm>>
      tpu.enqueue_dma source(%dma_start3A_82 : memref<10x128xi32, #tpu.memory_space<hbm>>) target(%dma_start3A_80 : memref<10x128xi32, #tpu.memory_space<vmem>>) target_semaphore(%arg11 : memref<!tpu.dma_semaphore, #tpu.memory_space<semaphore_mem>>)
    } else {
    }
    %while3A = arith.constant 0 : i32
    %while3A_33 = arith.constant 0 : i32
    %while3A_34 = arith.subi %select_n3A_19, %while3A_33 : i32
    %while3A_35 = arith.addi %while3A_33, %while3A_34 : i32
    %while3A_36 = arith.constant 1 : i32
    %while3A_37 = arith.divsi %while3A_34, %while3A_36 : i32
    %while3A_38 = arith.muli %while3A_37, %while3A_36 : i32
    %while3A_39 = arith.addi %while3A_33, %while3A_38 : i32
    %while3A_40 = arith.constant 1 : i32
    scf.for %while3A_56 = %while3A_33 to %while3A_39 step %while3A_40  : i32 {
      %rem3A_57 = arith.constant 2 : i32
      %rem3A_58 = arith.remsi %while3A_56, %rem3A_57 : i32
      %rem3A_59 = arith.constant 4 : i32
      %rem3A_60 = arith.remsi %while3A_56, %rem3A_59 : i32
      %add3A_61 = arith.constant 2 : i32
      %add3A_62 = arith.addi %while3A_56, %add3A_61 : i32
      %rem3A_63 = arith.constant 4 : i32
      %rem3A_64 = arith.remsi %add3A_62, %rem3A_63 : i32
      %mul3A_65 = arith.constant 10 : i32
      %mul3A_66 = arith.muli %while3A_56, %mul3A_65 : i32
      %add3A_67 = arith.addi %add3A, %mul3A_66 : i32
      %dma_wait3A = arith.constant 0 : i32
      %dma_wait3A_68 = arith.constant 0 : i32
      %dma_wait3A_69 = tpu.memref_slice %arg7[%rem3A_60, %dma_wait3A, %dma_wait3A_68] : memref<4x10x128xi32, #tpu.memory_space<vmem>> -> memref<1x10x128xi32, #tpu.memory_space<vmem>>
      %dma_wait3A_70 = tpu.memref_squeeze %dma_wait3A_69 : memref<1x10x128xi32, #tpu.memory_space<vmem>> -> memref<10x128xi32, #tpu.memory_space<vmem>>
      %dma_wait3A_71 = arith.constant 0 : i32
      %dma_wait3A_72 = tpu.memref_slice %arg3[%add3A_67, %dma_wait3A_71] : memref<6400x128xi32, #tpu.memory_space<hbm>> -> memref<10x128xi32, #tpu.memory_space<hbm>>
      %dma_wait3A_73 = arith.constant 0 : i32
      %dma_wait3A_74 = arith.constant 0 : i32
      %dma_wait3A_75 = tpu.memref_slice %arg7[%rem3A_60, %dma_wait3A_73, %dma_wait3A_74] : memref<4x10x128xi32, #tpu.memory_space<vmem>> -> memref<1x10x128xi32, #tpu.memory_space<vmem>>
      %dma_wait3A_76 = tpu.memref_squeeze %dma_wait3A_75 : memref<1x10x128xi32, #tpu.memory_space<vmem>> -> memref<10x128xi32, #tpu.memory_space<vmem>>
      %dma_wait3A_77 = arith.constant 0 : i32
      %dma_wait3A_78 = tpu.memref_slice %arg3[%add3A_67, %dma_wait3A_77] : memref<6400x128xi32, #tpu.memory_space<hbm>> -> memref<10x128xi32, #tpu.memory_space<hbm>>
      tpu.wait_dma2 semaphore(%arg11 : memref<!tpu.dma_semaphore, #tpu.memory_space<semaphore_mem>>) src(%dma_wait3A_78 : memref<10x128xi32, #tpu.memory_space<hbm>>) dst(%dma_wait3A_76 : memref<10x128xi32, #tpu.memory_space<vmem>>)
      %dma_wait3A_79 = arith.constant 0 : i32
      %dma_wait3A_80 = arith.constant 0 : i32
      %dma_wait3A_81 = tpu.memref_slice %arg8[%rem3A_60, %dma_wait3A_79, %dma_wait3A_80] : memref<4x10x128xi32, #tpu.memory_space<vmem>> -> memref<1x10x128xi32, #tpu.memory_space<vmem>>
      %dma_wait3A_82 = tpu.memref_squeeze %dma_wait3A_81 : memref<1x10x128xi32, #tpu.memory_space<vmem>> -> memref<10x128xi32, #tpu.memory_space<vmem>>
      %dma_wait3A_83 = arith.constant 0 : i32
      %dma_wait3A_84 = tpu.memref_slice %arg4[%add3A_67, %dma_wait3A_83] : memref<6400x128xi32, #tpu.memory_space<hbm>> -> memref<10x128xi32, #tpu.memory_space<hbm>>
      %dma_wait3A_85 = arith.constant 0 : i32
      %dma_wait3A_86 = arith.constant 0 : i32
      %dma_wait3A_87 = tpu.memref_slice %arg8[%rem3A_60, %dma_wait3A_85, %dma_wait3A_86] : memref<4x10x128xi32, #tpu.memory_space<vmem>> -> memref<1x10x128xi32, #tpu.memory_space<vmem>>
      %dma_wait3A_88 = tpu.memref_squeeze %dma_wait3A_87 : memref<1x10x128xi32, #tpu.memory_space<vmem>> -> memref<10x128xi32, #tpu.memory_space<vmem>>
      %dma_wait3A_89 = arith.constant 0 : i32
      %dma_wait3A_90 = tpu.memref_slice %arg4[%add3A_67, %dma_wait3A_89] : memref<6400x128xi32, #tpu.memory_space<hbm>> -> memref<10x128xi32, #tpu.memory_space<hbm>>
      tpu.wait_dma2 semaphore(%arg11 : memref<!tpu.dma_semaphore, #tpu.memory_space<semaphore_mem>>) src(%dma_wait3A_90 : memref<10x128xi32, #tpu.memory_space<hbm>>) dst(%dma_wait3A_88 : memref<10x128xi32, #tpu.memory_space<vmem>>)
      %ge3A_91 = arith.constant 2 : i32
      %ge3A_92 = arith.cmpi sge, %while3A_56, %ge3A_91 : i32
      %convert_element_type3A_93 = arith.extui %ge3A_92 : i1 to i32
      %cond3A_94 = arith.constant 0 : i32
      %cond3A_95 = arith.cmpi ne, %convert_element_type3A_93, %cond3A_94 : i32
      scf.if %cond3A_95 {
        %dma_wait3A_430 = arith.constant 0 : i32
        %dma_wait3A_431 = arith.constant 0 : i32
        %dma_wait3A_432 = arith.constant 0 : i32
        %dma_wait3A_433 = tpu.memref_slice %arg9[%rem3A_58, %dma_wait3A_431, %dma_wait3A_432] : memref<2x1280x16xf32, #tpu.memory_space<vmem>> -> memref<1x128x16xf32, #tpu.memory_space<vmem>>
        %dma_wait3A_434 = tpu.memref_squeeze %dma_wait3A_433 : memref<1x128x16xf32, #tpu.memory_space<vmem>> -> memref<128x16xf32, #tpu.memory_space<vmem>>
        %dma_wait3A_435 = arith.constant 0 : i32
        %dma_wait3A_436 = tpu.memref_slice %arg8[%rem3A_64, %dma_wait3A_430, %dma_wait3A_435] : memref<4x10x128xi32, #tpu.memory_space<vmem>> -> memref<1x1x128xi32, #tpu.memory_space<vmem>>
        %dma_wait3A_437 = tpu.memref_squeeze %dma_wait3A_436 : memref<1x1x128xi32, #tpu.memory_space<vmem>> -> memref<128xi32, #tpu.memory_space<vmem>>
        %dma_wait3A_438 = arith.constant 0 : i32
        %dma_wait3A_439 = arith.constant 0 : i32
        %dma_wait3A_440 = tpu.memref_slice %arg10[%dma_wait3A_438, %dma_wait3A_439] : memref<50048x16xf32, #tpu.memory_space<vmem_shared>> -> memref<50048x16xf32, #tpu.memory_space<vmem_shared>>
        tpu.wait_indirect_dma semaphore(%arg13 : memref<!tpu.dma_semaphore, #tpu.memory_space<semaphore_mem>>) src(%dma_wait3A_434 : memref<128x16xf32, #tpu.memory_space<vmem>>) dst(%dma_wait3A_440 : memref<50048x16xf32, #tpu.memory_space<vmem_shared>>)
        %dma_wait3A_441 = arith.constant 1 : i32
        %dma_wait3A_442 = arith.constant 128 : i32
        %dma_wait3A_443 = arith.constant 0 : i32
        %dma_wait3A_444 = tpu.memref_slice %arg9[%rem3A_58, %dma_wait3A_442, %dma_wait3A_443] : memref<2x1280x16xf32, #tpu.memory_space<vmem>> -> memref<1x128x16xf32, #tpu.memory_space<vmem>>
        %dma_wait3A_445 = tpu.memref_squeeze %dma_wait3A_444 : memref<1x128x16xf32, #tpu.memory_space<vmem>> -> memref<128x16xf32, #tpu.memory_space<vmem>>
        %dma_wait3A_446 = arith.constant 0 : i32
        %dma_wait3A_447 = tpu.memref_slice %arg8[%rem3A_64, %dma_wait3A_441, %dma_wait3A_446] : memref<4x10x128xi32, #tpu.memory_space<vmem>> -> memref<1x1x128xi32, #tpu.memory_space<vmem>>
        %dma_wait3A_448 = tpu.memref_squeeze %dma_wait3A_447 : memref<1x1x128xi32, #tpu.memory_space<vmem>> -> memref<128xi32, #tpu.memory_space<vmem>>
        %dma_wait3A_449 = arith.constant 0 : i32
        %dma_wait3A_450 = arith.constant 0 : i32
        %dma_wait3A_451 = tpu.memref_slice %arg10[%dma_wait3A_449, %dma_wait3A_450] : memref<50048x16xf32, #tpu.memory_space<vmem_shared>> -> memref<50048x16xf32, #tpu.memory_space<vmem_shared>>
        tpu.wait_indirect_dma semaphore(%arg13 : memref<!tpu.dma_semaphore, #tpu.memory_space<semaphore_mem>>) src(%dma_wait3A_445 : memref<128x16xf32, #tpu.memory_space<vmem>>) dst(%dma_wait3A_451 : memref<50048x16xf32, #tpu.memory_space<vmem_shared>>)
        %dma_wait3A_452 = arith.constant 2 : i32
        %dma_wait3A_453 = arith.constant 256 : i32
        %dma_wait3A_454 = arith.constant 0 : i32
        %dma_wait3A_455 = tpu.memref_slice %arg9[%rem3A_58, %dma_wait3A_453, %dma_wait3A_454] : memref<2x1280x16xf32, #tpu.memory_space<vmem>> -> memref<1x128x16xf32, #tpu.memory_space<vmem>>
        %dma_wait3A_456 = tpu.memref_squeeze %dma_wait3A_455 : memref<1x128x16xf32, #tpu.memory_space<vmem>> -> memref<128x16xf32, #tpu.memory_space<vmem>>
        %dma_wait3A_457 = arith.constant 0 : i32
        %dma_wait3A_458 = tpu.memref_slice %arg8[%rem3A_64, %dma_wait3A_452, %dma_wait3A_457] : memref<4x10x128xi32, #tpu.memory_space<vmem>> -> memref<1x1x128xi32, #tpu.memory_space<vmem>>
        %dma_wait3A_459 = tpu.memref_squeeze %dma_wait3A_458 : memref<1x1x128xi32, #tpu.memory_space<vmem>> -> memref<128xi32, #tpu.memory_space<vmem>>
        %dma_wait3A_460 = arith.constant 0 : i32
        %dma_wait3A_461 = arith.constant 0 : i32
        %dma_wait3A_462 = tpu.memref_slice %arg10[%dma_wait3A_460, %dma_wait3A_461] : memref<50048x16xf32, #tpu.memory_space<vmem_shared>> -> memref<50048x16xf32, #tpu.memory_space<vmem_shared>>
        tpu.wait_indirect_dma semaphore(%arg13 : memref<!tpu.dma_semaphore, #tpu.memory_space<semaphore_mem>>) src(%dma_wait3A_456 : memref<128x16xf32, #tpu.memory_space<vmem>>) dst(%dma_wait3A_462 : memref<50048x16xf32, #tpu.memory_space<vmem_shared>>)
        %dma_wait3A_463 = arith.constant 3 : i32
        %dma_wait3A_464 = arith.constant 384 : i32
        %dma_wait3A_465 = arith.constant 0 : i32
        %dma_wait3A_466 = tpu.memref_slice %arg9[%rem3A_58, %dma_wait3A_464, %dma_wait3A_465] : memref<2x1280x16xf32, #tpu.memory_space<vmem>> -> memref<1x128x16xf32, #tpu.memory_space<vmem>>
        %dma_wait3A_467 = tpu.memref_squeeze %dma_wait3A_466 : memref<1x128x16xf32, #tpu.memory_space<vmem>> -> memref<128x16xf32, #tpu.memory_space<vmem>>
        %dma_wait3A_468 = arith.constant 0 : i32
        %dma_wait3A_469 = tpu.memref_slice %arg8[%rem3A_64, %dma_wait3A_463, %dma_wait3A_468] : memref<4x10x128xi32, #tpu.memory_space<vmem>> -> memref<1x1x128xi32, #tpu.memory_space<vmem>>
        %dma_wait3A_470 = tpu.memref_squeeze %dma_wait3A_469 : memref<1x1x128xi32, #tpu.memory_space<vmem>> -> memref<128xi32, #tpu.memory_space<vmem>>
        %dma_wait3A_471 = arith.constant 0 : i32
        %dma_wait3A_472 = arith.constant 0 : i32
        %dma_wait3A_473 = tpu.memref_slice %arg10[%dma_wait3A_471, %dma_wait3A_472] : memref<50048x16xf32, #tpu.memory_space<vmem_shared>> -> memref<50048x16xf32, #tpu.memory_space<vmem_shared>>
        tpu.wait_indirect_dma semaphore(%arg13 : memref<!tpu.dma_semaphore, #tpu.memory_space<semaphore_mem>>) src(%dma_wait3A_467 : memref<128x16xf32, #tpu.memory_space<vmem>>) dst(%dma_wait3A_473 : memref<50048x16xf32, #tpu.memory_space<vmem_shared>>)
        %dma_wait3A_474 = arith.constant 4 : i32
        %dma_wait3A_475 = arith.constant 512 : i32
        %dma_wait3A_476 = arith.constant 0 : i32
        %dma_wait3A_477 = tpu.memref_slice %arg9[%rem3A_58, %dma_wait3A_475, %dma_wait3A_476] : memref<2x1280x16xf32, #tpu.memory_space<vmem>> -> memref<1x128x16xf32, #tpu.memory_space<vmem>>
        %dma_wait3A_478 = tpu.memref_squeeze %dma_wait3A_477 : memref<1x128x16xf32, #tpu.memory_space<vmem>> -> memref<128x16xf32, #tpu.memory_space<vmem>>
        %dma_wait3A_479 = arith.constant 0 : i32
        %dma_wait3A_480 = tpu.memref_slice %arg8[%rem3A_64, %dma_wait3A_474, %dma_wait3A_479] : memref<4x10x128xi32, #tpu.memory_space<vmem>> -> memref<1x1x128xi32, #tpu.memory_space<vmem>>
        %dma_wait3A_481 = tpu.memref_squeeze %dma_wait3A_480 : memref<1x1x128xi32, #tpu.memory_space<vmem>> -> memref<128xi32, #tpu.memory_space<vmem>>
        %dma_wait3A_482 = arith.constant 0 : i32
        %dma_wait3A_483 = arith.constant 0 : i32
        %dma_wait3A_484 = tpu.memref_slice %arg10[%dma_wait3A_482, %dma_wait3A_483] : memref<50048x16xf32, #tpu.memory_space<vmem_shared>> -> memref<50048x16xf32, #tpu.memory_space<vmem_shared>>
        tpu.wait_indirect_dma semaphore(%arg13 : memref<!tpu.dma_semaphore, #tpu.memory_space<semaphore_mem>>) src(%dma_wait3A_478 : memref<128x16xf32, #tpu.memory_space<vmem>>) dst(%dma_wait3A_484 : memref<50048x16xf32, #tpu.memory_space<vmem_shared>>)
        %dma_wait3A_485 = arith.constant 5 : i32
        %dma_wait3A_486 = arith.constant 640 : i32
        %dma_wait3A_487 = arith.constant 0 : i32
        %dma_wait3A_488 = tpu.memref_slice %arg9[%rem3A_58, %dma_wait3A_486, %dma_wait3A_487] : memref<2x1280x16xf32, #tpu.memory_space<vmem>> -> memref<1x128x16xf32, #tpu.memory_space<vmem>>
        %dma_wait3A_489 = tpu.memref_squeeze %dma_wait3A_488 : memref<1x128x16xf32, #tpu.memory_space<vmem>> -> memref<128x16xf32, #tpu.memory_space<vmem>>
        %dma_wait3A_490 = arith.constant 0 : i32
        %dma_wait3A_491 = tpu.memref_slice %arg8[%rem3A_64, %dma_wait3A_485, %dma_wait3A_490] : memref<4x10x128xi32, #tpu.memory_space<vmem>> -> memref<1x1x128xi32, #tpu.memory_space<vmem>>
        %dma_wait3A_492 = tpu.memref_squeeze %dma_wait3A_491 : memref<1x1x128xi32, #tpu.memory_space<vmem>> -> memref<128xi32, #tpu.memory_space<vmem>>
        %dma_wait3A_493 = arith.constant 0 : i32
        %dma_wait3A_494 = arith.constant 0 : i32
        %dma_wait3A_495 = tpu.memref_slice %arg10[%dma_wait3A_493, %dma_wait3A_494] : memref<50048x16xf32, #tpu.memory_space<vmem_shared>> -> memref<50048x16xf32, #tpu.memory_space<vmem_shared>>
        tpu.wait_indirect_dma semaphore(%arg13 : memref<!tpu.dma_semaphore, #tpu.memory_space<semaphore_mem>>) src(%dma_wait3A_489 : memref<128x16xf32, #tpu.memory_space<vmem>>) dst(%dma_wait3A_495 : memref<50048x16xf32, #tpu.memory_space<vmem_shared>>)
        %dma_wait3A_496 = arith.constant 6 : i32
        %dma_wait3A_497 = arith.constant 768 : i32
        %dma_wait3A_498 = arith.constant 0 : i32
        %dma_wait3A_499 = tpu.memref_slice %arg9[%rem3A_58, %dma_wait3A_497, %dma_wait3A_498] : memref<2x1280x16xf32, #tpu.memory_space<vmem>> -> memref<1x128x16xf32, #tpu.memory_space<vmem>>
        %dma_wait3A_500 = tpu.memref_squeeze %dma_wait3A_499 : memref<1x128x16xf32, #tpu.memory_space<vmem>> -> memref<128x16xf32, #tpu.memory_space<vmem>>
        %dma_wait3A_501 = arith.constant 0 : i32
        %dma_wait3A_502 = tpu.memref_slice %arg8[%rem3A_64, %dma_wait3A_496, %dma_wait3A_501] : memref<4x10x128xi32, #tpu.memory_space<vmem>> -> memref<1x1x128xi32, #tpu.memory_space<vmem>>
        %dma_wait3A_503 = tpu.memref_squeeze %dma_wait3A_502 : memref<1x1x128xi32, #tpu.memory_space<vmem>> -> memref<128xi32, #tpu.memory_space<vmem>>
        %dma_wait3A_504 = arith.constant 0 : i32
        %dma_wait3A_505 = arith.constant 0 : i32
        %dma_wait3A_506 = tpu.memref_slice %arg10[%dma_wait3A_504, %dma_wait3A_505] : memref<50048x16xf32, #tpu.memory_space<vmem_shared>> -> memref<50048x16xf32, #tpu.memory_space<vmem_shared>>
        tpu.wait_indirect_dma semaphore(%arg13 : memref<!tpu.dma_semaphore, #tpu.memory_space<semaphore_mem>>) src(%dma_wait3A_500 : memref<128x16xf32, #tpu.memory_space<vmem>>) dst(%dma_wait3A_506 : memref<50048x16xf32, #tpu.memory_space<vmem_shared>>)
        %dma_wait3A_507 = arith.constant 7 : i32
        %dma_wait3A_508 = arith.constant 896 : i32
        %dma_wait3A_509 = arith.constant 0 : i32
        %dma_wait3A_510 = tpu.memref_slice %arg9[%rem3A_58, %dma_wait3A_508, %dma_wait3A_509] : memref<2x1280x16xf32, #tpu.memory_space<vmem>> -> memref<1x128x16xf32, #tpu.memory_space<vmem>>
        %dma_wait3A_511 = tpu.memref_squeeze %dma_wait3A_510 : memref<1x128x16xf32, #tpu.memory_space<vmem>> -> memref<128x16xf32, #tpu.memory_space<vmem>>
        %dma_wait3A_512 = arith.constant 0 : i32
        %dma_wait3A_513 = tpu.memref_slice %arg8[%rem3A_64, %dma_wait3A_507, %dma_wait3A_512] : memref<4x10x128xi32, #tpu.memory_space<vmem>> -> memref<1x1x128xi32, #tpu.memory_space<vmem>>
        %dma_wait3A_514 = tpu.memref_squeeze %dma_wait3A_513 : memref<1x1x128xi32, #tpu.memory_space<vmem>> -> memref<128xi32, #tpu.memory_space<vmem>>
        %dma_wait3A_515 = arith.constant 0 : i32
        %dma_wait3A_516 = arith.constant 0 : i32
        %dma_wait3A_517 = tpu.memref_slice %arg10[%dma_wait3A_515, %dma_wait3A_516] : memref<50048x16xf32, #tpu.memory_space<vmem_shared>> -> memref<50048x16xf32, #tpu.memory_space<vmem_shared>>
        tpu.wait_indirect_dma semaphore(%arg13 : memref<!tpu.dma_semaphore, #tpu.memory_space<semaphore_mem>>) src(%dma_wait3A_511 : memref<128x16xf32, #tpu.memory_space<vmem>>) dst(%dma_wait3A_517 : memref<50048x16xf32, #tpu.memory_space<vmem_shared>>)
        %dma_wait3A_518 = arith.constant 8 : i32
        %dma_wait3A_519 = arith.constant 1024 : i32
        %dma_wait3A_520 = arith.constant 0 : i32
        %dma_wait3A_521 = tpu.memref_slice %arg9[%rem3A_58, %dma_wait3A_519, %dma_wait3A_520] : memref<2x1280x16xf32, #tpu.memory_space<vmem>> -> memref<1x128x16xf32, #tpu.memory_space<vmem>>
        %dma_wait3A_522 = tpu.memref_squeeze %dma_wait3A_521 : memref<1x128x16xf32, #tpu.memory_space<vmem>> -> memref<128x16xf32, #tpu.memory_space<vmem>>
        %dma_wait3A_523 = arith.constant 0 : i32
        %dma_wait3A_524 = tpu.memref_slice %arg8[%rem3A_64, %dma_wait3A_518, %dma_wait3A_523] : memref<4x10x128xi32, #tpu.memory_space<vmem>> -> memref<1x1x128xi32, #tpu.memory_space<vmem>>
        %dma_wait3A_525 = tpu.memref_squeeze %dma_wait3A_524 : memref<1x1x128xi32, #tpu.memory_space<vmem>> -> memref<128xi32, #tpu.memory_space<vmem>>
        %dma_wait3A_526 = arith.constant 0 : i32
        %dma_wait3A_527 = arith.constant 0 : i32
        %dma_wait3A_528 = tpu.memref_slice %arg10[%dma_wait3A_526, %dma_wait3A_527] : memref<50048x16xf32, #tpu.memory_space<vmem_shared>> -> memref<50048x16xf32, #tpu.memory_space<vmem_shared>>
        tpu.wait_indirect_dma semaphore(%arg13 : memref<!tpu.dma_semaphore, #tpu.memory_space<semaphore_mem>>) src(%dma_wait3A_522 : memref<128x16xf32, #tpu.memory_space<vmem>>) dst(%dma_wait3A_528 : memref<50048x16xf32, #tpu.memory_space<vmem_shared>>)
        %dma_wait3A_529 = arith.constant 9 : i32
        %dma_wait3A_530 = arith.constant 1152 : i32
        %dma_wait3A_531 = arith.constant 0 : i32
        %dma_wait3A_532 = tpu.memref_slice %arg9[%rem3A_58, %dma_wait3A_530, %dma_wait3A_531] : memref<2x1280x16xf32, #tpu.memory_space<vmem>> -> memref<1x128x16xf32, #tpu.memory_space<vmem>>
        %dma_wait3A_533 = tpu.memref_squeeze %dma_wait3A_532 : memref<1x128x16xf32, #tpu.memory_space<vmem>> -> memref<128x16xf32, #tpu.memory_space<vmem>>
        %dma_wait3A_534 = arith.constant 0 : i32
        %dma_wait3A_535 = tpu.memref_slice %arg8[%rem3A_64, %dma_wait3A_529, %dma_wait3A_534] : memref<4x10x128xi32, #tpu.memory_space<vmem>> -> memref<1x1x128xi32, #tpu.memory_space<vmem>>
        %dma_wait3A_536 = tpu.memref_squeeze %dma_wait3A_535 : memref<1x1x128xi32, #tpu.memory_space<vmem>> -> memref<128xi32, #tpu.memory_space<vmem>>
        %dma_wait3A_537 = arith.constant 0 : i32
        %dma_wait3A_538 = arith.constant 0 : i32
        %dma_wait3A_539 = tpu.memref_slice %arg10[%dma_wait3A_537, %dma_wait3A_538] : memref<50048x16xf32, #tpu.memory_space<vmem_shared>> -> memref<50048x16xf32, #tpu.memory_space<vmem_shared>>
        tpu.wait_indirect_dma semaphore(%arg13 : memref<!tpu.dma_semaphore, #tpu.memory_space<semaphore_mem>>) src(%dma_wait3A_533 : memref<128x16xf32, #tpu.memory_space<vmem>>) dst(%dma_wait3A_539 : memref<50048x16xf32, #tpu.memory_space<vmem_shared>>)
      } else {
      }
      %dma_start3A = arith.constant 0 : i32
      %dma_start3A_96 = arith.constant 0 : i32
      %dma_start3A_97 = arith.constant 0 : i32
      %dma_start3A_98 = tpu.memref_slice %arg9[%rem3A_58, %dma_start3A_96, %dma_start3A_97] : memref<2x1280x16xf32, #tpu.memory_space<vmem>> -> memref<1x128x16xf32, #tpu.memory_space<vmem>>
      %dma_start3A_99 = tpu.memref_squeeze %dma_start3A_98 : memref<1x128x16xf32, #tpu.memory_space<vmem>> -> memref<128x16xf32, #tpu.memory_space<vmem>>
      %dma_start3A_100 = arith.constant 0 : i32
      %dma_start3A_101 = tpu.memref_slice %arg7[%rem3A_60, %dma_start3A, %dma_start3A_100] : memref<4x10x128xi32, #tpu.memory_space<vmem>> -> memref<1x1x128xi32, #tpu.memory_space<vmem>>
      %dma_start3A_102 = tpu.memref_squeeze %dma_start3A_101 : memref<1x1x128xi32, #tpu.memory_space<vmem>> -> memref<128xi32, #tpu.memory_space<vmem>>
      %dma_start3A_103 = arith.constant 0 : i32
      %dma_start3A_104 = arith.constant 0 : i32
      %dma_start3A_105 = tpu.memref_slice %arg5[%dma_start3A_103, %dma_start3A_104] : memref<400000x16xf32, #tpu.memory_space<hbm>> -> memref<400000x16xf32, #tpu.memory_space<hbm>>
      tpu.enqueue_indirect_dma source(%dma_start3A_105 : memref<400000x16xf32, #tpu.memory_space<hbm>>) target(%dma_start3A_99 : memref<128x16xf32, #tpu.memory_space<vmem>>) offsets(%dma_start3A_102 : memref<128xi32, #tpu.memory_space<vmem>>) semaphore(%arg12 : memref<!tpu.dma_semaphore, #tpu.memory_space<semaphore_mem>>)
      %dma_start3A_106 = arith.constant 1 : i32
      %dma_start3A_107 = arith.constant 128 : i32
      %dma_start3A_108 = arith.constant 0 : i32
      %dma_start3A_109 = tpu.memref_slice %arg9[%rem3A_58, %dma_start3A_107, %dma_start3A_108] : memref<2x1280x16xf32, #tpu.memory_space<vmem>> -> memref<1x128x16xf32, #tpu.memory_space<vmem>>
      %dma_start3A_110 = tpu.memref_squeeze %dma_start3A_109 : memref<1x128x16xf32, #tpu.memory_space<vmem>> -> memref<128x16xf32, #tpu.memory_space<vmem>>
      %dma_start3A_111 = arith.constant 0 : i32
      %dma_start3A_112 = tpu.memref_slice %arg7[%rem3A_60, %dma_start3A_106, %dma_start3A_111] : memref<4x10x128xi32, #tpu.memory_space<vmem>> -> memref<1x1x128xi32, #tpu.memory_space<vmem>>
      %dma_start3A_113 = tpu.memref_squeeze %dma_start3A_112 : memref<1x1x128xi32, #tpu.memory_space<vmem>> -> memref<128xi32, #tpu.memory_space<vmem>>
      %dma_start3A_114 = arith.constant 0 : i32
      %dma_start3A_115 = arith.constant 0 : i32
      %dma_start3A_116 = tpu.memref_slice %arg5[%dma_start3A_114, %dma_start3A_115] : memref<400000x16xf32, #tpu.memory_space<hbm>> -> memref<400000x16xf32, #tpu.memory_space<hbm>>
      tpu.enqueue_indirect_dma source(%dma_start3A_116 : memref<400000x16xf32, #tpu.memory_space<hbm>>) target(%dma_start3A_110 : memref<128x16xf32, #tpu.memory_space<vmem>>) offsets(%dma_start3A_113 : memref<128xi32, #tpu.memory_space<vmem>>) semaphore(%arg12 : memref<!tpu.dma_semaphore, #tpu.memory_space<semaphore_mem>>)
      %dma_start3A_117 = arith.constant 2 : i32
      %dma_start3A_118 = arith.constant 256 : i32
      %dma_start3A_119 = arith.constant 0 : i32
      %dma_start3A_120 = tpu.memref_slice %arg9[%rem3A_58, %dma_start3A_118, %dma_start3A_119] : memref<2x1280x16xf32, #tpu.memory_space<vmem>> -> memref<1x128x16xf32, #tpu.memory_space<vmem>>
      %dma_start3A_121 = tpu.memref_squeeze %dma_start3A_120 : memref<1x128x16xf32, #tpu.memory_space<vmem>> -> memref<128x16xf32, #tpu.memory_space<vmem>>
      %dma_start3A_122 = arith.constant 0 : i32
      %dma_start3A_123 = tpu.memref_slice %arg7[%rem3A_60, %dma_start3A_117, %dma_start3A_122] : memref<4x10x128xi32, #tpu.memory_space<vmem>> -> memref<1x1x128xi32, #tpu.memory_space<vmem>>
      %dma_start3A_124 = tpu.memref_squeeze %dma_start3A_123 : memref<1x1x128xi32, #tpu.memory_space<vmem>> -> memref<128xi32, #tpu.memory_space<vmem>>
      %dma_start3A_125 = arith.constant 0 : i32
      %dma_start3A_126 = arith.constant 0 : i32
      %dma_start3A_127 = tpu.memref_slice %arg5[%dma_start3A_125, %dma_start3A_126] : memref<400000x16xf32, #tpu.memory_space<hbm>> -> memref<400000x16xf32, #tpu.memory_space<hbm>>
      tpu.enqueue_indirect_dma source(%dma_start3A_127 : memref<400000x16xf32, #tpu.memory_space<hbm>>) target(%dma_start3A_121 : memref<128x16xf32, #tpu.memory_space<vmem>>) offsets(%dma_start3A_124 : memref<128xi32, #tpu.memory_space<vmem>>) semaphore(%arg12 : memref<!tpu.dma_semaphore, #tpu.memory_space<semaphore_mem>>)
      %dma_start3A_128 = arith.constant 3 : i32
      %dma_start3A_129 = arith.constant 384 : i32
      %dma_start3A_130 = arith.constant 0 : i32
      %dma_start3A_131 = tpu.memref_slice %arg9[%rem3A_58, %dma_start3A_129, %dma_start3A_130] : memref<2x1280x16xf32, #tpu.memory_space<vmem>> -> memref<1x128x16xf32, #tpu.memory_space<vmem>>
      %dma_start3A_132 = tpu.memref_squeeze %dma_start3A_131 : memref<1x128x16xf32, #tpu.memory_space<vmem>> -> memref<128x16xf32, #tpu.memory_space<vmem>>
      %dma_start3A_133 = arith.constant 0 : i32
      %dma_start3A_134 = tpu.memref_slice %arg7[%rem3A_60, %dma_start3A_128, %dma_start3A_133] : memref<4x10x128xi32, #tpu.memory_space<vmem>> -> memref<1x1x128xi32, #tpu.memory_space<vmem>>
      %dma_start3A_135 = tpu.memref_squeeze %dma_start3A_134 : memref<1x1x128xi32, #tpu.memory_space<vmem>> -> memref<128xi32, #tpu.memory_space<vmem>>
      %dma_start3A_136 = arith.constant 0 : i32
      %dma_start3A_137 = arith.constant 0 : i32
      %dma_start3A_138 = tpu.memref_slice %arg5[%dma_start3A_136, %dma_start3A_137] : memref<400000x16xf32, #tpu.memory_space<hbm>> -> memref<400000x16xf32, #tpu.memory_space<hbm>>
      tpu.enqueue_indirect_dma source(%dma_start3A_138 : memref<400000x16xf32, #tpu.memory_space<hbm>>) target(%dma_start3A_132 : memref<128x16xf32, #tpu.memory_space<vmem>>) offsets(%dma_start3A_135 : memref<128xi32, #tpu.memory_space<vmem>>) semaphore(%arg12 : memref<!tpu.dma_semaphore, #tpu.memory_space<semaphore_mem>>)
      %dma_start3A_139 = arith.constant 4 : i32
      %dma_start3A_140 = arith.constant 512 : i32
      %dma_start3A_141 = arith.constant 0 : i32
      %dma_start3A_142 = tpu.memref_slice %arg9[%rem3A_58, %dma_start3A_140, %dma_start3A_141] : memref<2x1280x16xf32, #tpu.memory_space<vmem>> -> memref<1x128x16xf32, #tpu.memory_space<vmem>>
      %dma_start3A_143 = tpu.memref_squeeze %dma_start3A_142 : memref<1x128x16xf32, #tpu.memory_space<vmem>> -> memref<128x16xf32, #tpu.memory_space<vmem>>
      %dma_start3A_144 = arith.constant 0 : i32
      %dma_start3A_145 = tpu.memref_slice %arg7[%rem3A_60, %dma_start3A_139, %dma_start3A_144] : memref<4x10x128xi32, #tpu.memory_space<vmem>> -> memref<1x1x128xi32, #tpu.memory_space<vmem>>
      %dma_start3A_146 = tpu.memref_squeeze %dma_start3A_145 : memref<1x1x128xi32, #tpu.memory_space<vmem>> -> memref<128xi32, #tpu.memory_space<vmem>>
      %dma_start3A_147 = arith.constant 0 : i32
      %dma_start3A_148 = arith.constant 0 : i32
      %dma_start3A_149 = tpu.memref_slice %arg5[%dma_start3A_147, %dma_start3A_148] : memref<400000x16xf32, #tpu.memory_space<hbm>> -> memref<400000x16xf32, #tpu.memory_space<hbm>>
      tpu.enqueue_indirect_dma source(%dma_start3A_149 : memref<400000x16xf32, #tpu.memory_space<hbm>>) target(%dma_start3A_143 : memref<128x16xf32, #tpu.memory_space<vmem>>) offsets(%dma_start3A_146 : memref<128xi32, #tpu.memory_space<vmem>>) semaphore(%arg12 : memref<!tpu.dma_semaphore, #tpu.memory_space<semaphore_mem>>)
      %dma_start3A_150 = arith.constant 5 : i32
      %dma_start3A_151 = arith.constant 640 : i32
      %dma_start3A_152 = arith.constant 0 : i32
      %dma_start3A_153 = tpu.memref_slice %arg9[%rem3A_58, %dma_start3A_151, %dma_start3A_152] : memref<2x1280x16xf32, #tpu.memory_space<vmem>> -> memref<1x128x16xf32, #tpu.memory_space<vmem>>
      %dma_start3A_154 = tpu.memref_squeeze %dma_start3A_153 : memref<1x128x16xf32, #tpu.memory_space<vmem>> -> memref<128x16xf32, #tpu.memory_space<vmem>>
      %dma_start3A_155 = arith.constant 0 : i32
      %dma_start3A_156 = tpu.memref_slice %arg7[%rem3A_60, %dma_start3A_150, %dma_start3A_155] : memref<4x10x128xi32, #tpu.memory_space<vmem>> -> memref<1x1x128xi32, #tpu.memory_space<vmem>>
      %dma_start3A_157 = tpu.memref_squeeze %dma_start3A_156 : memref<1x1x128xi32, #tpu.memory_space<vmem>> -> memref<128xi32, #tpu.memory_space<vmem>>
      %dma_start3A_158 = arith.constant 0 : i32
      %dma_start3A_159 = arith.constant 0 : i32
      %dma_start3A_160 = tpu.memref_slice %arg5[%dma_start3A_158, %dma_start3A_159] : memref<400000x16xf32, #tpu.memory_space<hbm>> -> memref<400000x16xf32, #tpu.memory_space<hbm>>
      tpu.enqueue_indirect_dma source(%dma_start3A_160 : memref<400000x16xf32, #tpu.memory_space<hbm>>) target(%dma_start3A_154 : memref<128x16xf32, #tpu.memory_space<vmem>>) offsets(%dma_start3A_157 : memref<128xi32, #tpu.memory_space<vmem>>) semaphore(%arg12 : memref<!tpu.dma_semaphore, #tpu.memory_space<semaphore_mem>>)
      %dma_start3A_161 = arith.constant 6 : i32
      %dma_start3A_162 = arith.constant 768 : i32
      %dma_start3A_163 = arith.constant 0 : i32
      %dma_start3A_164 = tpu.memref_slice %arg9[%rem3A_58, %dma_start3A_162, %dma_start3A_163] : memref<2x1280x16xf32, #tpu.memory_space<vmem>> -> memref<1x128x16xf32, #tpu.memory_space<vmem>>
      %dma_start3A_165 = tpu.memref_squeeze %dma_start3A_164 : memref<1x128x16xf32, #tpu.memory_space<vmem>> -> memref<128x16xf32, #tpu.memory_space<vmem>>
      %dma_start3A_166 = arith.constant 0 : i32
      %dma_start3A_167 = tpu.memref_slice %arg7[%rem3A_60, %dma_start3A_161, %dma_start3A_166] : memref<4x10x128xi32, #tpu.memory_space<vmem>> -> memref<1x1x128xi32, #tpu.memory_space<vmem>>
      %dma_start3A_168 = tpu.memref_squeeze %dma_start3A_167 : memref<1x1x128xi32, #tpu.memory_space<vmem>> -> memref<128xi32, #tpu.memory_space<vmem>>
      %dma_start3A_169 = arith.constant 0 : i32
      %dma_start3A_170 = arith.constant 0 : i32
      %dma_start3A_171 = tpu.memref_slice %arg5[%dma_start3A_169, %dma_start3A_170] : memref<400000x16xf32, #tpu.memory_space<hbm>> -> memref<400000x16xf32, #tpu.memory_space<hbm>>
      tpu.enqueue_indirect_dma source(%dma_start3A_171 : memref<400000x16xf32, #tpu.memory_space<hbm>>) target(%dma_start3A_165 : memref<128x16xf32, #tpu.memory_space<vmem>>) offsets(%dma_start3A_168 : memref<128xi32, #tpu.memory_space<vmem>>) semaphore(%arg12 : memref<!tpu.dma_semaphore, #tpu.memory_space<semaphore_mem>>)
      %dma_start3A_172 = arith.constant 7 : i32
      %dma_start3A_173 = arith.constant 896 : i32
      %dma_start3A_174 = arith.constant 0 : i32
      %dma_start3A_175 = tpu.memref_slice %arg9[%rem3A_58, %dma_start3A_173, %dma_start3A_174] : memref<2x1280x16xf32, #tpu.memory_space<vmem>> -> memref<1x128x16xf32, #tpu.memory_space<vmem>>
      %dma_start3A_176 = tpu.memref_squeeze %dma_start3A_175 : memref<1x128x16xf32, #tpu.memory_space<vmem>> -> memref<128x16xf32, #tpu.memory_space<vmem>>
      %dma_start3A_177 = arith.constant 0 : i32
      %dma_start3A_178 = tpu.memref_slice %arg7[%rem3A_60, %dma_start3A_172, %dma_start3A_177] : memref<4x10x128xi32, #tpu.memory_space<vmem>> -> memref<1x1x128xi32, #tpu.memory_space<vmem>>
      %dma_start3A_179 = tpu.memref_squeeze %dma_start3A_178 : memref<1x1x128xi32, #tpu.memory_space<vmem>> -> memref<128xi32, #tpu.memory_space<vmem>>
      %dma_start3A_180 = arith.constant 0 : i32
      %dma_start3A_181 = arith.constant 0 : i32
      %dma_start3A_182 = tpu.memref_slice %arg5[%dma_start3A_180, %dma_start3A_181] : memref<400000x16xf32, #tpu.memory_space<hbm>> -> memref<400000x16xf32, #tpu.memory_space<hbm>>
      tpu.enqueue_indirect_dma source(%dma_start3A_182 : memref<400000x16xf32, #tpu.memory_space<hbm>>) target(%dma_start3A_176 : memref<128x16xf32, #tpu.memory_space<vmem>>) offsets(%dma_start3A_179 : memref<128xi32, #tpu.memory_space<vmem>>) semaphore(%arg12 : memref<!tpu.dma_semaphore, #tpu.memory_space<semaphore_mem>>)
      %dma_start3A_183 = arith.constant 8 : i32
      %dma_start3A_184 = arith.constant 1024 : i32
      %dma_start3A_185 = arith.constant 0 : i32
      %dma_start3A_186 = tpu.memref_slice %arg9[%rem3A_58, %dma_start3A_184, %dma_start3A_185] : memref<2x1280x16xf32, #tpu.memory_space<vmem>> -> memref<1x128x16xf32, #tpu.memory_space<vmem>>
      %dma_start3A_187 = tpu.memref_squeeze %dma_start3A_186 : memref<1x128x16xf32, #tpu.memory_space<vmem>> -> memref<128x16xf32, #tpu.memory_space<vmem>>
      %dma_start3A_188 = arith.constant 0 : i32
      %dma_start3A_189 = tpu.memref_slice %arg7[%rem3A_60, %dma_start3A_183, %dma_start3A_188] : memref<4x10x128xi32, #tpu.memory_space<vmem>> -> memref<1x1x128xi32, #tpu.memory_space<vmem>>
      %dma_start3A_190 = tpu.memref_squeeze %dma_start3A_189 : memref<1x1x128xi32, #tpu.memory_space<vmem>> -> memref<128xi32, #tpu.memory_space<vmem>>
      %dma_start3A_191 = arith.constant 0 : i32
      %dma_start3A_192 = arith.constant 0 : i32
      %dma_start3A_193 = tpu.memref_slice %arg5[%dma_start3A_191, %dma_start3A_192] : memref<400000x16xf32, #tpu.memory_space<hbm>> -> memref<400000x16xf32, #tpu.memory_space<hbm>>
      tpu.enqueue_indirect_dma source(%dma_start3A_193 : memref<400000x16xf32, #tpu.memory_space<hbm>>) target(%dma_start3A_187 : memref<128x16xf32, #tpu.memory_space<vmem>>) offsets(%dma_start3A_190 : memref<128xi32, #tpu.memory_space<vmem>>) semaphore(%arg12 : memref<!tpu.dma_semaphore, #tpu.memory_space<semaphore_mem>>)
      %dma_start3A_194 = arith.constant 9 : i32
      %dma_start3A_195 = arith.constant 1152 : i32
      %dma_start3A_196 = arith.constant 0 : i32
      %dma_start3A_197 = tpu.memref_slice %arg9[%rem3A_58, %dma_start3A_195, %dma_start3A_196] : memref<2x1280x16xf32, #tpu.memory_space<vmem>> -> memref<1x128x16xf32, #tpu.memory_space<vmem>>
      %dma_start3A_198 = tpu.memref_squeeze %dma_start3A_197 : memref<1x128x16xf32, #tpu.memory_space<vmem>> -> memref<128x16xf32, #tpu.memory_space<vmem>>
      %dma_start3A_199 = arith.constant 0 : i32
      %dma_start3A_200 = tpu.memref_slice %arg7[%rem3A_60, %dma_start3A_194, %dma_start3A_199] : memref<4x10x128xi32, #tpu.memory_space<vmem>> -> memref<1x1x128xi32, #tpu.memory_space<vmem>>
      %dma_start3A_201 = tpu.memref_squeeze %dma_start3A_200 : memref<1x1x128xi32, #tpu.memory_space<vmem>> -> memref<128xi32, #tpu.memory_space<vmem>>
      %dma_start3A_202 = arith.constant 0 : i32
      %dma_start3A_203 = arith.constant 0 : i32
      %dma_start3A_204 = tpu.memref_slice %arg5[%dma_start3A_202, %dma_start3A_203] : memref<400000x16xf32, #tpu.memory_space<hbm>> -> memref<400000x16xf32, #tpu.memory_space<hbm>>
      tpu.enqueue_indirect_dma source(%dma_start3A_204 : memref<400000x16xf32, #tpu.memory_space<hbm>>) target(%dma_start3A_198 : memref<128x16xf32, #tpu.memory_space<vmem>>) offsets(%dma_start3A_201 : memref<128xi32, #tpu.memory_space<vmem>>) semaphore(%arg12 : memref<!tpu.dma_semaphore, #tpu.memory_space<semaphore_mem>>)
      %sub3A_205 = arith.constant 2 : i32
      %sub3A_206 = arith.subi %select_n3A_19, %sub3A_205 : i32
      %lt3A = arith.cmpi slt, %while3A_56, %sub3A_206 : i32
      %convert_element_type3A_207 = arith.extui %lt3A : i1 to i32
      %cond3A_208 = arith.constant 0 : i32
      %cond3A_209 = arith.cmpi ne, %convert_element_type3A_207, %cond3A_208 : i32
      scf.if %cond3A_209 {
        %add3A_430 = arith.constant 2 : i32
        %add3A_431 = arith.addi %while3A_56, %add3A_430 : i32
        %mul3A_432 = arith.constant 10 : i32
        %mul3A_433 = arith.muli %add3A_431, %mul3A_432 : i32
        %add3A_434 = arith.addi %add3A, %mul3A_433 : i32
        %dma_start3A_435 = arith.constant 0 : i32
        %dma_start3A_436 = arith.constant 0 : i32
        %dma_start3A_437 = tpu.memref_slice %arg7[%rem3A_64, %dma_start3A_435, %dma_start3A_436] : memref<4x10x128xi32, #tpu.memory_space<vmem>> -> memref<1x10x128xi32, #tpu.memory_space<vmem>>
        %dma_start3A_438 = tpu.memref_squeeze %dma_start3A_437 : memref<1x10x128xi32, #tpu.memory_space<vmem>> -> memref<10x128xi32, #tpu.memory_space<vmem>>
        %dma_start3A_439 = arith.constant 0 : i32
        %dma_start3A_440 = tpu.memref_slice %arg3[%add3A_434, %dma_start3A_439] : memref<6400x128xi32, #tpu.memory_space<hbm>> -> memref<10x128xi32, #tpu.memory_space<hbm>>
        %dma_start3A_441 = arith.constant 0 : i32
        %dma_start3A_442 = arith.constant 0 : i32
        %dma_start3A_443 = tpu.memref_slice %arg7[%rem3A_64, %dma_start3A_441, %dma_start3A_442] : memref<4x10x128xi32, #tpu.memory_space<vmem>> -> memref<1x10x128xi32, #tpu.memory_space<vmem>>
        %dma_start3A_444 = tpu.memref_squeeze %dma_start3A_443 : memref<1x10x128xi32, #tpu.memory_space<vmem>> -> memref<10x128xi32, #tpu.memory_space<vmem>>
        %dma_start3A_445 = arith.constant 0 : i32
        %dma_start3A_446 = tpu.memref_slice %arg3[%add3A_434, %dma_start3A_445] : memref<6400x128xi32, #tpu.memory_space<hbm>> -> memref<10x128xi32, #tpu.memory_space<hbm>>
        tpu.enqueue_dma source(%dma_start3A_446 : memref<10x128xi32, #tpu.memory_space<hbm>>) target(%dma_start3A_444 : memref<10x128xi32, #tpu.memory_space<vmem>>) target_semaphore(%arg11 : memref<!tpu.dma_semaphore, #tpu.memory_space<semaphore_mem>>)
        %dma_start3A_447 = arith.constant 0 : i32
        %dma_start3A_448 = arith.constant 0 : i32
        %dma_start3A_449 = tpu.memref_slice %arg8[%rem3A_64, %dma_start3A_447, %dma_start3A_448] : memref<4x10x128xi32, #tpu.memory_space<vmem>> -> memref<1x10x128xi32, #tpu.memory_space<vmem>>
        %dma_start3A_450 = tpu.memref_squeeze %dma_start3A_449 : memref<1x10x128xi32, #tpu.memory_space<vmem>> -> memref<10x128xi32, #tpu.memory_space<vmem>>
        %dma_start3A_451 = arith.constant 0 : i32
        %dma_start3A_452 = tpu.memref_slice %arg4[%add3A_434, %dma_start3A_451] : memref<6400x128xi32, #tpu.memory_space<hbm>> -> memref<10x128xi32, #tpu.memory_space<hbm>>
        %dma_start3A_453 = arith.constant 0 : i32
        %dma_start3A_454 = arith.constant 0 : i32
        %dma_start3A_455 = tpu.memref_slice %arg8[%rem3A_64, %dma_start3A_453, %dma_start3A_454] : memref<4x10x128xi32, #tpu.memory_space<vmem>> -> memref<1x10x128xi32, #tpu.memory_space<vmem>>
        %dma_start3A_456 = tpu.memref_squeeze %dma_start3A_455 : memref<1x10x128xi32, #tpu.memory_space<vmem>> -> memref<10x128xi32, #tpu.memory_space<vmem>>
        %dma_start3A_457 = arith.constant 0 : i32
        %dma_start3A_458 = tpu.memref_slice %arg4[%add3A_434, %dma_start3A_457] : memref<6400x128xi32, #tpu.memory_space<hbm>> -> memref<10x128xi32, #tpu.memory_space<hbm>>
        tpu.enqueue_dma source(%dma_start3A_458 : memref<10x128xi32, #tpu.memory_space<hbm>>) target(%dma_start3A_456 : memref<10x128xi32, #tpu.memory_space<vmem>>) target_semaphore(%arg11 : memref<!tpu.dma_semaphore, #tpu.memory_space<semaphore_mem>>)
      } else {
      }
      %dma_wait3A_210 = arith.constant 0 : i32
      %dma_wait3A_211 = arith.constant 0 : i32
      %dma_wait3A_212 = arith.constant 0 : i32
      %dma_wait3A_213 = tpu.memref_slice %arg9[%rem3A_58, %dma_wait3A_211, %dma_wait3A_212] : memref<2x1280x16xf32, #tpu.memory_space<vmem>> -> memref<1x128x16xf32, #tpu.memory_space<vmem>>
      %dma_wait3A_214 = tpu.memref_squeeze %dma_wait3A_213 : memref<1x128x16xf32, #tpu.memory_space<vmem>> -> memref<128x16xf32, #tpu.memory_space<vmem>>
      %dma_wait3A_215 = arith.constant 0 : i32
      %dma_wait3A_216 = tpu.memref_slice %arg7[%rem3A_60, %dma_wait3A_210, %dma_wait3A_215] : memref<4x10x128xi32, #tpu.memory_space<vmem>> -> memref<1x1x128xi32, #tpu.memory_space<vmem>>
      %dma_wait3A_217 = tpu.memref_squeeze %dma_wait3A_216 : memref<1x1x128xi32, #tpu.memory_space<vmem>> -> memref<128xi32, #tpu.memory_space<vmem>>
      %dma_wait3A_218 = arith.constant 0 : i32
      %dma_wait3A_219 = arith.constant 0 : i32
      %dma_wait3A_220 = tpu.memref_slice %arg5[%dma_wait3A_218, %dma_wait3A_219] : memref<400000x16xf32, #tpu.memory_space<hbm>> -> memref<400000x16xf32, #tpu.memory_space<hbm>>
      tpu.wait_indirect_dma semaphore(%arg12 : memref<!tpu.dma_semaphore, #tpu.memory_space<semaphore_mem>>) src(%dma_wait3A_220 : memref<400000x16xf32, #tpu.memory_space<hbm>>) dst(%dma_wait3A_214 : memref<128x16xf32, #tpu.memory_space<vmem>>)
      %dma_wait3A_221 = arith.constant 1 : i32
      %dma_wait3A_222 = arith.constant 128 : i32
      %dma_wait3A_223 = arith.constant 0 : i32
      %dma_wait3A_224 = tpu.memref_slice %arg9[%rem3A_58, %dma_wait3A_222, %dma_wait3A_223] : memref<2x1280x16xf32, #tpu.memory_space<vmem>> -> memref<1x128x16xf32, #tpu.memory_space<vmem>>
      %dma_wait3A_225 = tpu.memref_squeeze %dma_wait3A_224 : memref<1x128x16xf32, #tpu.memory_space<vmem>> -> memref<128x16xf32, #tpu.memory_space<vmem>>
      %dma_wait3A_226 = arith.constant 0 : i32
      %dma_wait3A_227 = tpu.memref_slice %arg7[%rem3A_60, %dma_wait3A_221, %dma_wait3A_226] : memref<4x10x128xi32, #tpu.memory_space<vmem>> -> memref<1x1x128xi32, #tpu.memory_space<vmem>>
      %dma_wait3A_228 = tpu.memref_squeeze %dma_wait3A_227 : memref<1x1x128xi32, #tpu.memory_space<vmem>> -> memref<128xi32, #tpu.memory_space<vmem>>
      %dma_wait3A_229 = arith.constant 0 : i32
      %dma_wait3A_230 = arith.constant 0 : i32
      %dma_wait3A_231 = tpu.memref_slice %arg5[%dma_wait3A_229, %dma_wait3A_230] : memref<400000x16xf32, #tpu.memory_space<hbm>> -> memref<400000x16xf32, #tpu.memory_space<hbm>>
      tpu.wait_indirect_dma semaphore(%arg12 : memref<!tpu.dma_semaphore, #tpu.memory_space<semaphore_mem>>) src(%dma_wait3A_231 : memref<400000x16xf32, #tpu.memory_space<hbm>>) dst(%dma_wait3A_225 : memref<128x16xf32, #tpu.memory_space<vmem>>)
      %dma_wait3A_232 = arith.constant 2 : i32
      %dma_wait3A_233 = arith.constant 256 : i32
      %dma_wait3A_234 = arith.constant 0 : i32
      %dma_wait3A_235 = tpu.memref_slice %arg9[%rem3A_58, %dma_wait3A_233, %dma_wait3A_234] : memref<2x1280x16xf32, #tpu.memory_space<vmem>> -> memref<1x128x16xf32, #tpu.memory_space<vmem>>
      %dma_wait3A_236 = tpu.memref_squeeze %dma_wait3A_235 : memref<1x128x16xf32, #tpu.memory_space<vmem>> -> memref<128x16xf32, #tpu.memory_space<vmem>>
      %dma_wait3A_237 = arith.constant 0 : i32
      %dma_wait3A_238 = tpu.memref_slice %arg7[%rem3A_60, %dma_wait3A_232, %dma_wait3A_237] : memref<4x10x128xi32, #tpu.memory_space<vmem>> -> memref<1x1x128xi32, #tpu.memory_space<vmem>>
      %dma_wait3A_239 = tpu.memref_squeeze %dma_wait3A_238 : memref<1x1x128xi32, #tpu.memory_space<vmem>> -> memref<128xi32, #tpu.memory_space<vmem>>
      %dma_wait3A_240 = arith.constant 0 : i32
      %dma_wait3A_241 = arith.constant 0 : i32
      %dma_wait3A_242 = tpu.memref_slice %arg5[%dma_wait3A_240, %dma_wait3A_241] : memref<400000x16xf32, #tpu.memory_space<hbm>> -> memref<400000x16xf32, #tpu.memory_space<hbm>>
      tpu.wait_indirect_dma semaphore(%arg12 : memref<!tpu.dma_semaphore, #tpu.memory_space<semaphore_mem>>) src(%dma_wait3A_242 : memref<400000x16xf32, #tpu.memory_space<hbm>>) dst(%dma_wait3A_236 : memref<128x16xf32, #tpu.memory_space<vmem>>)
      %dma_wait3A_243 = arith.constant 3 : i32
      %dma_wait3A_244 = arith.constant 384 : i32
      %dma_wait3A_245 = arith.constant 0 : i32
      %dma_wait3A_246 = tpu.memref_slice %arg9[%rem3A_58, %dma_wait3A_244, %dma_wait3A_245] : memref<2x1280x16xf32, #tpu.memory_space<vmem>> -> memref<1x128x16xf32, #tpu.memory_space<vmem>>
      %dma_wait3A_247 = tpu.memref_squeeze %dma_wait3A_246 : memref<1x128x16xf32, #tpu.memory_space<vmem>> -> memref<128x16xf32, #tpu.memory_space<vmem>>
      %dma_wait3A_248 = arith.constant 0 : i32
      %dma_wait3A_249 = tpu.memref_slice %arg7[%rem3A_60, %dma_wait3A_243, %dma_wait3A_248] : memref<4x10x128xi32, #tpu.memory_space<vmem>> -> memref<1x1x128xi32, #tpu.memory_space<vmem>>
      %dma_wait3A_250 = tpu.memref_squeeze %dma_wait3A_249 : memref<1x1x128xi32, #tpu.memory_space<vmem>> -> memref<128xi32, #tpu.memory_space<vmem>>
      %dma_wait3A_251 = arith.constant 0 : i32
      %dma_wait3A_252 = arith.constant 0 : i32
      %dma_wait3A_253 = tpu.memref_slice %arg5[%dma_wait3A_251, %dma_wait3A_252] : memref<400000x16xf32, #tpu.memory_space<hbm>> -> memref<400000x16xf32, #tpu.memory_space<hbm>>
      tpu.wait_indirect_dma semaphore(%arg12 : memref<!tpu.dma_semaphore, #tpu.memory_space<semaphore_mem>>) src(%dma_wait3A_253 : memref<400000x16xf32, #tpu.memory_space<hbm>>) dst(%dma_wait3A_247 : memref<128x16xf32, #tpu.memory_space<vmem>>)
      %dma_wait3A_254 = arith.constant 4 : i32
      %dma_wait3A_255 = arith.constant 512 : i32
      %dma_wait3A_256 = arith.constant 0 : i32
      %dma_wait3A_257 = tpu.memref_slice %arg9[%rem3A_58, %dma_wait3A_255, %dma_wait3A_256] : memref<2x1280x16xf32, #tpu.memory_space<vmem>> -> memref<1x128x16xf32, #tpu.memory_space<vmem>>
      %dma_wait3A_258 = tpu.memref_squeeze %dma_wait3A_257 : memref<1x128x16xf32, #tpu.memory_space<vmem>> -> memref<128x16xf32, #tpu.memory_space<vmem>>
      %dma_wait3A_259 = arith.constant 0 : i32
      %dma_wait3A_260 = tpu.memref_slice %arg7[%rem3A_60, %dma_wait3A_254, %dma_wait3A_259] : memref<4x10x128xi32, #tpu.memory_space<vmem>> -> memref<1x1x128xi32, #tpu.memory_space<vmem>>
      %dma_wait3A_261 = tpu.memref_squeeze %dma_wait3A_260 : memref<1x1x128xi32, #tpu.memory_space<vmem>> -> memref<128xi32, #tpu.memory_space<vmem>>
      %dma_wait3A_262 = arith.constant 0 : i32
      %dma_wait3A_263 = arith.constant 0 : i32
      %dma_wait3A_264 = tpu.memref_slice %arg5[%dma_wait3A_262, %dma_wait3A_263] : memref<400000x16xf32, #tpu.memory_space<hbm>> -> memref<400000x16xf32, #tpu.memory_space<hbm>>
      tpu.wait_indirect_dma semaphore(%arg12 : memref<!tpu.dma_semaphore, #tpu.memory_space<semaphore_mem>>) src(%dma_wait3A_264 : memref<400000x16xf32, #tpu.memory_space<hbm>>) dst(%dma_wait3A_258 : memref<128x16xf32, #tpu.memory_space<vmem>>)
      %dma_wait3A_265 = arith.constant 5 : i32
      %dma_wait3A_266 = arith.constant 640 : i32
      %dma_wait3A_267 = arith.constant 0 : i32
      %dma_wait3A_268 = tpu.memref_slice %arg9[%rem3A_58, %dma_wait3A_266, %dma_wait3A_267] : memref<2x1280x16xf32, #tpu.memory_space<vmem>> -> memref<1x128x16xf32, #tpu.memory_space<vmem>>
      %dma_wait3A_269 = tpu.memref_squeeze %dma_wait3A_268 : memref<1x128x16xf32, #tpu.memory_space<vmem>> -> memref<128x16xf32, #tpu.memory_space<vmem>>
      %dma_wait3A_270 = arith.constant 0 : i32
      %dma_wait3A_271 = tpu.memref_slice %arg7[%rem3A_60, %dma_wait3A_265, %dma_wait3A_270] : memref<4x10x128xi32, #tpu.memory_space<vmem>> -> memref<1x1x128xi32, #tpu.memory_space<vmem>>
      %dma_wait3A_272 = tpu.memref_squeeze %dma_wait3A_271 : memref<1x1x128xi32, #tpu.memory_space<vmem>> -> memref<128xi32, #tpu.memory_space<vmem>>
      %dma_wait3A_273 = arith.constant 0 : i32
      %dma_wait3A_274 = arith.constant 0 : i32
      %dma_wait3A_275 = tpu.memref_slice %arg5[%dma_wait3A_273, %dma_wait3A_274] : memref<400000x16xf32, #tpu.memory_space<hbm>> -> memref<400000x16xf32, #tpu.memory_space<hbm>>
      tpu.wait_indirect_dma semaphore(%arg12 : memref<!tpu.dma_semaphore, #tpu.memory_space<semaphore_mem>>) src(%dma_wait3A_275 : memref<400000x16xf32, #tpu.memory_space<hbm>>) dst(%dma_wait3A_269 : memref<128x16xf32, #tpu.memory_space<vmem>>)
      %dma_wait3A_276 = arith.constant 6 : i32
      %dma_wait3A_277 = arith.constant 768 : i32
      %dma_wait3A_278 = arith.constant 0 : i32
      %dma_wait3A_279 = tpu.memref_slice %arg9[%rem3A_58, %dma_wait3A_277, %dma_wait3A_278] : memref<2x1280x16xf32, #tpu.memory_space<vmem>> -> memref<1x128x16xf32, #tpu.memory_space<vmem>>
      %dma_wait3A_280 = tpu.memref_squeeze %dma_wait3A_279 : memref<1x128x16xf32, #tpu.memory_space<vmem>> -> memref<128x16xf32, #tpu.memory_space<vmem>>
      %dma_wait3A_281 = arith.constant 0 : i32
      %dma_wait3A_282 = tpu.memref_slice %arg7[%rem3A_60, %dma_wait3A_276, %dma_wait3A_281] : memref<4x10x128xi32, #tpu.memory_space<vmem>> -> memref<1x1x128xi32, #tpu.memory_space<vmem>>
      %dma_wait3A_283 = tpu.memref_squeeze %dma_wait3A_282 : memref<1x1x128xi32, #tpu.memory_space<vmem>> -> memref<128xi32, #tpu.memory_space<vmem>>
      %dma_wait3A_284 = arith.constant 0 : i32
      %dma_wait3A_285 = arith.constant 0 : i32
      %dma_wait3A_286 = tpu.memref_slice %arg5[%dma_wait3A_284, %dma_wait3A_285] : memref<400000x16xf32, #tpu.memory_space<hbm>> -> memref<400000x16xf32, #tpu.memory_space<hbm>>
      tpu.wait_indirect_dma semaphore(%arg12 : memref<!tpu.dma_semaphore, #tpu.memory_space<semaphore_mem>>) src(%dma_wait3A_286 : memref<400000x16xf32, #tpu.memory_space<hbm>>) dst(%dma_wait3A_280 : memref<128x16xf32, #tpu.memory_space<vmem>>)
      %dma_wait3A_287 = arith.constant 7 : i32
      %dma_wait3A_288 = arith.constant 896 : i32
      %dma_wait3A_289 = arith.constant 0 : i32
      %dma_wait3A_290 = tpu.memref_slice %arg9[%rem3A_58, %dma_wait3A_288, %dma_wait3A_289] : memref<2x1280x16xf32, #tpu.memory_space<vmem>> -> memref<1x128x16xf32, #tpu.memory_space<vmem>>
      %dma_wait3A_291 = tpu.memref_squeeze %dma_wait3A_290 : memref<1x128x16xf32, #tpu.memory_space<vmem>> -> memref<128x16xf32, #tpu.memory_space<vmem>>
      %dma_wait3A_292 = arith.constant 0 : i32
      %dma_wait3A_293 = tpu.memref_slice %arg7[%rem3A_60, %dma_wait3A_287, %dma_wait3A_292] : memref<4x10x128xi32, #tpu.memory_space<vmem>> -> memref<1x1x128xi32, #tpu.memory_space<vmem>>
      %dma_wait3A_294 = tpu.memref_squeeze %dma_wait3A_293 : memref<1x1x128xi32, #tpu.memory_space<vmem>> -> memref<128xi32, #tpu.memory_space<vmem>>
      %dma_wait3A_295 = arith.constant 0 : i32
      %dma_wait3A_296 = arith.constant 0 : i32
      %dma_wait3A_297 = tpu.memref_slice %arg5[%dma_wait3A_295, %dma_wait3A_296] : memref<400000x16xf32, #tpu.memory_space<hbm>> -> memref<400000x16xf32, #tpu.memory_space<hbm>>
      tpu.wait_indirect_dma semaphore(%arg12 : memref<!tpu.dma_semaphore, #tpu.memory_space<semaphore_mem>>) src(%dma_wait3A_297 : memref<400000x16xf32, #tpu.memory_space<hbm>>) dst(%dma_wait3A_291 : memref<128x16xf32, #tpu.memory_space<vmem>>)
      %dma_wait3A_298 = arith.constant 8 : i32
      %dma_wait3A_299 = arith.constant 1024 : i32
      %dma_wait3A_300 = arith.constant 0 : i32
      %dma_wait3A_301 = tpu.memref_slice %arg9[%rem3A_58, %dma_wait3A_299, %dma_wait3A_300] : memref<2x1280x16xf32, #tpu.memory_space<vmem>> -> memref<1x128x16xf32, #tpu.memory_space<vmem>>
      %dma_wait3A_302 = tpu.memref_squeeze %dma_wait3A_301 : memref<1x128x16xf32, #tpu.memory_space<vmem>> -> memref<128x16xf32, #tpu.memory_space<vmem>>
      %dma_wait3A_303 = arith.constant 0 : i32
      %dma_wait3A_304 = tpu.memref_slice %arg7[%rem3A_60, %dma_wait3A_298, %dma_wait3A_303] : memref<4x10x128xi32, #tpu.memory_space<vmem>> -> memref<1x1x128xi32, #tpu.memory_space<vmem>>
      %dma_wait3A_305 = tpu.memref_squeeze %dma_wait3A_304 : memref<1x1x128xi32, #tpu.memory_space<vmem>> -> memref<128xi32, #tpu.memory_space<vmem>>
      %dma_wait3A_306 = arith.constant 0 : i32
      %dma_wait3A_307 = arith.constant 0 : i32
      %dma_wait3A_308 = tpu.memref_slice %arg5[%dma_wait3A_306, %dma_wait3A_307] : memref<400000x16xf32, #tpu.memory_space<hbm>> -> memref<400000x16xf32, #tpu.memory_space<hbm>>
      tpu.wait_indirect_dma semaphore(%arg12 : memref<!tpu.dma_semaphore, #tpu.memory_space<semaphore_mem>>) src(%dma_wait3A_308 : memref<400000x16xf32, #tpu.memory_space<hbm>>) dst(%dma_wait3A_302 : memref<128x16xf32, #tpu.memory_space<vmem>>)
      %dma_wait3A_309 = arith.constant 9 : i32
      %dma_wait3A_310 = arith.constant 1152 : i32
      %dma_wait3A_311 = arith.constant 0 : i32
      %dma_wait3A_312 = tpu.memref_slice %arg9[%rem3A_58, %dma_wait3A_310, %dma_wait3A_311] : memref<2x1280x16xf32, #tpu.memory_space<vmem>> -> memref<1x128x16xf32, #tpu.memory_space<vmem>>
      %dma_wait3A_313 = tpu.memref_squeeze %dma_wait3A_312 : memref<1x128x16xf32, #tpu.memory_space<vmem>> -> memref<128x16xf32, #tpu.memory_space<vmem>>
      %dma_wait3A_314 = arith.constant 0 : i32
      %dma_wait3A_315 = tpu.memref_slice %arg7[%rem3A_60, %dma_wait3A_309, %dma_wait3A_314] : memref<4x10x128xi32, #tpu.memory_space<vmem>> -> memref<1x1x128xi32, #tpu.memory_space<vmem>>
      %dma_wait3A_316 = tpu.memref_squeeze %dma_wait3A_315 : memref<1x1x128xi32, #tpu.memory_space<vmem>> -> memref<128xi32, #tpu.memory_space<vmem>>
      %dma_wait3A_317 = arith.constant 0 : i32
      %dma_wait3A_318 = arith.constant 0 : i32
      %dma_wait3A_319 = tpu.memref_slice %arg5[%dma_wait3A_317, %dma_wait3A_318] : memref<400000x16xf32, #tpu.memory_space<hbm>> -> memref<400000x16xf32, #tpu.memory_space<hbm>>
      tpu.wait_indirect_dma semaphore(%arg12 : memref<!tpu.dma_semaphore, #tpu.memory_space<semaphore_mem>>) src(%dma_wait3A_319 : memref<400000x16xf32, #tpu.memory_space<hbm>>) dst(%dma_wait3A_313 : memref<128x16xf32, #tpu.memory_space<vmem>>)
      %dma_start3A_320 = arith.constant 0 : i32
      %dma_start3A_321 = arith.constant 0 : i32
      %dma_start3A_322 = arith.constant 0 : i32
      %dma_start3A_323 = tpu.memref_slice %arg9[%rem3A_58, %dma_start3A_321, %dma_start3A_322] : memref<2x1280x16xf32, #tpu.memory_space<vmem>> -> memref<1x128x16xf32, #tpu.memory_space<vmem>>
      %dma_start3A_324 = tpu.memref_squeeze %dma_start3A_323 : memref<1x128x16xf32, #tpu.memory_space<vmem>> -> memref<128x16xf32, #tpu.memory_space<vmem>>
      %dma_start3A_325 = arith.constant 0 : i32
      %dma_start3A_326 = tpu.memref_slice %arg8[%rem3A_60, %dma_start3A_320, %dma_start3A_325] : memref<4x10x128xi32, #tpu.memory_space<vmem>> -> memref<1x1x128xi32, #tpu.memory_space<vmem>>
      %dma_start3A_327 = tpu.memref_squeeze %dma_start3A_326 : memref<1x1x128xi32, #tpu.memory_space<vmem>> -> memref<128xi32, #tpu.memory_space<vmem>>
      %dma_start3A_328 = arith.constant 0 : i32
      %dma_start3A_329 = arith.constant 0 : i32
      %dma_start3A_330 = tpu.memref_slice %arg10[%dma_start3A_328, %dma_start3A_329] : memref<50048x16xf32, #tpu.memory_space<vmem_shared>> -> memref<50048x16xf32, #tpu.memory_space<vmem_shared>>
      tpu.enqueue_indirect_dma source(%dma_start3A_324 : memref<128x16xf32, #tpu.memory_space<vmem>>) target(%dma_start3A_330 : memref<50048x16xf32, #tpu.memory_space<vmem_shared>>) offsets(%dma_start3A_327 : memref<128xi32, #tpu.memory_space<vmem>>) semaphore(%arg13 : memref<!tpu.dma_semaphore, #tpu.memory_space<semaphore_mem>>) {add = true}
      %dma_start3A_331 = arith.constant 1 : i32
      %dma_start3A_332 = arith.constant 128 : i32
      %dma_start3A_333 = arith.constant 0 : i32
      %dma_start3A_334 = tpu.memref_slice %arg9[%rem3A_58, %dma_start3A_332, %dma_start3A_333] : memref<2x1280x16xf32, #tpu.memory_space<vmem>> -> memref<1x128x16xf32, #tpu.memory_space<vmem>>
      %dma_start3A_335 = tpu.memref_squeeze %dma_start3A_334 : memref<1x128x16xf32, #tpu.memory_space<vmem>> -> memref<128x16xf32, #tpu.memory_space<vmem>>
      %dma_start3A_336 = arith.constant 0 : i32
      %dma_start3A_337 = tpu.memref_slice %arg8[%rem3A_60, %dma_start3A_331, %dma_start3A_336] : memref<4x10x128xi32, #tpu.memory_space<vmem>> -> memref<1x1x128xi32, #tpu.memory_space<vmem>>
      %dma_start3A_338 = tpu.memref_squeeze %dma_start3A_337 : memref<1x1x128xi32, #tpu.memory_space<vmem>> -> memref<128xi32, #tpu.memory_space<vmem>>
      %dma_start3A_339 = arith.constant 0 : i32
      %dma_start3A_340 = arith.constant 0 : i32
      %dma_start3A_341 = tpu.memref_slice %arg10[%dma_start3A_339, %dma_start3A_340] : memref<50048x16xf32, #tpu.memory_space<vmem_shared>> -> memref<50048x16xf32, #tpu.memory_space<vmem_shared>>
      tpu.enqueue_indirect_dma source(%dma_start3A_335 : memref<128x16xf32, #tpu.memory_space<vmem>>) target(%dma_start3A_341 : memref<50048x16xf32, #tpu.memory_space<vmem_shared>>) offsets(%dma_start3A_338 : memref<128xi32, #tpu.memory_space<vmem>>) semaphore(%arg13 : memref<!tpu.dma_semaphore, #tpu.memory_space<semaphore_mem>>) {add = true}
      %dma_start3A_342 = arith.constant 2 : i32
      %dma_start3A_343 = arith.constant 256 : i32
      %dma_start3A_344 = arith.constant 0 : i32
      %dma_start3A_345 = tpu.memref_slice %arg9[%rem3A_58, %dma_start3A_343, %dma_start3A_344] : memref<2x1280x16xf32, #tpu.memory_space<vmem>> -> memref<1x128x16xf32, #tpu.memory_space<vmem>>
      %dma_start3A_346 = tpu.memref_squeeze %dma_start3A_345 : memref<1x128x16xf32, #tpu.memory_space<vmem>> -> memref<128x16xf32, #tpu.memory_space<vmem>>
      %dma_start3A_347 = arith.constant 0 : i32
      %dma_start3A_348 = tpu.memref_slice %arg8[%rem3A_60, %dma_start3A_342, %dma_start3A_347] : memref<4x10x128xi32, #tpu.memory_space<vmem>> -> memref<1x1x128xi32, #tpu.memory_space<vmem>>
      %dma_start3A_349 = tpu.memref_squeeze %dma_start3A_348 : memref<1x1x128xi32, #tpu.memory_space<vmem>> -> memref<128xi32, #tpu.memory_space<vmem>>
      %dma_start3A_350 = arith.constant 0 : i32
      %dma_start3A_351 = arith.constant 0 : i32
      %dma_start3A_352 = tpu.memref_slice %arg10[%dma_start3A_350, %dma_start3A_351] : memref<50048x16xf32, #tpu.memory_space<vmem_shared>> -> memref<50048x16xf32, #tpu.memory_space<vmem_shared>>
      tpu.enqueue_indirect_dma source(%dma_start3A_346 : memref<128x16xf32, #tpu.memory_space<vmem>>) target(%dma_start3A_352 : memref<50048x16xf32, #tpu.memory_space<vmem_shared>>) offsets(%dma_start3A_349 : memref<128xi32, #tpu.memory_space<vmem>>) semaphore(%arg13 : memref<!tpu.dma_semaphore, #tpu.memory_space<semaphore_mem>>) {add = true}
      %dma_start3A_353 = arith.constant 3 : i32
      %dma_start3A_354 = arith.constant 384 : i32
      %dma_start3A_355 = arith.constant 0 : i32
      %dma_start3A_356 = tpu.memref_slice %arg9[%rem3A_58, %dma_start3A_354, %dma_start3A_355] : memref<2x1280x16xf32, #tpu.memory_space<vmem>> -> memref<1x128x16xf32, #tpu.memory_space<vmem>>
      %dma_start3A_357 = tpu.memref_squeeze %dma_start3A_356 : memref<1x128x16xf32, #tpu.memory_space<vmem>> -> memref<128x16xf32, #tpu.memory_space<vmem>>
      %dma_start3A_358 = arith.constant 0 : i32
      %dma_start3A_359 = tpu.memref_slice %arg8[%rem3A_60, %dma_start3A_353, %dma_start3A_358] : memref<4x10x128xi32, #tpu.memory_space<vmem>> -> memref<1x1x128xi32, #tpu.memory_space<vmem>>
      %dma_start3A_360 = tpu.memref_squeeze %dma_start3A_359 : memref<1x1x128xi32, #tpu.memory_space<vmem>> -> memref<128xi32, #tpu.memory_space<vmem>>
      %dma_start3A_361 = arith.constant 0 : i32
      %dma_start3A_362 = arith.constant 0 : i32
      %dma_start3A_363 = tpu.memref_slice %arg10[%dma_start3A_361, %dma_start3A_362] : memref<50048x16xf32, #tpu.memory_space<vmem_shared>> -> memref<50048x16xf32, #tpu.memory_space<vmem_shared>>
      tpu.enqueue_indirect_dma source(%dma_start3A_357 : memref<128x16xf32, #tpu.memory_space<vmem>>) target(%dma_start3A_363 : memref<50048x16xf32, #tpu.memory_space<vmem_shared>>) offsets(%dma_start3A_360 : memref<128xi32, #tpu.memory_space<vmem>>) semaphore(%arg13 : memref<!tpu.dma_semaphore, #tpu.memory_space<semaphore_mem>>) {add = true}
      %dma_start3A_364 = arith.constant 4 : i32
      %dma_start3A_365 = arith.constant 512 : i32
      %dma_start3A_366 = arith.constant 0 : i32
      %dma_start3A_367 = tpu.memref_slice %arg9[%rem3A_58, %dma_start3A_365, %dma_start3A_366] : memref<2x1280x16xf32, #tpu.memory_space<vmem>> -> memref<1x128x16xf32, #tpu.memory_space<vmem>>
      %dma_start3A_368 = tpu.memref_squeeze %dma_start3A_367 : memref<1x128x16xf32, #tpu.memory_space<vmem>> -> memref<128x16xf32, #tpu.memory_space<vmem>>
      %dma_start3A_369 = arith.constant 0 : i32
      %dma_start3A_370 = tpu.memref_slice %arg8[%rem3A_60, %dma_start3A_364, %dma_start3A_369] : memref<4x10x128xi32, #tpu.memory_space<vmem>> -> memref<1x1x128xi32, #tpu.memory_space<vmem>>
      %dma_start3A_371 = tpu.memref_squeeze %dma_start3A_370 : memref<1x1x128xi32, #tpu.memory_space<vmem>> -> memref<128xi32, #tpu.memory_space<vmem>>
      %dma_start3A_372 = arith.constant 0 : i32
      %dma_start3A_373 = arith.constant 0 : i32
      %dma_start3A_374 = tpu.memref_slice %arg10[%dma_start3A_372, %dma_start3A_373] : memref<50048x16xf32, #tpu.memory_space<vmem_shared>> -> memref<50048x16xf32, #tpu.memory_space<vmem_shared>>
      tpu.enqueue_indirect_dma source(%dma_start3A_368 : memref<128x16xf32, #tpu.memory_space<vmem>>) target(%dma_start3A_374 : memref<50048x16xf32, #tpu.memory_space<vmem_shared>>) offsets(%dma_start3A_371 : memref<128xi32, #tpu.memory_space<vmem>>) semaphore(%arg13 : memref<!tpu.dma_semaphore, #tpu.memory_space<semaphore_mem>>) {add = true}
      %dma_start3A_375 = arith.constant 5 : i32
      %dma_start3A_376 = arith.constant 640 : i32
      %dma_start3A_377 = arith.constant 0 : i32
      %dma_start3A_378 = tpu.memref_slice %arg9[%rem3A_58, %dma_start3A_376, %dma_start3A_377] : memref<2x1280x16xf32, #tpu.memory_space<vmem>> -> memref<1x128x16xf32, #tpu.memory_space<vmem>>
      %dma_start3A_379 = tpu.memref_squeeze %dma_start3A_378 : memref<1x128x16xf32, #tpu.memory_space<vmem>> -> memref<128x16xf32, #tpu.memory_space<vmem>>
      %dma_start3A_380 = arith.constant 0 : i32
      %dma_start3A_381 = tpu.memref_slice %arg8[%rem3A_60, %dma_start3A_375, %dma_start3A_380] : memref<4x10x128xi32, #tpu.memory_space<vmem>> -> memref<1x1x128xi32, #tpu.memory_space<vmem>>
      %dma_start3A_382 = tpu.memref_squeeze %dma_start3A_381 : memref<1x1x128xi32, #tpu.memory_space<vmem>> -> memref<128xi32, #tpu.memory_space<vmem>>
      %dma_start3A_383 = arith.constant 0 : i32
      %dma_start3A_384 = arith.constant 0 : i32
      %dma_start3A_385 = tpu.memref_slice %arg10[%dma_start3A_383, %dma_start3A_384] : memref<50048x16xf32, #tpu.memory_space<vmem_shared>> -> memref<50048x16xf32, #tpu.memory_space<vmem_shared>>
      tpu.enqueue_indirect_dma source(%dma_start3A_379 : memref<128x16xf32, #tpu.memory_space<vmem>>) target(%dma_start3A_385 : memref<50048x16xf32, #tpu.memory_space<vmem_shared>>) offsets(%dma_start3A_382 : memref<128xi32, #tpu.memory_space<vmem>>) semaphore(%arg13 : memref<!tpu.dma_semaphore, #tpu.memory_space<semaphore_mem>>) {add = true}
      %dma_start3A_386 = arith.constant 6 : i32
      %dma_start3A_387 = arith.constant 768 : i32
      %dma_start3A_388 = arith.constant 0 : i32
      %dma_start3A_389 = tpu.memref_slice %arg9[%rem3A_58, %dma_start3A_387, %dma_start3A_388] : memref<2x1280x16xf32, #tpu.memory_space<vmem>> -> memref<1x128x16xf32, #tpu.memory_space<vmem>>
      %dma_start3A_390 = tpu.memref_squeeze %dma_start3A_389 : memref<1x128x16xf32, #tpu.memory_space<vmem>> -> memref<128x16xf32, #tpu.memory_space<vmem>>
      %dma_start3A_391 = arith.constant 0 : i32
      %dma_start3A_392 = tpu.memref_slice %arg8[%rem3A_60, %dma_start3A_386, %dma_start3A_391] : memref<4x10x128xi32, #tpu.memory_space<vmem>> -> memref<1x1x128xi32, #tpu.memory_space<vmem>>
      %dma_start3A_393 = tpu.memref_squeeze %dma_start3A_392 : memref<1x1x128xi32, #tpu.memory_space<vmem>> -> memref<128xi32, #tpu.memory_space<vmem>>
      %dma_start3A_394 = arith.constant 0 : i32
      %dma_start3A_395 = arith.constant 0 : i32
      %dma_start3A_396 = tpu.memref_slice %arg10[%dma_start3A_394, %dma_start3A_395] : memref<50048x16xf32, #tpu.memory_space<vmem_shared>> -> memref<50048x16xf32, #tpu.memory_space<vmem_shared>>
      tpu.enqueue_indirect_dma source(%dma_start3A_390 : memref<128x16xf32, #tpu.memory_space<vmem>>) target(%dma_start3A_396 : memref<50048x16xf32, #tpu.memory_space<vmem_shared>>) offsets(%dma_start3A_393 : memref<128xi32, #tpu.memory_space<vmem>>) semaphore(%arg13 : memref<!tpu.dma_semaphore, #tpu.memory_space<semaphore_mem>>) {add = true}
      %dma_start3A_397 = arith.constant 7 : i32
      %dma_start3A_398 = arith.constant 896 : i32
      %dma_start3A_399 = arith.constant 0 : i32
      %dma_start3A_400 = tpu.memref_slice %arg9[%rem3A_58, %dma_start3A_398, %dma_start3A_399] : memref<2x1280x16xf32, #tpu.memory_space<vmem>> -> memref<1x128x16xf32, #tpu.memory_space<vmem>>
      %dma_start3A_401 = tpu.memref_squeeze %dma_start3A_400 : memref<1x128x16xf32, #tpu.memory_space<vmem>> -> memref<128x16xf32, #tpu.memory_space<vmem>>
      %dma_start3A_402 = arith.constant 0 : i32
      %dma_start3A_403 = tpu.memref_slice %arg8[%rem3A_60, %dma_start3A_397, %dma_start3A_402] : memref<4x10x128xi32, #tpu.memory_space<vmem>> -> memref<1x1x128xi32, #tpu.memory_space<vmem>>
      %dma_start3A_404 = tpu.memref_squeeze %dma_start3A_403 : memref<1x1x128xi32, #tpu.memory_space<vmem>> -> memref<128xi32, #tpu.memory_space<vmem>>
      %dma_start3A_405 = arith.constant 0 : i32
      %dma_start3A_406 = arith.constant 0 : i32
      %dma_start3A_407 = tpu.memref_slice %arg10[%dma_start3A_405, %dma_start3A_406] : memref<50048x16xf32, #tpu.memory_space<vmem_shared>> -> memref<50048x16xf32, #tpu.memory_space<vmem_shared>>
      tpu.enqueue_indirect_dma source(%dma_start3A_401 : memref<128x16xf32, #tpu.memory_space<vmem>>) target(%dma_start3A_407 : memref<50048x16xf32, #tpu.memory_space<vmem_shared>>) offsets(%dma_start3A_404 : memref<128xi32, #tpu.memory_space<vmem>>) semaphore(%arg13 : memref<!tpu.dma_semaphore, #tpu.memory_space<semaphore_mem>>) {add = true}
      %dma_start3A_408 = arith.constant 8 : i32
      %dma_start3A_409 = arith.constant 1024 : i32
      %dma_start3A_410 = arith.constant 0 : i32
      %dma_start3A_411 = tpu.memref_slice %arg9[%rem3A_58, %dma_start3A_409, %dma_start3A_410] : memref<2x1280x16xf32, #tpu.memory_space<vmem>> -> memref<1x128x16xf32, #tpu.memory_space<vmem>>
      %dma_start3A_412 = tpu.memref_squeeze %dma_start3A_411 : memref<1x128x16xf32, #tpu.memory_space<vmem>> -> memref<128x16xf32, #tpu.memory_space<vmem>>
      %dma_start3A_413 = arith.constant 0 : i32
      %dma_start3A_414 = tpu.memref_slice %arg8[%rem3A_60, %dma_start3A_408, %dma_start3A_413] : memref<4x10x128xi32, #tpu.memory_space<vmem>> -> memref<1x1x128xi32, #tpu.memory_space<vmem>>
      %dma_start3A_415 = tpu.memref_squeeze %dma_start3A_414 : memref<1x1x128xi32, #tpu.memory_space<vmem>> -> memref<128xi32, #tpu.memory_space<vmem>>
      %dma_start3A_416 = arith.constant 0 : i32
      %dma_start3A_417 = arith.constant 0 : i32
      %dma_start3A_418 = tpu.memref_slice %arg10[%dma_start3A_416, %dma_start3A_417] : memref<50048x16xf32, #tpu.memory_space<vmem_shared>> -> memref<50048x16xf32, #tpu.memory_space<vmem_shared>>
      tpu.enqueue_indirect_dma source(%dma_start3A_412 : memref<128x16xf32, #tpu.memory_space<vmem>>) target(%dma_start3A_418 : memref<50048x16xf32, #tpu.memory_space<vmem_shared>>) offsets(%dma_start3A_415 : memref<128xi32, #tpu.memory_space<vmem>>) semaphore(%arg13 : memref<!tpu.dma_semaphore, #tpu.memory_space<semaphore_mem>>) {add = true}
      %dma_start3A_419 = arith.constant 9 : i32
      %dma_start3A_420 = arith.constant 1152 : i32
      %dma_start3A_421 = arith.constant 0 : i32
      %dma_start3A_422 = tpu.memref_slice %arg9[%rem3A_58, %dma_start3A_420, %dma_start3A_421] : memref<2x1280x16xf32, #tpu.memory_space<vmem>> -> memref<1x128x16xf32, #tpu.memory_space<vmem>>
      %dma_start3A_423 = tpu.memref_squeeze %dma_start3A_422 : memref<1x128x16xf32, #tpu.memory_space<vmem>> -> memref<128x16xf32, #tpu.memory_space<vmem>>
      %dma_start3A_424 = arith.constant 0 : i32
      %dma_start3A_425 = tpu.memref_slice %arg8[%rem3A_60, %dma_start3A_419, %dma_start3A_424] : memref<4x10x128xi32, #tpu.memory_space<vmem>> -> memref<1x1x128xi32, #tpu.memory_space<vmem>>
      %dma_start3A_426 = tpu.memref_squeeze %dma_start3A_425 : memref<1x1x128xi32, #tpu.memory_space<vmem>> -> memref<128xi32, #tpu.memory_space<vmem>>
      %dma_start3A_427 = arith.constant 0 : i32
      %dma_start3A_428 = arith.constant 0 : i32
      %dma_start3A_429 = tpu.memref_slice %arg10[%dma_start3A_427, %dma_start3A_428] : memref<50048x16xf32, #tpu.memory_space<vmem_shared>> -> memref<50048x16xf32, #tpu.memory_space<vmem_shared>>
      tpu.enqueue_indirect_dma source(%dma_start3A_423 : memref<128x16xf32, #tpu.memory_space<vmem>>) target(%dma_start3A_429 : memref<50048x16xf32, #tpu.memory_space<vmem_shared>>) offsets(%dma_start3A_426 : memref<128xi32, #tpu.memory_space<vmem>>) semaphore(%arg13 : memref<!tpu.dma_semaphore, #tpu.memory_space<semaphore_mem>>) {add = true}
    }
    %while3A_41 = arith.constant 1 : i32
    scf.for %while3A_56 = %while3A_39 to %while3A_35 step %while3A_41  : i32 {
      %rem3A_57 = arith.constant 2 : i32
      %rem3A_58 = arith.remsi %while3A_56, %rem3A_57 : i32
      %rem3A_59 = arith.constant 4 : i32
      %rem3A_60 = arith.remsi %while3A_56, %rem3A_59 : i32
      %add3A_61 = arith.constant 2 : i32
      %add3A_62 = arith.addi %while3A_56, %add3A_61 : i32
      %rem3A_63 = arith.constant 4 : i32
      %rem3A_64 = arith.remsi %add3A_62, %rem3A_63 : i32
      %mul3A_65 = arith.constant 10 : i32
      %mul3A_66 = arith.muli %while3A_56, %mul3A_65 : i32
      %add3A_67 = arith.addi %add3A, %mul3A_66 : i32
      %dma_wait3A = arith.constant 0 : i32
      %dma_wait3A_68 = arith.constant 0 : i32
      %dma_wait3A_69 = tpu.memref_slice %arg7[%rem3A_60, %dma_wait3A, %dma_wait3A_68] : memref<4x10x128xi32, #tpu.memory_space<vmem>> -> memref<1x10x128xi32, #tpu.memory_space<vmem>>
      %dma_wait3A_70 = tpu.memref_squeeze %dma_wait3A_69 : memref<1x10x128xi32, #tpu.memory_space<vmem>> -> memref<10x128xi32, #tpu.memory_space<vmem>>
      %dma_wait3A_71 = arith.constant 0 : i32
      %dma_wait3A_72 = tpu.memref_slice %arg3[%add3A_67, %dma_wait3A_71] : memref<6400x128xi32, #tpu.memory_space<hbm>> -> memref<10x128xi32, #tpu.memory_space<hbm>>
      %dma_wait3A_73 = arith.constant 0 : i32
      %dma_wait3A_74 = arith.constant 0 : i32
      %dma_wait3A_75 = tpu.memref_slice %arg7[%rem3A_60, %dma_wait3A_73, %dma_wait3A_74] : memref<4x10x128xi32, #tpu.memory_space<vmem>> -> memref<1x10x128xi32, #tpu.memory_space<vmem>>
      %dma_wait3A_76 = tpu.memref_squeeze %dma_wait3A_75 : memref<1x10x128xi32, #tpu.memory_space<vmem>> -> memref<10x128xi32, #tpu.memory_space<vmem>>
      %dma_wait3A_77 = arith.constant 0 : i32
      %dma_wait3A_78 = tpu.memref_slice %arg3[%add3A_67, %dma_wait3A_77] : memref<6400x128xi32, #tpu.memory_space<hbm>> -> memref<10x128xi32, #tpu.memory_space<hbm>>
      tpu.wait_dma2 semaphore(%arg11 : memref<!tpu.dma_semaphore, #tpu.memory_space<semaphore_mem>>) src(%dma_wait3A_78 : memref<10x128xi32, #tpu.memory_space<hbm>>) dst(%dma_wait3A_76 : memref<10x128xi32, #tpu.memory_space<vmem>>)
      %dma_wait3A_79 = arith.constant 0 : i32
      %dma_wait3A_80 = arith.constant 0 : i32
      %dma_wait3A_81 = tpu.memref_slice %arg8[%rem3A_60, %dma_wait3A_79, %dma_wait3A_80] : memref<4x10x128xi32, #tpu.memory_space<vmem>> -> memref<1x10x128xi32, #tpu.memory_space<vmem>>
      %dma_wait3A_82 = tpu.memref_squeeze %dma_wait3A_81 : memref<1x10x128xi32, #tpu.memory_space<vmem>> -> memref<10x128xi32, #tpu.memory_space<vmem>>
      %dma_wait3A_83 = arith.constant 0 : i32
      %dma_wait3A_84 = tpu.memref_slice %arg4[%add3A_67, %dma_wait3A_83] : memref<6400x128xi32, #tpu.memory_space<hbm>> -> memref<10x128xi32, #tpu.memory_space<hbm>>
      %dma_wait3A_85 = arith.constant 0 : i32
      %dma_wait3A_86 = arith.constant 0 : i32
      %dma_wait3A_87 = tpu.memref_slice %arg8[%rem3A_60, %dma_wait3A_85, %dma_wait3A_86] : memref<4x10x128xi32, #tpu.memory_space<vmem>> -> memref<1x10x128xi32, #tpu.memory_space<vmem>>
      %dma_wait3A_88 = tpu.memref_squeeze %dma_wait3A_87 : memref<1x10x128xi32, #tpu.memory_space<vmem>> -> memref<10x128xi32, #tpu.memory_space<vmem>>
      %dma_wait3A_89 = arith.constant 0 : i32
      %dma_wait3A_90 = tpu.memref_slice %arg4[%add3A_67, %dma_wait3A_89] : memref<6400x128xi32, #tpu.memory_space<hbm>> -> memref<10x128xi32, #tpu.memory_space<hbm>>
      tpu.wait_dma2 semaphore(%arg11 : memref<!tpu.dma_semaphore, #tpu.memory_space<semaphore_mem>>) src(%dma_wait3A_90 : memref<10x128xi32, #tpu.memory_space<hbm>>) dst(%dma_wait3A_88 : memref<10x128xi32, #tpu.memory_space<vmem>>)
      %ge3A_91 = arith.constant 2 : i32
      %ge3A_92 = arith.cmpi sge, %while3A_56, %ge3A_91 : i32
      %convert_element_type3A_93 = arith.extui %ge3A_92 : i1 to i32
      %cond3A_94 = arith.constant 0 : i32
      %cond3A_95 = arith.cmpi ne, %convert_element_type3A_93, %cond3A_94 : i32
      scf.if %cond3A_95 {
        %dma_wait3A_430 = arith.constant 0 : i32
        %dma_wait3A_431 = arith.constant 0 : i32
        %dma_wait3A_432 = arith.constant 0 : i32
        %dma_wait3A_433 = tpu.memref_slice %arg9[%rem3A_58, %dma_wait3A_431, %dma_wait3A_432] : memref<2x1280x16xf32, #tpu.memory_space<vmem>> -> memref<1x128x16xf32, #tpu.memory_space<vmem>>
        %dma_wait3A_434 = tpu.memref_squeeze %dma_wait3A_433 : memref<1x128x16xf32, #tpu.memory_space<vmem>> -> memref<128x16xf32, #tpu.memory_space<vmem>>
        %dma_wait3A_435 = arith.constant 0 : i32
        %dma_wait3A_436 = tpu.memref_slice %arg8[%rem3A_64, %dma_wait3A_430, %dma_wait3A_435] : memref<4x10x128xi32, #tpu.memory_space<vmem>> -> memref<1x1x128xi32, #tpu.memory_space<vmem>>
        %dma_wait3A_437 = tpu.memref_squeeze %dma_wait3A_436 : memref<1x1x128xi32, #tpu.memory_space<vmem>> -> memref<128xi32, #tpu.memory_space<vmem>>
        %dma_wait3A_438 = arith.constant 0 : i32
        %dma_wait3A_439 = arith.constant 0 : i32
        %dma_wait3A_440 = tpu.memref_slice %arg10[%dma_wait3A_438, %dma_wait3A_439] : memref<50048x16xf32, #tpu.memory_space<vmem_shared>> -> memref<50048x16xf32, #tpu.memory_space<vmem_shared>>
        tpu.wait_indirect_dma semaphore(%arg13 : memref<!tpu.dma_semaphore, #tpu.memory_space<semaphore_mem>>) src(%dma_wait3A_434 : memref<128x16xf32, #tpu.memory_space<vmem>>) dst(%dma_wait3A_440 : memref<50048x16xf32, #tpu.memory_space<vmem_shared>>)
        %dma_wait3A_441 = arith.constant 1 : i32
        %dma_wait3A_442 = arith.constant 128 : i32
        %dma_wait3A_443 = arith.constant 0 : i32
        %dma_wait3A_444 = tpu.memref_slice %arg9[%rem3A_58, %dma_wait3A_442, %dma_wait3A_443] : memref<2x1280x16xf32, #tpu.memory_space<vmem>> -> memref<1x128x16xf32, #tpu.memory_space<vmem>>
        %dma_wait3A_445 = tpu.memref_squeeze %dma_wait3A_444 : memref<1x128x16xf32, #tpu.memory_space<vmem>> -> memref<128x16xf32, #tpu.memory_space<vmem>>
        %dma_wait3A_446 = arith.constant 0 : i32
        %dma_wait3A_447 = tpu.memref_slice %arg8[%rem3A_64, %dma_wait3A_441, %dma_wait3A_446] : memref<4x10x128xi32, #tpu.memory_space<vmem>> -> memref<1x1x128xi32, #tpu.memory_space<vmem>>
        %dma_wait3A_448 = tpu.memref_squeeze %dma_wait3A_447 : memref<1x1x128xi32, #tpu.memory_space<vmem>> -> memref<128xi32, #tpu.memory_space<vmem>>
        %dma_wait3A_449 = arith.constant 0 : i32
        %dma_wait3A_450 = arith.constant 0 : i32
        %dma_wait3A_451 = tpu.memref_slice %arg10[%dma_wait3A_449, %dma_wait3A_450] : memref<50048x16xf32, #tpu.memory_space<vmem_shared>> -> memref<50048x16xf32, #tpu.memory_space<vmem_shared>>
        tpu.wait_indirect_dma semaphore(%arg13 : memref<!tpu.dma_semaphore, #tpu.memory_space<semaphore_mem>>) src(%dma_wait3A_445 : memref<128x16xf32, #tpu.memory_space<vmem>>) dst(%dma_wait3A_451 : memref<50048x16xf32, #tpu.memory_space<vmem_shared>>)
        %dma_wait3A_452 = arith.constant 2 : i32
        %dma_wait3A_453 = arith.constant 256 : i32
        %dma_wait3A_454 = arith.constant 0 : i32
        %dma_wait3A_455 = tpu.memref_slice %arg9[%rem3A_58, %dma_wait3A_453, %dma_wait3A_454] : memref<2x1280x16xf32, #tpu.memory_space<vmem>> -> memref<1x128x16xf32, #tpu.memory_space<vmem>>
        %dma_wait3A_456 = tpu.memref_squeeze %dma_wait3A_455 : memref<1x128x16xf32, #tpu.memory_space<vmem>> -> memref<128x16xf32, #tpu.memory_space<vmem>>
        %dma_wait3A_457 = arith.constant 0 : i32
        %dma_wait3A_458 = tpu.memref_slice %arg8[%rem3A_64, %dma_wait3A_452, %dma_wait3A_457] : memref<4x10x128xi32, #tpu.memory_space<vmem>> -> memref<1x1x128xi32, #tpu.memory_space<vmem>>
        %dma_wait3A_459 = tpu.memref_squeeze %dma_wait3A_458 : memref<1x1x128xi32, #tpu.memory_space<vmem>> -> memref<128xi32, #tpu.memory_space<vmem>>
        %dma_wait3A_460 = arith.constant 0 : i32
        %dma_wait3A_461 = arith.constant 0 : i32
        %dma_wait3A_462 = tpu.memref_slice %arg10[%dma_wait3A_460, %dma_wait3A_461] : memref<50048x16xf32, #tpu.memory_space<vmem_shared>> -> memref<50048x16xf32, #tpu.memory_space<vmem_shared>>
        tpu.wait_indirect_dma semaphore(%arg13 : memref<!tpu.dma_semaphore, #tpu.memory_space<semaphore_mem>>) src(%dma_wait3A_456 : memref<128x16xf32, #tpu.memory_space<vmem>>) dst(%dma_wait3A_462 : memref<50048x16xf32, #tpu.memory_space<vmem_shared>>)
        %dma_wait3A_463 = arith.constant 3 : i32
        %dma_wait3A_464 = arith.constant 384 : i32
        %dma_wait3A_465 = arith.constant 0 : i32
        %dma_wait3A_466 = tpu.memref_slice %arg9[%rem3A_58, %dma_wait3A_464, %dma_wait3A_465] : memref<2x1280x16xf32, #tpu.memory_space<vmem>> -> memref<1x128x16xf32, #tpu.memory_space<vmem>>
        %dma_wait3A_467 = tpu.memref_squeeze %dma_wait3A_466 : memref<1x128x16xf32, #tpu.memory_space<vmem>> -> memref<128x16xf32, #tpu.memory_space<vmem>>
        %dma_wait3A_468 = arith.constant 0 : i32
        %dma_wait3A_469 = tpu.memref_slice %arg8[%rem3A_64, %dma_wait3A_463, %dma_wait3A_468] : memref<4x10x128xi32, #tpu.memory_space<vmem>> -> memref<1x1x128xi32, #tpu.memory_space<vmem>>
        %dma_wait3A_470 = tpu.memref_squeeze %dma_wait3A_469 : memref<1x1x128xi32, #tpu.memory_space<vmem>> -> memref<128xi32, #tpu.memory_space<vmem>>
        %dma_wait3A_471 = arith.constant 0 : i32
        %dma_wait3A_472 = arith.constant 0 : i32
        %dma_wait3A_473 = tpu.memref_slice %arg10[%dma_wait3A_471, %dma_wait3A_472] : memref<50048x16xf32, #tpu.memory_space<vmem_shared>> -> memref<50048x16xf32, #tpu.memory_space<vmem_shared>>
        tpu.wait_indirect_dma semaphore(%arg13 : memref<!tpu.dma_semaphore, #tpu.memory_space<semaphore_mem>>) src(%dma_wait3A_467 : memref<128x16xf32, #tpu.memory_space<vmem>>) dst(%dma_wait3A_473 : memref<50048x16xf32, #tpu.memory_space<vmem_shared>>)
        %dma_wait3A_474 = arith.constant 4 : i32
        %dma_wait3A_475 = arith.constant 512 : i32
        %dma_wait3A_476 = arith.constant 0 : i32
        %dma_wait3A_477 = tpu.memref_slice %arg9[%rem3A_58, %dma_wait3A_475, %dma_wait3A_476] : memref<2x1280x16xf32, #tpu.memory_space<vmem>> -> memref<1x128x16xf32, #tpu.memory_space<vmem>>
        %dma_wait3A_478 = tpu.memref_squeeze %dma_wait3A_477 : memref<1x128x16xf32, #tpu.memory_space<vmem>> -> memref<128x16xf32, #tpu.memory_space<vmem>>
        %dma_wait3A_479 = arith.constant 0 : i32
        %dma_wait3A_480 = tpu.memref_slice %arg8[%rem3A_64, %dma_wait3A_474, %dma_wait3A_479] : memref<4x10x128xi32, #tpu.memory_space<vmem>> -> memref<1x1x128xi32, #tpu.memory_space<vmem>>
        %dma_wait3A_481 = tpu.memref_squeeze %dma_wait3A_480 : memref<1x1x128xi32, #tpu.memory_space<vmem>> -> memref<128xi32, #tpu.memory_space<vmem>>
        %dma_wait3A_482 = arith.constant 0 : i32
        %dma_wait3A_483 = arith.constant 0 : i32
        %dma_wait3A_484 = tpu.memref_slice %arg10[%dma_wait3A_482, %dma_wait3A_483] : memref<50048x16xf32, #tpu.memory_space<vmem_shared>> -> memref<50048x16xf32, #tpu.memory_space<vmem_shared>>
        tpu.wait_indirect_dma semaphore(%arg13 : memref<!tpu.dma_semaphore, #tpu.memory_space<semaphore_mem>>) src(%dma_wait3A_478 : memref<128x16xf32, #tpu.memory_space<vmem>>) dst(%dma_wait3A_484 : memref<50048x16xf32, #tpu.memory_space<vmem_shared>>)
        %dma_wait3A_485 = arith.constant 5 : i32
        %dma_wait3A_486 = arith.constant 640 : i32
        %dma_wait3A_487 = arith.constant 0 : i32
        %dma_wait3A_488 = tpu.memref_slice %arg9[%rem3A_58, %dma_wait3A_486, %dma_wait3A_487] : memref<2x1280x16xf32, #tpu.memory_space<vmem>> -> memref<1x128x16xf32, #tpu.memory_space<vmem>>
        %dma_wait3A_489 = tpu.memref_squeeze %dma_wait3A_488 : memref<1x128x16xf32, #tpu.memory_space<vmem>> -> memref<128x16xf32, #tpu.memory_space<vmem>>
        %dma_wait3A_490 = arith.constant 0 : i32
        %dma_wait3A_491 = tpu.memref_slice %arg8[%rem3A_64, %dma_wait3A_485, %dma_wait3A_490] : memref<4x10x128xi32, #tpu.memory_space<vmem>> -> memref<1x1x128xi32, #tpu.memory_space<vmem>>
        %dma_wait3A_492 = tpu.memref_squeeze %dma_wait3A_491 : memref<1x1x128xi32, #tpu.memory_space<vmem>> -> memref<128xi32, #tpu.memory_space<vmem>>
        %dma_wait3A_493 = arith.constant 0 : i32
        %dma_wait3A_494 = arith.constant 0 : i32
        %dma_wait3A_495 = tpu.memref_slice %arg10[%dma_wait3A_493, %dma_wait3A_494] : memref<50048x16xf32, #tpu.memory_space<vmem_shared>> -> memref<50048x16xf32, #tpu.memory_space<vmem_shared>>
        tpu.wait_indirect_dma semaphore(%arg13 : memref<!tpu.dma_semaphore, #tpu.memory_space<semaphore_mem>>) src(%dma_wait3A_489 : memref<128x16xf32, #tpu.memory_space<vmem>>) dst(%dma_wait3A_495 : memref<50048x16xf32, #tpu.memory_space<vmem_shared>>)
        %dma_wait3A_496 = arith.constant 6 : i32
        %dma_wait3A_497 = arith.constant 768 : i32
        %dma_wait3A_498 = arith.constant 0 : i32
        %dma_wait3A_499 = tpu.memref_slice %arg9[%rem3A_58, %dma_wait3A_497, %dma_wait3A_498] : memref<2x1280x16xf32, #tpu.memory_space<vmem>> -> memref<1x128x16xf32, #tpu.memory_space<vmem>>
        %dma_wait3A_500 = tpu.memref_squeeze %dma_wait3A_499 : memref<1x128x16xf32, #tpu.memory_space<vmem>> -> memref<128x16xf32, #tpu.memory_space<vmem>>
        %dma_wait3A_501 = arith.constant 0 : i32
        %dma_wait3A_502 = tpu.memref_slice %arg8[%rem3A_64, %dma_wait3A_496, %dma_wait3A_501] : memref<4x10x128xi32, #tpu.memory_space<vmem>> -> memref<1x1x128xi32, #tpu.memory_space<vmem>>
        %dma_wait3A_503 = tpu.memref_squeeze %dma_wait3A_502 : memref<1x1x128xi32, #tpu.memory_space<vmem>> -> memref<128xi32, #tpu.memory_space<vmem>>
        %dma_wait3A_504 = arith.constant 0 : i32
        %dma_wait3A_505 = arith.constant 0 : i32
        %dma_wait3A_506 = tpu.memref_slice %arg10[%dma_wait3A_504, %dma_wait3A_505] : memref<50048x16xf32, #tpu.memory_space<vmem_shared>> -> memref<50048x16xf32, #tpu.memory_space<vmem_shared>>
        tpu.wait_indirect_dma semaphore(%arg13 : memref<!tpu.dma_semaphore, #tpu.memory_space<semaphore_mem>>) src(%dma_wait3A_500 : memref<128x16xf32, #tpu.memory_space<vmem>>) dst(%dma_wait3A_506 : memref<50048x16xf32, #tpu.memory_space<vmem_shared>>)
        %dma_wait3A_507 = arith.constant 7 : i32
        %dma_wait3A_508 = arith.constant 896 : i32
        %dma_wait3A_509 = arith.constant 0 : i32
        %dma_wait3A_510 = tpu.memref_slice %arg9[%rem3A_58, %dma_wait3A_508, %dma_wait3A_509] : memref<2x1280x16xf32, #tpu.memory_space<vmem>> -> memref<1x128x16xf32, #tpu.memory_space<vmem>>
        %dma_wait3A_511 = tpu.memref_squeeze %dma_wait3A_510 : memref<1x128x16xf32, #tpu.memory_space<vmem>> -> memref<128x16xf32, #tpu.memory_space<vmem>>
        %dma_wait3A_512 = arith.constant 0 : i32
        %dma_wait3A_513 = tpu.memref_slice %arg8[%rem3A_64, %dma_wait3A_507, %dma_wait3A_512] : memref<4x10x128xi32, #tpu.memory_space<vmem>> -> memref<1x1x128xi32, #tpu.memory_space<vmem>>
        %dma_wait3A_514 = tpu.memref_squeeze %dma_wait3A_513 : memref<1x1x128xi32, #tpu.memory_space<vmem>> -> memref<128xi32, #tpu.memory_space<vmem>>
        %dma_wait3A_515 = arith.constant 0 : i32
        %dma_wait3A_516 = arith.constant 0 : i32
        %dma_wait3A_517 = tpu.memref_slice %arg10[%dma_wait3A_515, %dma_wait3A_516] : memref<50048x16xf32, #tpu.memory_space<vmem_shared>> -> memref<50048x16xf32, #tpu.memory_space<vmem_shared>>
        tpu.wait_indirect_dma semaphore(%arg13 : memref<!tpu.dma_semaphore, #tpu.memory_space<semaphore_mem>>) src(%dma_wait3A_511 : memref<128x16xf32, #tpu.memory_space<vmem>>) dst(%dma_wait3A_517 : memref<50048x16xf32, #tpu.memory_space<vmem_shared>>)
        %dma_wait3A_518 = arith.constant 8 : i32
        %dma_wait3A_519 = arith.constant 1024 : i32
        %dma_wait3A_520 = arith.constant 0 : i32
        %dma_wait3A_521 = tpu.memref_slice %arg9[%rem3A_58, %dma_wait3A_519, %dma_wait3A_520] : memref<2x1280x16xf32, #tpu.memory_space<vmem>> -> memref<1x128x16xf32, #tpu.memory_space<vmem>>
        %dma_wait3A_522 = tpu.memref_squeeze %dma_wait3A_521 : memref<1x128x16xf32, #tpu.memory_space<vmem>> -> memref<128x16xf32, #tpu.memory_space<vmem>>
        %dma_wait3A_523 = arith.constant 0 : i32
        %dma_wait3A_524 = tpu.memref_slice %arg8[%rem3A_64, %dma_wait3A_518, %dma_wait3A_523] : memref<4x10x128xi32, #tpu.memory_space<vmem>> -> memref<1x1x128xi32, #tpu.memory_space<vmem>>
        %dma_wait3A_525 = tpu.memref_squeeze %dma_wait3A_524 : memref<1x1x128xi32, #tpu.memory_space<vmem>> -> memref<128xi32, #tpu.memory_space<vmem>>
        %dma_wait3A_526 = arith.constant 0 : i32
        %dma_wait3A_527 = arith.constant 0 : i32
        %dma_wait3A_528 = tpu.memref_slice %arg10[%dma_wait3A_526, %dma_wait3A_527] : memref<50048x16xf32, #tpu.memory_space<vmem_shared>> -> memref<50048x16xf32, #tpu.memory_space<vmem_shared>>
        tpu.wait_indirect_dma semaphore(%arg13 : memref<!tpu.dma_semaphore, #tpu.memory_space<semaphore_mem>>) src(%dma_wait3A_522 : memref<128x16xf32, #tpu.memory_space<vmem>>) dst(%dma_wait3A_528 : memref<50048x16xf32, #tpu.memory_space<vmem_shared>>)
        %dma_wait3A_529 = arith.constant 9 : i32
        %dma_wait3A_530 = arith.constant 1152 : i32
        %dma_wait3A_531 = arith.constant 0 : i32
        %dma_wait3A_532 = tpu.memref_slice %arg9[%rem3A_58, %dma_wait3A_530, %dma_wait3A_531] : memref<2x1280x16xf32, #tpu.memory_space<vmem>> -> memref<1x128x16xf32, #tpu.memory_space<vmem>>
        %dma_wait3A_533 = tpu.memref_squeeze %dma_wait3A_532 : memref<1x128x16xf32, #tpu.memory_space<vmem>> -> memref<128x16xf32, #tpu.memory_space<vmem>>
        %dma_wait3A_534 = arith.constant 0 : i32
        %dma_wait3A_535 = tpu.memref_slice %arg8[%rem3A_64, %dma_wait3A_529, %dma_wait3A_534] : memref<4x10x128xi32, #tpu.memory_space<vmem>> -> memref<1x1x128xi32, #tpu.memory_space<vmem>>
        %dma_wait3A_536 = tpu.memref_squeeze %dma_wait3A_535 : memref<1x1x128xi32, #tpu.memory_space<vmem>> -> memref<128xi32, #tpu.memory_space<vmem>>
        %dma_wait3A_537 = arith.constant 0 : i32
        %dma_wait3A_538 = arith.constant 0 : i32
        %dma_wait3A_539 = tpu.memref_slice %arg10[%dma_wait3A_537, %dma_wait3A_538] : memref<50048x16xf32, #tpu.memory_space<vmem_shared>> -> memref<50048x16xf32, #tpu.memory_space<vmem_shared>>
        tpu.wait_indirect_dma semaphore(%arg13 : memref<!tpu.dma_semaphore, #tpu.memory_space<semaphore_mem>>) src(%dma_wait3A_533 : memref<128x16xf32, #tpu.memory_space<vmem>>) dst(%dma_wait3A_539 : memref<50048x16xf32, #tpu.memory_space<vmem_shared>>)
      } else {
      }
      %dma_start3A = arith.constant 0 : i32
      %dma_start3A_96 = arith.constant 0 : i32
      %dma_start3A_97 = arith.constant 0 : i32
      %dma_start3A_98 = tpu.memref_slice %arg9[%rem3A_58, %dma_start3A_96, %dma_start3A_97] : memref<2x1280x16xf32, #tpu.memory_space<vmem>> -> memref<1x128x16xf32, #tpu.memory_space<vmem>>
      %dma_start3A_99 = tpu.memref_squeeze %dma_start3A_98 : memref<1x128x16xf32, #tpu.memory_space<vmem>> -> memref<128x16xf32, #tpu.memory_space<vmem>>
      %dma_start3A_100 = arith.constant 0 : i32
      %dma_start3A_101 = tpu.memref_slice %arg7[%rem3A_60, %dma_start3A, %dma_start3A_100] : memref<4x10x128xi32, #tpu.memory_space<vmem>> -> memref<1x1x128xi32, #tpu.memory_space<vmem>>
      %dma_start3A_102 = tpu.memref_squeeze %dma_start3A_101 : memref<1x1x128xi32, #tpu.memory_space<vmem>> -> memref<128xi32, #tpu.memory_space<vmem>>
      %dma_start3A_103 = arith.constant 0 : i32
      %dma_start3A_104 = arith.constant 0 : i32
      %dma_start3A_105 = tpu.memref_slice %arg5[%dma_start3A_103, %dma_start3A_104] : memref<400000x16xf32, #tpu.memory_space<hbm>> -> memref<400000x16xf32, #tpu.memory_space<hbm>>
      tpu.enqueue_indirect_dma source(%dma_start3A_105 : memref<400000x16xf32, #tpu.memory_space<hbm>>) target(%dma_start3A_99 : memref<128x16xf32, #tpu.memory_space<vmem>>) offsets(%dma_start3A_102 : memref<128xi32, #tpu.memory_space<vmem>>) semaphore(%arg12 : memref<!tpu.dma_semaphore, #tpu.memory_space<semaphore_mem>>)
      %dma_start3A_106 = arith.constant 1 : i32
      %dma_start3A_107 = arith.constant 128 : i32
      %dma_start3A_108 = arith.constant 0 : i32
      %dma_start3A_109 = tpu.memref_slice %arg9[%rem3A_58, %dma_start3A_107, %dma_start3A_108] : memref<2x1280x16xf32, #tpu.memory_space<vmem>> -> memref<1x128x16xf32, #tpu.memory_space<vmem>>
      %dma_start3A_110 = tpu.memref_squeeze %dma_start3A_109 : memref<1x128x16xf32, #tpu.memory_space<vmem>> -> memref<128x16xf32, #tpu.memory_space<vmem>>
      %dma_start3A_111 = arith.constant 0 : i32
      %dma_start3A_112 = tpu.memref_slice %arg7[%rem3A_60, %dma_start3A_106, %dma_start3A_111] : memref<4x10x128xi32, #tpu.memory_space<vmem>> -> memref<1x1x128xi32, #tpu.memory_space<vmem>>
      %dma_start3A_113 = tpu.memref_squeeze %dma_start3A_112 : memref<1x1x128xi32, #tpu.memory_space<vmem>> -> memref<128xi32, #tpu.memory_space<vmem>>
      %dma_start3A_114 = arith.constant 0 : i32
      %dma_start3A_115 = arith.constant 0 : i32
      %dma_start3A_116 = tpu.memref_slice %arg5[%dma_start3A_114, %dma_start3A_115] : memref<400000x16xf32, #tpu.memory_space<hbm>> -> memref<400000x16xf32, #tpu.memory_space<hbm>>
      tpu.enqueue_indirect_dma source(%dma_start3A_116 : memref<400000x16xf32, #tpu.memory_space<hbm>>) target(%dma_start3A_110 : memref<128x16xf32, #tpu.memory_space<vmem>>) offsets(%dma_start3A_113 : memref<128xi32, #tpu.memory_space<vmem>>) semaphore(%arg12 : memref<!tpu.dma_semaphore, #tpu.memory_space<semaphore_mem>>)
      %dma_start3A_117 = arith.constant 2 : i32
      %dma_start3A_118 = arith.constant 256 : i32
      %dma_start3A_119 = arith.constant 0 : i32
      %dma_start3A_120 = tpu.memref_slice %arg9[%rem3A_58, %dma_start3A_118, %dma_start3A_119] : memref<2x1280x16xf32, #tpu.memory_space<vmem>> -> memref<1x128x16xf32, #tpu.memory_space<vmem>>
      %dma_start3A_121 = tpu.memref_squeeze %dma_start3A_120 : memref<1x128x16xf32, #tpu.memory_space<vmem>> -> memref<128x16xf32, #tpu.memory_space<vmem>>
      %dma_start3A_122 = arith.constant 0 : i32
      %dma_start3A_123 = tpu.memref_slice %arg7[%rem3A_60, %dma_start3A_117, %dma_start3A_122] : memref<4x10x128xi32, #tpu.memory_space<vmem>> -> memref<1x1x128xi32, #tpu.memory_space<vmem>>
      %dma_start3A_124 = tpu.memref_squeeze %dma_start3A_123 : memref<1x1x128xi32, #tpu.memory_space<vmem>> -> memref<128xi32, #tpu.memory_space<vmem>>
      %dma_start3A_125 = arith.constant 0 : i32
      %dma_start3A_126 = arith.constant 0 : i32
      %dma_start3A_127 = tpu.memref_slice %arg5[%dma_start3A_125, %dma_start3A_126] : memref<400000x16xf32, #tpu.memory_space<hbm>> -> memref<400000x16xf32, #tpu.memory_space<hbm>>
      tpu.enqueue_indirect_dma source(%dma_start3A_127 : memref<400000x16xf32, #tpu.memory_space<hbm>>) target(%dma_start3A_121 : memref<128x16xf32, #tpu.memory_space<vmem>>) offsets(%dma_start3A_124 : memref<128xi32, #tpu.memory_space<vmem>>) semaphore(%arg12 : memref<!tpu.dma_semaphore, #tpu.memory_space<semaphore_mem>>)
      %dma_start3A_128 = arith.constant 3 : i32
      %dma_start3A_129 = arith.constant 384 : i32
      %dma_start3A_130 = arith.constant 0 : i32
      %dma_start3A_131 = tpu.memref_slice %arg9[%rem3A_58, %dma_start3A_129, %dma_start3A_130] : memref<2x1280x16xf32, #tpu.memory_space<vmem>> -> memref<1x128x16xf32, #tpu.memory_space<vmem>>
      %dma_start3A_132 = tpu.memref_squeeze %dma_start3A_131 : memref<1x128x16xf32, #tpu.memory_space<vmem>> -> memref<128x16xf32, #tpu.memory_space<vmem>>
      %dma_start3A_133 = arith.constant 0 : i32
      %dma_start3A_134 = tpu.memref_slice %arg7[%rem3A_60, %dma_start3A_128, %dma_start3A_133] : memref<4x10x128xi32, #tpu.memory_space<vmem>> -> memref<1x1x128xi32, #tpu.memory_space<vmem>>
      %dma_start3A_135 = tpu.memref_squeeze %dma_start3A_134 : memref<1x1x128xi32, #tpu.memory_space<vmem>> -> memref<128xi32, #tpu.memory_space<vmem>>
      %dma_start3A_136 = arith.constant 0 : i32
      %dma_start3A_137 = arith.constant 0 : i32
      %dma_start3A_138 = tpu.memref_slice %arg5[%dma_start3A_136, %dma_start3A_137] : memref<400000x16xf32, #tpu.memory_space<hbm>> -> memref<400000x16xf32, #tpu.memory_space<hbm>>
      tpu.enqueue_indirect_dma source(%dma_start3A_138 : memref<400000x16xf32, #tpu.memory_space<hbm>>) target(%dma_start3A_132 : memref<128x16xf32, #tpu.memory_space<vmem>>) offsets(%dma_start3A_135 : memref<128xi32, #tpu.memory_space<vmem>>) semaphore(%arg12 : memref<!tpu.dma_semaphore, #tpu.memory_space<semaphore_mem>>)
      %dma_start3A_139 = arith.constant 4 : i32
      %dma_start3A_140 = arith.constant 512 : i32
      %dma_start3A_141 = arith.constant 0 : i32
      %dma_start3A_142 = tpu.memref_slice %arg9[%rem3A_58, %dma_start3A_140, %dma_start3A_141] : memref<2x1280x16xf32, #tpu.memory_space<vmem>> -> memref<1x128x16xf32, #tpu.memory_space<vmem>>
      %dma_start3A_143 = tpu.memref_squeeze %dma_start3A_142 : memref<1x128x16xf32, #tpu.memory_space<vmem>> -> memref<128x16xf32, #tpu.memory_space<vmem>>
      %dma_start3A_144 = arith.constant 0 : i32
      %dma_start3A_145 = tpu.memref_slice %arg7[%rem3A_60, %dma_start3A_139, %dma_start3A_144] : memref<4x10x128xi32, #tpu.memory_space<vmem>> -> memref<1x1x128xi32, #tpu.memory_space<vmem>>
      %dma_start3A_146 = tpu.memref_squeeze %dma_start3A_145 : memref<1x1x128xi32, #tpu.memory_space<vmem>> -> memref<128xi32, #tpu.memory_space<vmem>>
      %dma_start3A_147 = arith.constant 0 : i32
      %dma_start3A_148 = arith.constant 0 : i32
      %dma_start3A_149 = tpu.memref_slice %arg5[%dma_start3A_147, %dma_start3A_148] : memref<400000x16xf32, #tpu.memory_space<hbm>> -> memref<400000x16xf32, #tpu.memory_space<hbm>>
      tpu.enqueue_indirect_dma source(%dma_start3A_149 : memref<400000x16xf32, #tpu.memory_space<hbm>>) target(%dma_start3A_143 : memref<128x16xf32, #tpu.memory_space<vmem>>) offsets(%dma_start3A_146 : memref<128xi32, #tpu.memory_space<vmem>>) semaphore(%arg12 : memref<!tpu.dma_semaphore, #tpu.memory_space<semaphore_mem>>)
      %dma_start3A_150 = arith.constant 5 : i32
      %dma_start3A_151 = arith.constant 640 : i32
      %dma_start3A_152 = arith.constant 0 : i32
      %dma_start3A_153 = tpu.memref_slice %arg9[%rem3A_58, %dma_start3A_151, %dma_start3A_152] : memref<2x1280x16xf32, #tpu.memory_space<vmem>> -> memref<1x128x16xf32, #tpu.memory_space<vmem>>
      %dma_start3A_154 = tpu.memref_squeeze %dma_start3A_153 : memref<1x128x16xf32, #tpu.memory_space<vmem>> -> memref<128x16xf32, #tpu.memory_space<vmem>>
      %dma_start3A_155 = arith.constant 0 : i32
      %dma_start3A_156 = tpu.memref_slice %arg7[%rem3A_60, %dma_start3A_150, %dma_start3A_155] : memref<4x10x128xi32, #tpu.memory_space<vmem>> -> memref<1x1x128xi32, #tpu.memory_space<vmem>>
      %dma_start3A_157 = tpu.memref_squeeze %dma_start3A_156 : memref<1x1x128xi32, #tpu.memory_space<vmem>> -> memref<128xi32, #tpu.memory_space<vmem>>
      %dma_start3A_158 = arith.constant 0 : i32
      %dma_start3A_159 = arith.constant 0 : i32
      %dma_start3A_160 = tpu.memref_slice %arg5[%dma_start3A_158, %dma_start3A_159] : memref<400000x16xf32, #tpu.memory_space<hbm>> -> memref<400000x16xf32, #tpu.memory_space<hbm>>
      tpu.enqueue_indirect_dma source(%dma_start3A_160 : memref<400000x16xf32, #tpu.memory_space<hbm>>) target(%dma_start3A_154 : memref<128x16xf32, #tpu.memory_space<vmem>>) offsets(%dma_start3A_157 : memref<128xi32, #tpu.memory_space<vmem>>) semaphore(%arg12 : memref<!tpu.dma_semaphore, #tpu.memory_space<semaphore_mem>>)
      %dma_start3A_161 = arith.constant 6 : i32
      %dma_start3A_162 = arith.constant 768 : i32
      %dma_start3A_163 = arith.constant 0 : i32
      %dma_start3A_164 = tpu.memref_slice %arg9[%rem3A_58, %dma_start3A_162, %dma_start3A_163] : memref<2x1280x16xf32, #tpu.memory_space<vmem>> -> memref<1x128x16xf32, #tpu.memory_space<vmem>>
      %dma_start3A_165 = tpu.memref_squeeze %dma_start3A_164 : memref<1x128x16xf32, #tpu.memory_space<vmem>> -> memref<128x16xf32, #tpu.memory_space<vmem>>
      %dma_start3A_166 = arith.constant 0 : i32
      %dma_start3A_167 = tpu.memref_slice %arg7[%rem3A_60, %dma_start3A_161, %dma_start3A_166] : memref<4x10x128xi32, #tpu.memory_space<vmem>> -> memref<1x1x128xi32, #tpu.memory_space<vmem>>
      %dma_start3A_168 = tpu.memref_squeeze %dma_start3A_167 : memref<1x1x128xi32, #tpu.memory_space<vmem>> -> memref<128xi32, #tpu.memory_space<vmem>>
      %dma_start3A_169 = arith.constant 0 : i32
      %dma_start3A_170 = arith.constant 0 : i32
      %dma_start3A_171 = tpu.memref_slice %arg5[%dma_start3A_169, %dma_start3A_170] : memref<400000x16xf32, #tpu.memory_space<hbm>> -> memref<400000x16xf32, #tpu.memory_space<hbm>>
      tpu.enqueue_indirect_dma source(%dma_start3A_171 : memref<400000x16xf32, #tpu.memory_space<hbm>>) target(%dma_start3A_165 : memref<128x16xf32, #tpu.memory_space<vmem>>) offsets(%dma_start3A_168 : memref<128xi32, #tpu.memory_space<vmem>>) semaphore(%arg12 : memref<!tpu.dma_semaphore, #tpu.memory_space<semaphore_mem>>)
      %dma_start3A_172 = arith.constant 7 : i32
      %dma_start3A_173 = arith.constant 896 : i32
      %dma_start3A_174 = arith.constant 0 : i32
      %dma_start3A_175 = tpu.memref_slice %arg9[%rem3A_58, %dma_start3A_173, %dma_start3A_174] : memref<2x1280x16xf32, #tpu.memory_space<vmem>> -> memref<1x128x16xf32, #tpu.memory_space<vmem>>
      %dma_start3A_176 = tpu.memref_squeeze %dma_start3A_175 : memref<1x128x16xf32, #tpu.memory_space<vmem>> -> memref<128x16xf32, #tpu.memory_space<vmem>>
      %dma_start3A_177 = arith.constant 0 : i32
      %dma_start3A_178 = tpu.memref_slice %arg7[%rem3A_60, %dma_start3A_172, %dma_start3A_177] : memref<4x10x128xi32, #tpu.memory_space<vmem>> -> memref<1x1x128xi32, #tpu.memory_space<vmem>>
      %dma_start3A_179 = tpu.memref_squeeze %dma_start3A_178 : memref<1x1x128xi32, #tpu.memory_space<vmem>> -> memref<128xi32, #tpu.memory_space<vmem>>
      %dma_start3A_180 = arith.constant 0 : i32
      %dma_start3A_181 = arith.constant 0 : i32
      %dma_start3A_182 = tpu.memref_slice %arg5[%dma_start3A_180, %dma_start3A_181] : memref<400000x16xf32, #tpu.memory_space<hbm>> -> memref<400000x16xf32, #tpu.memory_space<hbm>>
      tpu.enqueue_indirect_dma source(%dma_start3A_182 : memref<400000x16xf32, #tpu.memory_space<hbm>>) target(%dma_start3A_176 : memref<128x16xf32, #tpu.memory_space<vmem>>) offsets(%dma_start3A_179 : memref<128xi32, #tpu.memory_space<vmem>>) semaphore(%arg12 : memref<!tpu.dma_semaphore, #tpu.memory_space<semaphore_mem>>)
      %dma_start3A_183 = arith.constant 8 : i32
      %dma_start3A_184 = arith.constant 1024 : i32
      %dma_start3A_185 = arith.constant 0 : i32
      %dma_start3A_186 = tpu.memref_slice %arg9[%rem3A_58, %dma_start3A_184, %dma_start3A_185] : memref<2x1280x16xf32, #tpu.memory_space<vmem>> -> memref<1x128x16xf32, #tpu.memory_space<vmem>>
      %dma_start3A_187 = tpu.memref_squeeze %dma_start3A_186 : memref<1x128x16xf32, #tpu.memory_space<vmem>> -> memref<128x16xf32, #tpu.memory_space<vmem>>
      %dma_start3A_188 = arith.constant 0 : i32
      %dma_start3A_189 = tpu.memref_slice %arg7[%rem3A_60, %dma_start3A_183, %dma_start3A_188] : memref<4x10x128xi32, #tpu.memory_space<vmem>> -> memref<1x1x128xi32, #tpu.memory_space<vmem>>
      %dma_start3A_190 = tpu.memref_squeeze %dma_start3A_189 : memref<1x1x128xi32, #tpu.memory_space<vmem>> -> memref<128xi32, #tpu.memory_space<vmem>>
      %dma_start3A_191 = arith.constant 0 : i32
      %dma_start3A_192 = arith.constant 0 : i32
      %dma_start3A_193 = tpu.memref_slice %arg5[%dma_start3A_191, %dma_start3A_192] : memref<400000x16xf32, #tpu.memory_space<hbm>> -> memref<400000x16xf32, #tpu.memory_space<hbm>>
      tpu.enqueue_indirect_dma source(%dma_start3A_193 : memref<400000x16xf32, #tpu.memory_space<hbm>>) target(%dma_start3A_187 : memref<128x16xf32, #tpu.memory_space<vmem>>) offsets(%dma_start3A_190 : memref<128xi32, #tpu.memory_space<vmem>>) semaphore(%arg12 : memref<!tpu.dma_semaphore, #tpu.memory_space<semaphore_mem>>)
      %dma_start3A_194 = arith.constant 9 : i32
      %dma_start3A_195 = arith.constant 1152 : i32
      %dma_start3A_196 = arith.constant 0 : i32
      %dma_start3A_197 = tpu.memref_slice %arg9[%rem3A_58, %dma_start3A_195, %dma_start3A_196] : memref<2x1280x16xf32, #tpu.memory_space<vmem>> -> memref<1x128x16xf32, #tpu.memory_space<vmem>>
      %dma_start3A_198 = tpu.memref_squeeze %dma_start3A_197 : memref<1x128x16xf32, #tpu.memory_space<vmem>> -> memref<128x16xf32, #tpu.memory_space<vmem>>
      %dma_start3A_199 = arith.constant 0 : i32
      %dma_start3A_200 = tpu.memref_slice %arg7[%rem3A_60, %dma_start3A_194, %dma_start3A_199] : memref<4x10x128xi32, #tpu.memory_space<vmem>> -> memref<1x1x128xi32, #tpu.memory_space<vmem>>
      %dma_start3A_201 = tpu.memref_squeeze %dma_start3A_200 : memref<1x1x128xi32, #tpu.memory_space<vmem>> -> memref<128xi32, #tpu.memory_space<vmem>>
      %dma_start3A_202 = arith.constant 0 : i32
      %dma_start3A_203 = arith.constant 0 : i32
      %dma_start3A_204 = tpu.memref_slice %arg5[%dma_start3A_202, %dma_start3A_203] : memref<400000x16xf32, #tpu.memory_space<hbm>> -> memref<400000x16xf32, #tpu.memory_space<hbm>>
      tpu.enqueue_indirect_dma source(%dma_start3A_204 : memref<400000x16xf32, #tpu.memory_space<hbm>>) target(%dma_start3A_198 : memref<128x16xf32, #tpu.memory_space<vmem>>) offsets(%dma_start3A_201 : memref<128xi32, #tpu.memory_space<vmem>>) semaphore(%arg12 : memref<!tpu.dma_semaphore, #tpu.memory_space<semaphore_mem>>)
      %sub3A_205 = arith.constant 2 : i32
      %sub3A_206 = arith.subi %select_n3A_19, %sub3A_205 : i32
      %lt3A = arith.cmpi slt, %while3A_56, %sub3A_206 : i32
      %convert_element_type3A_207 = arith.extui %lt3A : i1 to i32
      %cond3A_208 = arith.constant 0 : i32
      %cond3A_209 = arith.cmpi ne, %convert_element_type3A_207, %cond3A_208 : i32
      scf.if %cond3A_209 {
        %add3A_430 = arith.constant 2 : i32
        %add3A_431 = arith.addi %while3A_56, %add3A_430 : i32
        %mul3A_432 = arith.constant 10 : i32
        %mul3A_433 = arith.muli %add3A_431, %mul3A_432 : i32
        %add3A_434 = arith.addi %add3A, %mul3A_433 : i32
        %dma_start3A_435 = arith.constant 0 : i32
        %dma_start3A_436 = arith.constant 0 : i32
        %dma_start3A_437 = tpu.memref_slice %arg7[%rem3A_64, %dma_start3A_435, %dma_start3A_436] : memref<4x10x128xi32, #tpu.memory_space<vmem>> -> memref<1x10x128xi32, #tpu.memory_space<vmem>>
        %dma_start3A_438 = tpu.memref_squeeze %dma_start3A_437 : memref<1x10x128xi32, #tpu.memory_space<vmem>> -> memref<10x128xi32, #tpu.memory_space<vmem>>
        %dma_start3A_439 = arith.constant 0 : i32
        %dma_start3A_440 = tpu.memref_slice %arg3[%add3A_434, %dma_start3A_439] : memref<6400x128xi32, #tpu.memory_space<hbm>> -> memref<10x128xi32, #tpu.memory_space<hbm>>
        %dma_start3A_441 = arith.constant 0 : i32
        %dma_start3A_442 = arith.constant 0 : i32
        %dma_start3A_443 = tpu.memref_slice %arg7[%rem3A_64, %dma_start3A_441, %dma_start3A_442] : memref<4x10x128xi32, #tpu.memory_space<vmem>> -> memref<1x10x128xi32, #tpu.memory_space<vmem>>
        %dma_start3A_444 = tpu.memref_squeeze %dma_start3A_443 : memref<1x10x128xi32, #tpu.memory_space<vmem>> -> memref<10x128xi32, #tpu.memory_space<vmem>>
        %dma_start3A_445 = arith.constant 0 : i32
        %dma_start3A_446 = tpu.memref_slice %arg3[%add3A_434, %dma_start3A_445] : memref<6400x128xi32, #tpu.memory_space<hbm>> -> memref<10x128xi32, #tpu.memory_space<hbm>>
        tpu.enqueue_dma source(%dma_start3A_446 : memref<10x128xi32, #tpu.memory_space<hbm>>) target(%dma_start3A_444 : memref<10x128xi32, #tpu.memory_space<vmem>>) target_semaphore(%arg11 : memref<!tpu.dma_semaphore, #tpu.memory_space<semaphore_mem>>)
        %dma_start3A_447 = arith.constant 0 : i32
        %dma_start3A_448 = arith.constant 0 : i32
        %dma_start3A_449 = tpu.memref_slice %arg8[%rem3A_64, %dma_start3A_447, %dma_start3A_448] : memref<4x10x128xi32, #tpu.memory_space<vmem>> -> memref<1x10x128xi32, #tpu.memory_space<vmem>>
        %dma_start3A_450 = tpu.memref_squeeze %dma_start3A_449 : memref<1x10x128xi32, #tpu.memory_space<vmem>> -> memref<10x128xi32, #tpu.memory_space<vmem>>
        %dma_start3A_451 = arith.constant 0 : i32
        %dma_start3A_452 = tpu.memref_slice %arg4[%add3A_434, %dma_start3A_451] : memref<6400x128xi32, #tpu.memory_space<hbm>> -> memref<10x128xi32, #tpu.memory_space<hbm>>
        %dma_start3A_453 = arith.constant 0 : i32
        %dma_start3A_454 = arith.constant 0 : i32
        %dma_start3A_455 = tpu.memref_slice %arg8[%rem3A_64, %dma_start3A_453, %dma_start3A_454] : memref<4x10x128xi32, #tpu.memory_space<vmem>> -> memref<1x10x128xi32, #tpu.memory_space<vmem>>
        %dma_start3A_456 = tpu.memref_squeeze %dma_start3A_455 : memref<1x10x128xi32, #tpu.memory_space<vmem>> -> memref<10x128xi32, #tpu.memory_space<vmem>>
        %dma_start3A_457 = arith.constant 0 : i32
        %dma_start3A_458 = tpu.memref_slice %arg4[%add3A_434, %dma_start3A_457] : memref<6400x128xi32, #tpu.memory_space<hbm>> -> memref<10x128xi32, #tpu.memory_space<hbm>>
        tpu.enqueue_dma source(%dma_start3A_458 : memref<10x128xi32, #tpu.memory_space<hbm>>) target(%dma_start3A_456 : memref<10x128xi32, #tpu.memory_space<vmem>>) target_semaphore(%arg11 : memref<!tpu.dma_semaphore, #tpu.memory_space<semaphore_mem>>)
      } else {
      }
      %dma_wait3A_210 = arith.constant 0 : i32
      %dma_wait3A_211 = arith.constant 0 : i32
      %dma_wait3A_212 = arith.constant 0 : i32
      %dma_wait3A_213 = tpu.memref_slice %arg9[%rem3A_58, %dma_wait3A_211, %dma_wait3A_212] : memref<2x1280x16xf32, #tpu.memory_space<vmem>> -> memref<1x128x16xf32, #tpu.memory_space<vmem>>
      %dma_wait3A_214 = tpu.memref_squeeze %dma_wait3A_213 : memref<1x128x16xf32, #tpu.memory_space<vmem>> -> memref<128x16xf32, #tpu.memory_space<vmem>>
      %dma_wait3A_215 = arith.constant 0 : i32
      %dma_wait3A_216 = tpu.memref_slice %arg7[%rem3A_60, %dma_wait3A_210, %dma_wait3A_215] : memref<4x10x128xi32, #tpu.memory_space<vmem>> -> memref<1x1x128xi32, #tpu.memory_space<vmem>>
      %dma_wait3A_217 = tpu.memref_squeeze %dma_wait3A_216 : memref<1x1x128xi32, #tpu.memory_space<vmem>> -> memref<128xi32, #tpu.memory_space<vmem>>
      %dma_wait3A_218 = arith.constant 0 : i32
      %dma_wait3A_219 = arith.constant 0 : i32
      %dma_wait3A_220 = tpu.memref_slice %arg5[%dma_wait3A_218, %dma_wait3A_219] : memref<400000x16xf32, #tpu.memory_space<hbm>> -> memref<400000x16xf32, #tpu.memory_space<hbm>>
      tpu.wait_indirect_dma semaphore(%arg12 : memref<!tpu.dma_semaphore, #tpu.memory_space<semaphore_mem>>) src(%dma_wait3A_220 : memref<400000x16xf32, #tpu.memory_space<hbm>>) dst(%dma_wait3A_214 : memref<128x16xf32, #tpu.memory_space<vmem>>)
      %dma_wait3A_221 = arith.constant 1 : i32
      %dma_wait3A_222 = arith.constant 128 : i32
      %dma_wait3A_223 = arith.constant 0 : i32
      %dma_wait3A_224 = tpu.memref_slice %arg9[%rem3A_58, %dma_wait3A_222, %dma_wait3A_223] : memref<2x1280x16xf32, #tpu.memory_space<vmem>> -> memref<1x128x16xf32, #tpu.memory_space<vmem>>
      %dma_wait3A_225 = tpu.memref_squeeze %dma_wait3A_224 : memref<1x128x16xf32, #tpu.memory_space<vmem>> -> memref<128x16xf32, #tpu.memory_space<vmem>>
      %dma_wait3A_226 = arith.constant 0 : i32
      %dma_wait3A_227 = tpu.memref_slice %arg7[%rem3A_60, %dma_wait3A_221, %dma_wait3A_226] : memref<4x10x128xi32, #tpu.memory_space<vmem>> -> memref<1x1x128xi32, #tpu.memory_space<vmem>>
      %dma_wait3A_228 = tpu.memref_squeeze %dma_wait3A_227 : memref<1x1x128xi32, #tpu.memory_space<vmem>> -> memref<128xi32, #tpu.memory_space<vmem>>
      %dma_wait3A_229 = arith.constant 0 : i32
      %dma_wait3A_230 = arith.constant 0 : i32
      %dma_wait3A_231 = tpu.memref_slice %arg5[%dma_wait3A_229, %dma_wait3A_230] : memref<400000x16xf32, #tpu.memory_space<hbm>> -> memref<400000x16xf32, #tpu.memory_space<hbm>>
      tpu.wait_indirect_dma semaphore(%arg12 : memref<!tpu.dma_semaphore, #tpu.memory_space<semaphore_mem>>) src(%dma_wait3A_231 : memref<400000x16xf32, #tpu.memory_space<hbm>>) dst(%dma_wait3A_225 : memref<128x16xf32, #tpu.memory_space<vmem>>)
      %dma_wait3A_232 = arith.constant 2 : i32
      %dma_wait3A_233 = arith.constant 256 : i32
      %dma_wait3A_234 = arith.constant 0 : i32
      %dma_wait3A_235 = tpu.memref_slice %arg9[%rem3A_58, %dma_wait3A_233, %dma_wait3A_234] : memref<2x1280x16xf32, #tpu.memory_space<vmem>> -> memref<1x128x16xf32, #tpu.memory_space<vmem>>
      %dma_wait3A_236 = tpu.memref_squeeze %dma_wait3A_235 : memref<1x128x16xf32, #tpu.memory_space<vmem>> -> memref<128x16xf32, #tpu.memory_space<vmem>>
      %dma_wait3A_237 = arith.constant 0 : i32
      %dma_wait3A_238 = tpu.memref_slice %arg7[%rem3A_60, %dma_wait3A_232, %dma_wait3A_237] : memref<4x10x128xi32, #tpu.memory_space<vmem>> -> memref<1x1x128xi32, #tpu.memory_space<vmem>>
      %dma_wait3A_239 = tpu.memref_squeeze %dma_wait3A_238 : memref<1x1x128xi32, #tpu.memory_space<vmem>> -> memref<128xi32, #tpu.memory_space<vmem>>
      %dma_wait3A_240 = arith.constant 0 : i32
      %dma_wait3A_241 = arith.constant 0 : i32
      %dma_wait3A_242 = tpu.memref_slice %arg5[%dma_wait3A_240, %dma_wait3A_241] : memref<400000x16xf32, #tpu.memory_space<hbm>> -> memref<400000x16xf32, #tpu.memory_space<hbm>>
      tpu.wait_indirect_dma semaphore(%arg12 : memref<!tpu.dma_semaphore, #tpu.memory_space<semaphore_mem>>) src(%dma_wait3A_242 : memref<400000x16xf32, #tpu.memory_space<hbm>>) dst(%dma_wait3A_236 : memref<128x16xf32, #tpu.memory_space<vmem>>)
      %dma_wait3A_243 = arith.constant 3 : i32
      %dma_wait3A_244 = arith.constant 384 : i32
      %dma_wait3A_245 = arith.constant 0 : i32
      %dma_wait3A_246 = tpu.memref_slice %arg9[%rem3A_58, %dma_wait3A_244, %dma_wait3A_245] : memref<2x1280x16xf32, #tpu.memory_space<vmem>> -> memref<1x128x16xf32, #tpu.memory_space<vmem>>
      %dma_wait3A_247 = tpu.memref_squeeze %dma_wait3A_246 : memref<1x128x16xf32, #tpu.memory_space<vmem>> -> memref<128x16xf32, #tpu.memory_space<vmem>>
      %dma_wait3A_248 = arith.constant 0 : i32
      %dma_wait3A_249 = tpu.memref_slice %arg7[%rem3A_60, %dma_wait3A_243, %dma_wait3A_248] : memref<4x10x128xi32, #tpu.memory_space<vmem>> -> memref<1x1x128xi32, #tpu.memory_space<vmem>>
      %dma_wait3A_250 = tpu.memref_squeeze %dma_wait3A_249 : memref<1x1x128xi32, #tpu.memory_space<vmem>> -> memref<128xi32, #tpu.memory_space<vmem>>
      %dma_wait3A_251 = arith.constant 0 : i32
      %dma_wait3A_252 = arith.constant 0 : i32
      %dma_wait3A_253 = tpu.memref_slice %arg5[%dma_wait3A_251, %dma_wait3A_252] : memref<400000x16xf32, #tpu.memory_space<hbm>> -> memref<400000x16xf32, #tpu.memory_space<hbm>>
      tpu.wait_indirect_dma semaphore(%arg12 : memref<!tpu.dma_semaphore, #tpu.memory_space<semaphore_mem>>) src(%dma_wait3A_253 : memref<400000x16xf32, #tpu.memory_space<hbm>>) dst(%dma_wait3A_247 : memref<128x16xf32, #tpu.memory_space<vmem>>)
      %dma_wait3A_254 = arith.constant 4 : i32
      %dma_wait3A_255 = arith.constant 512 : i32
      %dma_wait3A_256 = arith.constant 0 : i32
      %dma_wait3A_257 = tpu.memref_slice %arg9[%rem3A_58, %dma_wait3A_255, %dma_wait3A_256] : memref<2x1280x16xf32, #tpu.memory_space<vmem>> -> memref<1x128x16xf32, #tpu.memory_space<vmem>>
      %dma_wait3A_258 = tpu.memref_squeeze %dma_wait3A_257 : memref<1x128x16xf32, #tpu.memory_space<vmem>> -> memref<128x16xf32, #tpu.memory_space<vmem>>
      %dma_wait3A_259 = arith.constant 0 : i32
      %dma_wait3A_260 = tpu.memref_slice %arg7[%rem3A_60, %dma_wait3A_254, %dma_wait3A_259] : memref<4x10x128xi32, #tpu.memory_space<vmem>> -> memref<1x1x128xi32, #tpu.memory_space<vmem>>
      %dma_wait3A_261 = tpu.memref_squeeze %dma_wait3A_260 : memref<1x1x128xi32, #tpu.memory_space<vmem>> -> memref<128xi32, #tpu.memory_space<vmem>>
      %dma_wait3A_262 = arith.constant 0 : i32
      %dma_wait3A_263 = arith.constant 0 : i32
      %dma_wait3A_264 = tpu.memref_slice %arg5[%dma_wait3A_262, %dma_wait3A_263] : memref<400000x16xf32, #tpu.memory_space<hbm>> -> memref<400000x16xf32, #tpu.memory_space<hbm>>
      tpu.wait_indirect_dma semaphore(%arg12 : memref<!tpu.dma_semaphore, #tpu.memory_space<semaphore_mem>>) src(%dma_wait3A_264 : memref<400000x16xf32, #tpu.memory_space<hbm>>) dst(%dma_wait3A_258 : memref<128x16xf32, #tpu.memory_space<vmem>>)
      %dma_wait3A_265 = arith.constant 5 : i32
      %dma_wait3A_266 = arith.constant 640 : i32
      %dma_wait3A_267 = arith.constant 0 : i32
      %dma_wait3A_268 = tpu.memref_slice %arg9[%rem3A_58, %dma_wait3A_266, %dma_wait3A_267] : memref<2x1280x16xf32, #tpu.memory_space<vmem>> -> memref<1x128x16xf32, #tpu.memory_space<vmem>>
      %dma_wait3A_269 = tpu.memref_squeeze %dma_wait3A_268 : memref<1x128x16xf32, #tpu.memory_space<vmem>> -> memref<128x16xf32, #tpu.memory_space<vmem>>
      %dma_wait3A_270 = arith.constant 0 : i32
      %dma_wait3A_271 = tpu.memref_slice %arg7[%rem3A_60, %dma_wait3A_265, %dma_wait3A_270] : memref<4x10x128xi32, #tpu.memory_space<vmem>> -> memref<1x1x128xi32, #tpu.memory_space<vmem>>
      %dma_wait3A_272 = tpu.memref_squeeze %dma_wait3A_271 : memref<1x1x128xi32, #tpu.memory_space<vmem>> -> memref<128xi32, #tpu.memory_space<vmem>>
      %dma_wait3A_273 = arith.constant 0 : i32
      %dma_wait3A_274 = arith.constant 0 : i32
      %dma_wait3A_275 = tpu.memref_slice %arg5[%dma_wait3A_273, %dma_wait3A_274] : memref<400000x16xf32, #tpu.memory_space<hbm>> -> memref<400000x16xf32, #tpu.memory_space<hbm>>
      tpu.wait_indirect_dma semaphore(%arg12 : memref<!tpu.dma_semaphore, #tpu.memory_space<semaphore_mem>>) src(%dma_wait3A_275 : memref<400000x16xf32, #tpu.memory_space<hbm>>) dst(%dma_wait3A_269 : memref<128x16xf32, #tpu.memory_space<vmem>>)
      %dma_wait3A_276 = arith.constant 6 : i32
      %dma_wait3A_277 = arith.constant 768 : i32
      %dma_wait3A_278 = arith.constant 0 : i32
      %dma_wait3A_279 = tpu.memref_slice %arg9[%rem3A_58, %dma_wait3A_277, %dma_wait3A_278] : memref<2x1280x16xf32, #tpu.memory_space<vmem>> -> memref<1x128x16xf32, #tpu.memory_space<vmem>>
      %dma_wait3A_280 = tpu.memref_squeeze %dma_wait3A_279 : memref<1x128x16xf32, #tpu.memory_space<vmem>> -> memref<128x16xf32, #tpu.memory_space<vmem>>
      %dma_wait3A_281 = arith.constant 0 : i32
      %dma_wait3A_282 = tpu.memref_slice %arg7[%rem3A_60, %dma_wait3A_276, %dma_wait3A_281] : memref<4x10x128xi32, #tpu.memory_space<vmem>> -> memref<1x1x128xi32, #tpu.memory_space<vmem>>
      %dma_wait3A_283 = tpu.memref_squeeze %dma_wait3A_282 : memref<1x1x128xi32, #tpu.memory_space<vmem>> -> memref<128xi32, #tpu.memory_space<vmem>>
      %dma_wait3A_284 = arith.constant 0 : i32
      %dma_wait3A_285 = arith.constant 0 : i32
      %dma_wait3A_286 = tpu.memref_slice %arg5[%dma_wait3A_284, %dma_wait3A_285] : memref<400000x16xf32, #tpu.memory_space<hbm>> -> memref<400000x16xf32, #tpu.memory_space<hbm>>
      tpu.wait_indirect_dma semaphore(%arg12 : memref<!tpu.dma_semaphore, #tpu.memory_space<semaphore_mem>>) src(%dma_wait3A_286 : memref<400000x16xf32, #tpu.memory_space<hbm>>) dst(%dma_wait3A_280 : memref<128x16xf32, #tpu.memory_space<vmem>>)
      %dma_wait3A_287 = arith.constant 7 : i32
      %dma_wait3A_288 = arith.constant 896 : i32
      %dma_wait3A_289 = arith.constant 0 : i32
      %dma_wait3A_290 = tpu.memref_slice %arg9[%rem3A_58, %dma_wait3A_288, %dma_wait3A_289] : memref<2x1280x16xf32, #tpu.memory_space<vmem>> -> memref<1x128x16xf32, #tpu.memory_space<vmem>>
      %dma_wait3A_291 = tpu.memref_squeeze %dma_wait3A_290 : memref<1x128x16xf32, #tpu.memory_space<vmem>> -> memref<128x16xf32, #tpu.memory_space<vmem>>
      %dma_wait3A_292 = arith.constant 0 : i32
      %dma_wait3A_293 = tpu.memref_slice %arg7[%rem3A_60, %dma_wait3A_287, %dma_wait3A_292] : memref<4x10x128xi32, #tpu.memory_space<vmem>> -> memref<1x1x128xi32, #tpu.memory_space<vmem>>
      %dma_wait3A_294 = tpu.memref_squeeze %dma_wait3A_293 : memref<1x1x128xi32, #tpu.memory_space<vmem>> -> memref<128xi32, #tpu.memory_space<vmem>>
      %dma_wait3A_295 = arith.constant 0 : i32
      %dma_wait3A_296 = arith.constant 0 : i32
      %dma_wait3A_297 = tpu.memref_slice %arg5[%dma_wait3A_295, %dma_wait3A_296] : memref<400000x16xf32, #tpu.memory_space<hbm>> -> memref<400000x16xf32, #tpu.memory_space<hbm>>
      tpu.wait_indirect_dma semaphore(%arg12 : memref<!tpu.dma_semaphore, #tpu.memory_space<semaphore_mem>>) src(%dma_wait3A_297 : memref<400000x16xf32, #tpu.memory_space<hbm>>) dst(%dma_wait3A_291 : memref<128x16xf32, #tpu.memory_space<vmem>>)
      %dma_wait3A_298 = arith.constant 8 : i32
      %dma_wait3A_299 = arith.constant 1024 : i32
      %dma_wait3A_300 = arith.constant 0 : i32
      %dma_wait3A_301 = tpu.memref_slice %arg9[%rem3A_58, %dma_wait3A_299, %dma_wait3A_300] : memref<2x1280x16xf32, #tpu.memory_space<vmem>> -> memref<1x128x16xf32, #tpu.memory_space<vmem>>
      %dma_wait3A_302 = tpu.memref_squeeze %dma_wait3A_301 : memref<1x128x16xf32, #tpu.memory_space<vmem>> -> memref<128x16xf32, #tpu.memory_space<vmem>>
      %dma_wait3A_303 = arith.constant 0 : i32
      %dma_wait3A_304 = tpu.memref_slice %arg7[%rem3A_60, %dma_wait3A_298, %dma_wait3A_303] : memref<4x10x128xi32, #tpu.memory_space<vmem>> -> memref<1x1x128xi32, #tpu.memory_space<vmem>>
      %dma_wait3A_305 = tpu.memref_squeeze %dma_wait3A_304 : memref<1x1x128xi32, #tpu.memory_space<vmem>> -> memref<128xi32, #tpu.memory_space<vmem>>
      %dma_wait3A_306 = arith.constant 0 : i32
      %dma_wait3A_307 = arith.constant 0 : i32
      %dma_wait3A_308 = tpu.memref_slice %arg5[%dma_wait3A_306, %dma_wait3A_307] : memref<400000x16xf32, #tpu.memory_space<hbm>> -> memref<400000x16xf32, #tpu.memory_space<hbm>>
      tpu.wait_indirect_dma semaphore(%arg12 : memref<!tpu.dma_semaphore, #tpu.memory_space<semaphore_mem>>) src(%dma_wait3A_308 : memref<400000x16xf32, #tpu.memory_space<hbm>>) dst(%dma_wait3A_302 : memref<128x16xf32, #tpu.memory_space<vmem>>)
      %dma_wait3A_309 = arith.constant 9 : i32
      %dma_wait3A_310 = arith.constant 1152 : i32
      %dma_wait3A_311 = arith.constant 0 : i32
      %dma_wait3A_312 = tpu.memref_slice %arg9[%rem3A_58, %dma_wait3A_310, %dma_wait3A_311] : memref<2x1280x16xf32, #tpu.memory_space<vmem>> -> memref<1x128x16xf32, #tpu.memory_space<vmem>>
      %dma_wait3A_313 = tpu.memref_squeeze %dma_wait3A_312 : memref<1x128x16xf32, #tpu.memory_space<vmem>> -> memref<128x16xf32, #tpu.memory_space<vmem>>
      %dma_wait3A_314 = arith.constant 0 : i32
      %dma_wait3A_315 = tpu.memref_slice %arg7[%rem3A_60, %dma_wait3A_309, %dma_wait3A_314] : memref<4x10x128xi32, #tpu.memory_space<vmem>> -> memref<1x1x128xi32, #tpu.memory_space<vmem>>
      %dma_wait3A_316 = tpu.memref_squeeze %dma_wait3A_315 : memref<1x1x128xi32, #tpu.memory_space<vmem>> -> memref<128xi32, #tpu.memory_space<vmem>>
      %dma_wait3A_317 = arith.constant 0 : i32
      %dma_wait3A_318 = arith.constant 0 : i32
      %dma_wait3A_319 = tpu.memref_slice %arg5[%dma_wait3A_317, %dma_wait3A_318] : memref<400000x16xf32, #tpu.memory_space<hbm>> -> memref<400000x16xf32, #tpu.memory_space<hbm>>
      tpu.wait_indirect_dma semaphore(%arg12 : memref<!tpu.dma_semaphore, #tpu.memory_space<semaphore_mem>>) src(%dma_wait3A_319 : memref<400000x16xf32, #tpu.memory_space<hbm>>) dst(%dma_wait3A_313 : memref<128x16xf32, #tpu.memory_space<vmem>>)
      %dma_start3A_320 = arith.constant 0 : i32
      %dma_start3A_321 = arith.constant 0 : i32
      %dma_start3A_322 = arith.constant 0 : i32
      %dma_start3A_323 = tpu.memref_slice %arg9[%rem3A_58, %dma_start3A_321, %dma_start3A_322] : memref<2x1280x16xf32, #tpu.memory_space<vmem>> -> memref<1x128x16xf32, #tpu.memory_space<vmem>>
      %dma_start3A_324 = tpu.memref_squeeze %dma_start3A_323 : memref<1x128x16xf32, #tpu.memory_space<vmem>> -> memref<128x16xf32, #tpu.memory_space<vmem>>
      %dma_start3A_325 = arith.constant 0 : i32
      %dma_start3A_326 = tpu.memref_slice %arg8[%rem3A_60, %dma_start3A_320, %dma_start3A_325] : memref<4x10x128xi32, #tpu.memory_space<vmem>> -> memref<1x1x128xi32, #tpu.memory_space<vmem>>
      %dma_start3A_327 = tpu.memref_squeeze %dma_start3A_326 : memref<1x1x128xi32, #tpu.memory_space<vmem>> -> memref<128xi32, #tpu.memory_space<vmem>>
      %dma_start3A_328 = arith.constant 0 : i32
      %dma_start3A_329 = arith.constant 0 : i32
      %dma_start3A_330 = tpu.memref_slice %arg10[%dma_start3A_328, %dma_start3A_329] : memref<50048x16xf32, #tpu.memory_space<vmem_shared>> -> memref<50048x16xf32, #tpu.memory_space<vmem_shared>>
      tpu.enqueue_indirect_dma source(%dma_start3A_324 : memref<128x16xf32, #tpu.memory_space<vmem>>) target(%dma_start3A_330 : memref<50048x16xf32, #tpu.memory_space<vmem_shared>>) offsets(%dma_start3A_327 : memref<128xi32, #tpu.memory_space<vmem>>) semaphore(%arg13 : memref<!tpu.dma_semaphore, #tpu.memory_space<semaphore_mem>>) {add = true}
      %dma_start3A_331 = arith.constant 1 : i32
      %dma_start3A_332 = arith.constant 128 : i32
      %dma_start3A_333 = arith.constant 0 : i32
      %dma_start3A_334 = tpu.memref_slice %arg9[%rem3A_58, %dma_start3A_332, %dma_start3A_333] : memref<2x1280x16xf32, #tpu.memory_space<vmem>> -> memref<1x128x16xf32, #tpu.memory_space<vmem>>
      %dma_start3A_335 = tpu.memref_squeeze %dma_start3A_334 : memref<1x128x16xf32, #tpu.memory_space<vmem>> -> memref<128x16xf32, #tpu.memory_space<vmem>>
      %dma_start3A_336 = arith.constant 0 : i32
      %dma_start3A_337 = tpu.memref_slice %arg8[%rem3A_60, %dma_start3A_331, %dma_start3A_336] : memref<4x10x128xi32, #tpu.memory_space<vmem>> -> memref<1x1x128xi32, #tpu.memory_space<vmem>>
      %dma_start3A_338 = tpu.memref_squeeze %dma_start3A_337 : memref<1x1x128xi32, #tpu.memory_space<vmem>> -> memref<128xi32, #tpu.memory_space<vmem>>
      %dma_start3A_339 = arith.constant 0 : i32
      %dma_start3A_340 = arith.constant 0 : i32
      %dma_start3A_341 = tpu.memref_slice %arg10[%dma_start3A_339, %dma_start3A_340] : memref<50048x16xf32, #tpu.memory_space<vmem_shared>> -> memref<50048x16xf32, #tpu.memory_space<vmem_shared>>
      tpu.enqueue_indirect_dma source(%dma_start3A_335 : memref<128x16xf32, #tpu.memory_space<vmem>>) target(%dma_start3A_341 : memref<50048x16xf32, #tpu.memory_space<vmem_shared>>) offsets(%dma_start3A_338 : memref<128xi32, #tpu.memory_space<vmem>>) semaphore(%arg13 : memref<!tpu.dma_semaphore, #tpu.memory_space<semaphore_mem>>) {add = true}
      %dma_start3A_342 = arith.constant 2 : i32
      %dma_start3A_343 = arith.constant 256 : i32
      %dma_start3A_344 = arith.constant 0 : i32
      %dma_start3A_345 = tpu.memref_slice %arg9[%rem3A_58, %dma_start3A_343, %dma_start3A_344] : memref<2x1280x16xf32, #tpu.memory_space<vmem>> -> memref<1x128x16xf32, #tpu.memory_space<vmem>>
      %dma_start3A_346 = tpu.memref_squeeze %dma_start3A_345 : memref<1x128x16xf32, #tpu.memory_space<vmem>> -> memref<128x16xf32, #tpu.memory_space<vmem>>
      %dma_start3A_347 = arith.constant 0 : i32
      %dma_start3A_348 = tpu.memref_slice %arg8[%rem3A_60, %dma_start3A_342, %dma_start3A_347] : memref<4x10x128xi32, #tpu.memory_space<vmem>> -> memref<1x1x128xi32, #tpu.memory_space<vmem>>
      %dma_start3A_349 = tpu.memref_squeeze %dma_start3A_348 : memref<1x1x128xi32, #tpu.memory_space<vmem>> -> memref<128xi32, #tpu.memory_space<vmem>>
      %dma_start3A_350 = arith.constant 0 : i32
      %dma_start3A_351 = arith.constant 0 : i32
      %dma_start3A_352 = tpu.memref_slice %arg10[%dma_start3A_350, %dma_start3A_351] : memref<50048x16xf32, #tpu.memory_space<vmem_shared>> -> memref<50048x16xf32, #tpu.memory_space<vmem_shared>>
      tpu.enqueue_indirect_dma source(%dma_start3A_346 : memref<128x16xf32, #tpu.memory_space<vmem>>) target(%dma_start3A_352 : memref<50048x16xf32, #tpu.memory_space<vmem_shared>>) offsets(%dma_start3A_349 : memref<128xi32, #tpu.memory_space<vmem>>) semaphore(%arg13 : memref<!tpu.dma_semaphore, #tpu.memory_space<semaphore_mem>>) {add = true}
      %dma_start3A_353 = arith.constant 3 : i32
      %dma_start3A_354 = arith.constant 384 : i32
      %dma_start3A_355 = arith.constant 0 : i32
      %dma_start3A_356 = tpu.memref_slice %arg9[%rem3A_58, %dma_start3A_354, %dma_start3A_355] : memref<2x1280x16xf32, #tpu.memory_space<vmem>> -> memref<1x128x16xf32, #tpu.memory_space<vmem>>
      %dma_start3A_357 = tpu.memref_squeeze %dma_start3A_356 : memref<1x128x16xf32, #tpu.memory_space<vmem>> -> memref<128x16xf32, #tpu.memory_space<vmem>>
      %dma_start3A_358 = arith.constant 0 : i32
      %dma_start3A_359 = tpu.memref_slice %arg8[%rem3A_60, %dma_start3A_353, %dma_start3A_358] : memref<4x10x128xi32, #tpu.memory_space<vmem>> -> memref<1x1x128xi32, #tpu.memory_space<vmem>>
      %dma_start3A_360 = tpu.memref_squeeze %dma_start3A_359 : memref<1x1x128xi32, #tpu.memory_space<vmem>> -> memref<128xi32, #tpu.memory_space<vmem>>
      %dma_start3A_361 = arith.constant 0 : i32
      %dma_start3A_362 = arith.constant 0 : i32
      %dma_start3A_363 = tpu.memref_slice %arg10[%dma_start3A_361, %dma_start3A_362] : memref<50048x16xf32, #tpu.memory_space<vmem_shared>> -> memref<50048x16xf32, #tpu.memory_space<vmem_shared>>
      tpu.enqueue_indirect_dma source(%dma_start3A_357 : memref<128x16xf32, #tpu.memory_space<vmem>>) target(%dma_start3A_363 : memref<50048x16xf32, #tpu.memory_space<vmem_shared>>) offsets(%dma_start3A_360 : memref<128xi32, #tpu.memory_space<vmem>>) semaphore(%arg13 : memref<!tpu.dma_semaphore, #tpu.memory_space<semaphore_mem>>) {add = true}
      %dma_start3A_364 = arith.constant 4 : i32
      %dma_start3A_365 = arith.constant 512 : i32
      %dma_start3A_366 = arith.constant 0 : i32
      %dma_start3A_367 = tpu.memref_slice %arg9[%rem3A_58, %dma_start3A_365, %dma_start3A_366] : memref<2x1280x16xf32, #tpu.memory_space<vmem>> -> memref<1x128x16xf32, #tpu.memory_space<vmem>>
      %dma_start3A_368 = tpu.memref_squeeze %dma_start3A_367 : memref<1x128x16xf32, #tpu.memory_space<vmem>> -> memref<128x16xf32, #tpu.memory_space<vmem>>
      %dma_start3A_369 = arith.constant 0 : i32
      %dma_start3A_370 = tpu.memref_slice %arg8[%rem3A_60, %dma_start3A_364, %dma_start3A_369] : memref<4x10x128xi32, #tpu.memory_space<vmem>> -> memref<1x1x128xi32, #tpu.memory_space<vmem>>
      %dma_start3A_371 = tpu.memref_squeeze %dma_start3A_370 : memref<1x1x128xi32, #tpu.memory_space<vmem>> -> memref<128xi32, #tpu.memory_space<vmem>>
      %dma_start3A_372 = arith.constant 0 : i32
      %dma_start3A_373 = arith.constant 0 : i32
      %dma_start3A_374 = tpu.memref_slice %arg10[%dma_start3A_372, %dma_start3A_373] : memref<50048x16xf32, #tpu.memory_space<vmem_shared>> -> memref<50048x16xf32, #tpu.memory_space<vmem_shared>>
      tpu.enqueue_indirect_dma source(%dma_start3A_368 : memref<128x16xf32, #tpu.memory_space<vmem>>) target(%dma_start3A_374 : memref<50048x16xf32, #tpu.memory_space<vmem_shared>>) offsets(%dma_start3A_371 : memref<128xi32, #tpu.memory_space<vmem>>) semaphore(%arg13 : memref<!tpu.dma_semaphore, #tpu.memory_space<semaphore_mem>>) {add = true}
      %dma_start3A_375 = arith.constant 5 : i32
      %dma_start3A_376 = arith.constant 640 : i32
      %dma_start3A_377 = arith.constant 0 : i32
      %dma_start3A_378 = tpu.memref_slice %arg9[%rem3A_58, %dma_start3A_376, %dma_start3A_377] : memref<2x1280x16xf32, #tpu.memory_space<vmem>> -> memref<1x128x16xf32, #tpu.memory_space<vmem>>
      %dma_start3A_379 = tpu.memref_squeeze %dma_start3A_378 : memref<1x128x16xf32, #tpu.memory_space<vmem>> -> memref<128x16xf32, #tpu.memory_space<vmem>>
      %dma_start3A_380 = arith.constant 0 : i32
      %dma_start3A_381 = tpu.memref_slice %arg8[%rem3A_60, %dma_start3A_375, %dma_start3A_380] : memref<4x10x128xi32, #tpu.memory_space<vmem>> -> memref<1x1x128xi32, #tpu.memory_space<vmem>>
      %dma_start3A_382 = tpu.memref_squeeze %dma_start3A_381 : memref<1x1x128xi32, #tpu.memory_space<vmem>> -> memref<128xi32, #tpu.memory_space<vmem>>
      %dma_start3A_383 = arith.constant 0 : i32
      %dma_start3A_384 = arith.constant 0 : i32
      %dma_start3A_385 = tpu.memref_slice %arg10[%dma_start3A_383, %dma_start3A_384] : memref<50048x16xf32, #tpu.memory_space<vmem_shared>> -> memref<50048x16xf32, #tpu.memory_space<vmem_shared>>
      tpu.enqueue_indirect_dma source(%dma_start3A_379 : memref<128x16xf32, #tpu.memory_space<vmem>>) target(%dma_start3A_385 : memref<50048x16xf32, #tpu.memory_space<vmem_shared>>) offsets(%dma_start3A_382 : memref<128xi32, #tpu.memory_space<vmem>>) semaphore(%arg13 : memref<!tpu.dma_semaphore, #tpu.memory_space<semaphore_mem>>) {add = true}
      %dma_start3A_386 = arith.constant 6 : i32
      %dma_start3A_387 = arith.constant 768 : i32
      %dma_start3A_388 = arith.constant 0 : i32
      %dma_start3A_389 = tpu.memref_slice %arg9[%rem3A_58, %dma_start3A_387, %dma_start3A_388] : memref<2x1280x16xf32, #tpu.memory_space<vmem>> -> memref<1x128x16xf32, #tpu.memory_space<vmem>>
      %dma_start3A_390 = tpu.memref_squeeze %dma_start3A_389 : memref<1x128x16xf32, #tpu.memory_space<vmem>> -> memref<128x16xf32, #tpu.memory_space<vmem>>
      %dma_start3A_391 = arith.constant 0 : i32
      %dma_start3A_392 = tpu.memref_slice %arg8[%rem3A_60, %dma_start3A_386, %dma_start3A_391] : memref<4x10x128xi32, #tpu.memory_space<vmem>> -> memref<1x1x128xi32, #tpu.memory_space<vmem>>
      %dma_start3A_393 = tpu.memref_squeeze %dma_start3A_392 : memref<1x1x128xi32, #tpu.memory_space<vmem>> -> memref<128xi32, #tpu.memory_space<vmem>>
      %dma_start3A_394 = arith.constant 0 : i32
      %dma_start3A_395 = arith.constant 0 : i32
      %dma_start3A_396 = tpu.memref_slice %arg10[%dma_start3A_394, %dma_start3A_395] : memref<50048x16xf32, #tpu.memory_space<vmem_shared>> -> memref<50048x16xf32, #tpu.memory_space<vmem_shared>>
      tpu.enqueue_indirect_dma source(%dma_start3A_390 : memref<128x16xf32, #tpu.memory_space<vmem>>) target(%dma_start3A_396 : memref<50048x16xf32, #tpu.memory_space<vmem_shared>>) offsets(%dma_start3A_393 : memref<128xi32, #tpu.memory_space<vmem>>) semaphore(%arg13 : memref<!tpu.dma_semaphore, #tpu.memory_space<semaphore_mem>>) {add = true}
      %dma_start3A_397 = arith.constant 7 : i32
      %dma_start3A_398 = arith.constant 896 : i32
      %dma_start3A_399 = arith.constant 0 : i32
      %dma_start3A_400 = tpu.memref_slice %arg9[%rem3A_58, %dma_start3A_398, %dma_start3A_399] : memref<2x1280x16xf32, #tpu.memory_space<vmem>> -> memref<1x128x16xf32, #tpu.memory_space<vmem>>
      %dma_start3A_401 = tpu.memref_squeeze %dma_start3A_400 : memref<1x128x16xf32, #tpu.memory_space<vmem>> -> memref<128x16xf32, #tpu.memory_space<vmem>>
      %dma_start3A_402 = arith.constant 0 : i32
      %dma_start3A_403 = tpu.memref_slice %arg8[%rem3A_60, %dma_start3A_397, %dma_start3A_402] : memref<4x10x128xi32, #tpu.memory_space<vmem>> -> memref<1x1x128xi32, #tpu.memory_space<vmem>>
      %dma_start3A_404 = tpu.memref_squeeze %dma_start3A_403 : memref<1x1x128xi32, #tpu.memory_space<vmem>> -> memref<128xi32, #tpu.memory_space<vmem>>
      %dma_start3A_405 = arith.constant 0 : i32
      %dma_start3A_406 = arith.constant 0 : i32
      %dma_start3A_407 = tpu.memref_slice %arg10[%dma_start3A_405, %dma_start3A_406] : memref<50048x16xf32, #tpu.memory_space<vmem_shared>> -> memref<50048x16xf32, #tpu.memory_space<vmem_shared>>
      tpu.enqueue_indirect_dma source(%dma_start3A_401 : memref<128x16xf32, #tpu.memory_space<vmem>>) target(%dma_start3A_407 : memref<50048x16xf32, #tpu.memory_space<vmem_shared>>) offsets(%dma_start3A_404 : memref<128xi32, #tpu.memory_space<vmem>>) semaphore(%arg13 : memref<!tpu.dma_semaphore, #tpu.memory_space<semaphore_mem>>) {add = true}
      %dma_start3A_408 = arith.constant 8 : i32
      %dma_start3A_409 = arith.constant 1024 : i32
      %dma_start3A_410 = arith.constant 0 : i32
      %dma_start3A_411 = tpu.memref_slice %arg9[%rem3A_58, %dma_start3A_409, %dma_start3A_410] : memref<2x1280x16xf32, #tpu.memory_space<vmem>> -> memref<1x128x16xf32, #tpu.memory_space<vmem>>
      %dma_start3A_412 = tpu.memref_squeeze %dma_start3A_411 : memref<1x128x16xf32, #tpu.memory_space<vmem>> -> memref<128x16xf32, #tpu.memory_space<vmem>>
      %dma_start3A_413 = arith.constant 0 : i32
      %dma_start3A_414 = tpu.memref_slice %arg8[%rem3A_60, %dma_start3A_408, %dma_start3A_413] : memref<4x10x128xi32, #tpu.memory_space<vmem>> -> memref<1x1x128xi32, #tpu.memory_space<vmem>>
      %dma_start3A_415 = tpu.memref_squeeze %dma_start3A_414 : memref<1x1x128xi32, #tpu.memory_space<vmem>> -> memref<128xi32, #tpu.memory_space<vmem>>
      %dma_start3A_416 = arith.constant 0 : i32
      %dma_start3A_417 = arith.constant 0 : i32
      %dma_start3A_418 = tpu.memref_slice %arg10[%dma_start3A_416, %dma_start3A_417] : memref<50048x16xf32, #tpu.memory_space<vmem_shared>> -> memref<50048x16xf32, #tpu.memory_space<vmem_shared>>
      tpu.enqueue_indirect_dma source(%dma_start3A_412 : memref<128x16xf32, #tpu.memory_space<vmem>>) target(%dma_start3A_418 : memref<50048x16xf32, #tpu.memory_space<vmem_shared>>) offsets(%dma_start3A_415 : memref<128xi32, #tpu.memory_space<vmem>>) semaphore(%arg13 : memref<!tpu.dma_semaphore, #tpu.memory_space<semaphore_mem>>) {add = true}
      %dma_start3A_419 = arith.constant 9 : i32
      %dma_start3A_420 = arith.constant 1152 : i32
      %dma_start3A_421 = arith.constant 0 : i32
      %dma_start3A_422 = tpu.memref_slice %arg9[%rem3A_58, %dma_start3A_420, %dma_start3A_421] : memref<2x1280x16xf32, #tpu.memory_space<vmem>> -> memref<1x128x16xf32, #tpu.memory_space<vmem>>
      %dma_start3A_423 = tpu.memref_squeeze %dma_start3A_422 : memref<1x128x16xf32, #tpu.memory_space<vmem>> -> memref<128x16xf32, #tpu.memory_space<vmem>>
      %dma_start3A_424 = arith.constant 0 : i32
      %dma_start3A_425 = tpu.memref_slice %arg8[%rem3A_60, %dma_start3A_419, %dma_start3A_424] : memref<4x10x128xi32, #tpu.memory_space<vmem>> -> memref<1x1x128xi32, #tpu.memory_space<vmem>>
      %dma_start3A_426 = tpu.memref_squeeze %dma_start3A_425 : memref<1x1x128xi32, #tpu.memory_space<vmem>> -> memref<128xi32, #tpu.memory_space<vmem>>
      %dma_start3A_427 = arith.constant 0 : i32
      %dma_start3A_428 = arith.constant 0 : i32
      %dma_start3A_429 = tpu.memref_slice %arg10[%dma_start3A_427, %dma_start3A_428] : memref<50048x16xf32, #tpu.memory_space<vmem_shared>> -> memref<50048x16xf32, #tpu.memory_space<vmem_shared>>
      tpu.enqueue_indirect_dma source(%dma_start3A_423 : memref<128x16xf32, #tpu.memory_space<vmem>>) target(%dma_start3A_429 : memref<50048x16xf32, #tpu.memory_space<vmem_shared>>) offsets(%dma_start3A_426 : memref<128xi32, #tpu.memory_space<vmem>>) semaphore(%arg13 : memref<!tpu.dma_semaphore, #tpu.memory_space<semaphore_mem>>) {add = true}
    }
    %sub3A_42 = arith.constant 2 : i32
    %sub3A_43 = arith.subi %select_n3A_19, %sub3A_42 : i32
    %ge3A = arith.constant 0 : i32
    %ge3A_44 = arith.cmpi sge, %sub3A_43, %ge3A : i32
    %convert_element_type3A_45 = arith.extui %ge3A_44 : i1 to i32
    %cond3A_46 = arith.constant 0 : i32
    %cond3A_47 = arith.cmpi ne, %convert_element_type3A_45, %cond3A_46 : i32
    scf.if %cond3A_47 {
      %rem3A_56 = arith.constant 2 : i32
      %rem3A_57 = arith.remsi %sub3A_43, %rem3A_56 : i32
      %rem3A_58 = arith.constant 4 : i32
      %rem3A_59 = arith.remsi %sub3A_43, %rem3A_58 : i32
      %dma_wait3A = arith.constant 0 : i32
      %dma_wait3A_60 = arith.constant 0 : i32
      %dma_wait3A_61 = arith.constant 0 : i32
      %dma_wait3A_62 = tpu.memref_slice %arg9[%rem3A_57, %dma_wait3A_60, %dma_wait3A_61] : memref<2x1280x16xf32, #tpu.memory_space<vmem>> -> memref<1x128x16xf32, #tpu.memory_space<vmem>>
      %dma_wait3A_63 = tpu.memref_squeeze %dma_wait3A_62 : memref<1x128x16xf32, #tpu.memory_space<vmem>> -> memref<128x16xf32, #tpu.memory_space<vmem>>
      %dma_wait3A_64 = arith.constant 0 : i32
      %dma_wait3A_65 = tpu.memref_slice %arg8[%rem3A_59, %dma_wait3A, %dma_wait3A_64] : memref<4x10x128xi32, #tpu.memory_space<vmem>> -> memref<1x1x128xi32, #tpu.memory_space<vmem>>
      %dma_wait3A_66 = tpu.memref_squeeze %dma_wait3A_65 : memref<1x1x128xi32, #tpu.memory_space<vmem>> -> memref<128xi32, #tpu.memory_space<vmem>>
      %dma_wait3A_67 = arith.constant 0 : i32
      %dma_wait3A_68 = arith.constant 0 : i32
      %dma_wait3A_69 = tpu.memref_slice %arg10[%dma_wait3A_67, %dma_wait3A_68] : memref<50048x16xf32, #tpu.memory_space<vmem_shared>> -> memref<50048x16xf32, #tpu.memory_space<vmem_shared>>
      tpu.wait_indirect_dma semaphore(%arg13 : memref<!tpu.dma_semaphore, #tpu.memory_space<semaphore_mem>>) src(%dma_wait3A_63 : memref<128x16xf32, #tpu.memory_space<vmem>>) dst(%dma_wait3A_69 : memref<50048x16xf32, #tpu.memory_space<vmem_shared>>)
      %rem3A_70 = arith.constant 2 : i32
      %rem3A_71 = arith.remsi %sub3A_43, %rem3A_70 : i32
      %rem3A_72 = arith.constant 4 : i32
      %rem3A_73 = arith.remsi %sub3A_43, %rem3A_72 : i32
      %dma_wait3A_74 = arith.constant 1 : i32
      %dma_wait3A_75 = arith.constant 128 : i32
      %dma_wait3A_76 = arith.constant 0 : i32
      %dma_wait3A_77 = tpu.memref_slice %arg9[%rem3A_71, %dma_wait3A_75, %dma_wait3A_76] : memref<2x1280x16xf32, #tpu.memory_space<vmem>> -> memref<1x128x16xf32, #tpu.memory_space<vmem>>
      %dma_wait3A_78 = tpu.memref_squeeze %dma_wait3A_77 : memref<1x128x16xf32, #tpu.memory_space<vmem>> -> memref<128x16xf32, #tpu.memory_space<vmem>>
      %dma_wait3A_79 = arith.constant 0 : i32
      %dma_wait3A_80 = tpu.memref_slice %arg8[%rem3A_73, %dma_wait3A_74, %dma_wait3A_79] : memref<4x10x128xi32, #tpu.memory_space<vmem>> -> memref<1x1x128xi32, #tpu.memory_space<vmem>>
      %dma_wait3A_81 = tpu.memref_squeeze %dma_wait3A_80 : memref<1x1x128xi32, #tpu.memory_space<vmem>> -> memref<128xi32, #tpu.memory_space<vmem>>
      %dma_wait3A_82 = arith.constant 0 : i32
      %dma_wait3A_83 = arith.constant 0 : i32
      %dma_wait3A_84 = tpu.memref_slice %arg10[%dma_wait3A_82, %dma_wait3A_83] : memref<50048x16xf32, #tpu.memory_space<vmem_shared>> -> memref<50048x16xf32, #tpu.memory_space<vmem_shared>>
      tpu.wait_indirect_dma semaphore(%arg13 : memref<!tpu.dma_semaphore, #tpu.memory_space<semaphore_mem>>) src(%dma_wait3A_78 : memref<128x16xf32, #tpu.memory_space<vmem>>) dst(%dma_wait3A_84 : memref<50048x16xf32, #tpu.memory_space<vmem_shared>>)
      %rem3A_85 = arith.constant 2 : i32
      %rem3A_86 = arith.remsi %sub3A_43, %rem3A_85 : i32
      %rem3A_87 = arith.constant 4 : i32
      %rem3A_88 = arith.remsi %sub3A_43, %rem3A_87 : i32
      %dma_wait3A_89 = arith.constant 2 : i32
      %dma_wait3A_90 = arith.constant 256 : i32
      %dma_wait3A_91 = arith.constant 0 : i32
      %dma_wait3A_92 = tpu.memref_slice %arg9[%rem3A_86, %dma_wait3A_90, %dma_wait3A_91] : memref<2x1280x16xf32, #tpu.memory_space<vmem>> -> memref<1x128x16xf32, #tpu.memory_space<vmem>>
      %dma_wait3A_93 = tpu.memref_squeeze %dma_wait3A_92 : memref<1x128x16xf32, #tpu.memory_space<vmem>> -> memref<128x16xf32, #tpu.memory_space<vmem>>
      %dma_wait3A_94 = arith.constant 0 : i32
      %dma_wait3A_95 = tpu.memref_slice %arg8[%rem3A_88, %dma_wait3A_89, %dma_wait3A_94] : memref<4x10x128xi32, #tpu.memory_space<vmem>> -> memref<1x1x128xi32, #tpu.memory_space<vmem>>
      %dma_wait3A_96 = tpu.memref_squeeze %dma_wait3A_95 : memref<1x1x128xi32, #tpu.memory_space<vmem>> -> memref<128xi32, #tpu.memory_space<vmem>>
      %dma_wait3A_97 = arith.constant 0 : i32
      %dma_wait3A_98 = arith.constant 0 : i32
      %dma_wait3A_99 = tpu.memref_slice %arg10[%dma_wait3A_97, %dma_wait3A_98] : memref<50048x16xf32, #tpu.memory_space<vmem_shared>> -> memref<50048x16xf32, #tpu.memory_space<vmem_shared>>
      tpu.wait_indirect_dma semaphore(%arg13 : memref<!tpu.dma_semaphore, #tpu.memory_space<semaphore_mem>>) src(%dma_wait3A_93 : memref<128x16xf32, #tpu.memory_space<vmem>>) dst(%dma_wait3A_99 : memref<50048x16xf32, #tpu.memory_space<vmem_shared>>)
      %rem3A_100 = arith.constant 2 : i32
      %rem3A_101 = arith.remsi %sub3A_43, %rem3A_100 : i32
      %rem3A_102 = arith.constant 4 : i32
      %rem3A_103 = arith.remsi %sub3A_43, %rem3A_102 : i32
      %dma_wait3A_104 = arith.constant 3 : i32
      %dma_wait3A_105 = arith.constant 384 : i32
      %dma_wait3A_106 = arith.constant 0 : i32
      %dma_wait3A_107 = tpu.memref_slice %arg9[%rem3A_101, %dma_wait3A_105, %dma_wait3A_106] : memref<2x1280x16xf32, #tpu.memory_space<vmem>> -> memref<1x128x16xf32, #tpu.memory_space<vmem>>
      %dma_wait3A_108 = tpu.memref_squeeze %dma_wait3A_107 : memref<1x128x16xf32, #tpu.memory_space<vmem>> -> memref<128x16xf32, #tpu.memory_space<vmem>>
      %dma_wait3A_109 = arith.constant 0 : i32
      %dma_wait3A_110 = tpu.memref_slice %arg8[%rem3A_103, %dma_wait3A_104, %dma_wait3A_109] : memref<4x10x128xi32, #tpu.memory_space<vmem>> -> memref<1x1x128xi32, #tpu.memory_space<vmem>>
      %dma_wait3A_111 = tpu.memref_squeeze %dma_wait3A_110 : memref<1x1x128xi32, #tpu.memory_space<vmem>> -> memref<128xi32, #tpu.memory_space<vmem>>
      %dma_wait3A_112 = arith.constant 0 : i32
      %dma_wait3A_113 = arith.constant 0 : i32
      %dma_wait3A_114 = tpu.memref_slice %arg10[%dma_wait3A_112, %dma_wait3A_113] : memref<50048x16xf32, #tpu.memory_space<vmem_shared>> -> memref<50048x16xf32, #tpu.memory_space<vmem_shared>>
      tpu.wait_indirect_dma semaphore(%arg13 : memref<!tpu.dma_semaphore, #tpu.memory_space<semaphore_mem>>) src(%dma_wait3A_108 : memref<128x16xf32, #tpu.memory_space<vmem>>) dst(%dma_wait3A_114 : memref<50048x16xf32, #tpu.memory_space<vmem_shared>>)
      %rem3A_115 = arith.constant 2 : i32
      %rem3A_116 = arith.remsi %sub3A_43, %rem3A_115 : i32
      %rem3A_117 = arith.constant 4 : i32
      %rem3A_118 = arith.remsi %sub3A_43, %rem3A_117 : i32
      %dma_wait3A_119 = arith.constant 4 : i32
      %dma_wait3A_120 = arith.constant 512 : i32
      %dma_wait3A_121 = arith.constant 0 : i32
      %dma_wait3A_122 = tpu.memref_slice %arg9[%rem3A_116, %dma_wait3A_120, %dma_wait3A_121] : memref<2x1280x16xf32, #tpu.memory_space<vmem>> -> memref<1x128x16xf32, #tpu.memory_space<vmem>>
      %dma_wait3A_123 = tpu.memref_squeeze %dma_wait3A_122 : memref<1x128x16xf32, #tpu.memory_space<vmem>> -> memref<128x16xf32, #tpu.memory_space<vmem>>
      %dma_wait3A_124 = arith.constant 0 : i32
      %dma_wait3A_125 = tpu.memref_slice %arg8[%rem3A_118, %dma_wait3A_119, %dma_wait3A_124] : memref<4x10x128xi32, #tpu.memory_space<vmem>> -> memref<1x1x128xi32, #tpu.memory_space<vmem>>
      %dma_wait3A_126 = tpu.memref_squeeze %dma_wait3A_125 : memref<1x1x128xi32, #tpu.memory_space<vmem>> -> memref<128xi32, #tpu.memory_space<vmem>>
      %dma_wait3A_127 = arith.constant 0 : i32
      %dma_wait3A_128 = arith.constant 0 : i32
      %dma_wait3A_129 = tpu.memref_slice %arg10[%dma_wait3A_127, %dma_wait3A_128] : memref<50048x16xf32, #tpu.memory_space<vmem_shared>> -> memref<50048x16xf32, #tpu.memory_space<vmem_shared>>
      tpu.wait_indirect_dma semaphore(%arg13 : memref<!tpu.dma_semaphore, #tpu.memory_space<semaphore_mem>>) src(%dma_wait3A_123 : memref<128x16xf32, #tpu.memory_space<vmem>>) dst(%dma_wait3A_129 : memref<50048x16xf32, #tpu.memory_space<vmem_shared>>)
      %rem3A_130 = arith.constant 2 : i32
      %rem3A_131 = arith.remsi %sub3A_43, %rem3A_130 : i32
      %rem3A_132 = arith.constant 4 : i32
      %rem3A_133 = arith.remsi %sub3A_43, %rem3A_132 : i32
      %dma_wait3A_134 = arith.constant 5 : i32
      %dma_wait3A_135 = arith.constant 640 : i32
      %dma_wait3A_136 = arith.constant 0 : i32
      %dma_wait3A_137 = tpu.memref_slice %arg9[%rem3A_131, %dma_wait3A_135, %dma_wait3A_136] : memref<2x1280x16xf32, #tpu.memory_space<vmem>> -> memref<1x128x16xf32, #tpu.memory_space<vmem>>
      %dma_wait3A_138 = tpu.memref_squeeze %dma_wait3A_137 : memref<1x128x16xf32, #tpu.memory_space<vmem>> -> memref<128x16xf32, #tpu.memory_space<vmem>>
      %dma_wait3A_139 = arith.constant 0 : i32
      %dma_wait3A_140 = tpu.memref_slice %arg8[%rem3A_133, %dma_wait3A_134, %dma_wait3A_139] : memref<4x10x128xi32, #tpu.memory_space<vmem>> -> memref<1x1x128xi32, #tpu.memory_space<vmem>>
      %dma_wait3A_141 = tpu.memref_squeeze %dma_wait3A_140 : memref<1x1x128xi32, #tpu.memory_space<vmem>> -> memref<128xi32, #tpu.memory_space<vmem>>
      %dma_wait3A_142 = arith.constant 0 : i32
      %dma_wait3A_143 = arith.constant 0 : i32
      %dma_wait3A_144 = tpu.memref_slice %arg10[%dma_wait3A_142, %dma_wait3A_143] : memref<50048x16xf32, #tpu.memory_space<vmem_shared>> -> memref<50048x16xf32, #tpu.memory_space<vmem_shared>>
      tpu.wait_indirect_dma semaphore(%arg13 : memref<!tpu.dma_semaphore, #tpu.memory_space<semaphore_mem>>) src(%dma_wait3A_138 : memref<128x16xf32, #tpu.memory_space<vmem>>) dst(%dma_wait3A_144 : memref<50048x16xf32, #tpu.memory_space<vmem_shared>>)
      %rem3A_145 = arith.constant 2 : i32
      %rem3A_146 = arith.remsi %sub3A_43, %rem3A_145 : i32
      %rem3A_147 = arith.constant 4 : i32
      %rem3A_148 = arith.remsi %sub3A_43, %rem3A_147 : i32
      %dma_wait3A_149 = arith.constant 6 : i32
      %dma_wait3A_150 = arith.constant 768 : i32
      %dma_wait3A_151 = arith.constant 0 : i32
      %dma_wait3A_152 = tpu.memref_slice %arg9[%rem3A_146, %dma_wait3A_150, %dma_wait3A_151] : memref<2x1280x16xf32, #tpu.memory_space<vmem>> -> memref<1x128x16xf32, #tpu.memory_space<vmem>>
      %dma_wait3A_153 = tpu.memref_squeeze %dma_wait3A_152 : memref<1x128x16xf32, #tpu.memory_space<vmem>> -> memref<128x16xf32, #tpu.memory_space<vmem>>
      %dma_wait3A_154 = arith.constant 0 : i32
      %dma_wait3A_155 = tpu.memref_slice %arg8[%rem3A_148, %dma_wait3A_149, %dma_wait3A_154] : memref<4x10x128xi32, #tpu.memory_space<vmem>> -> memref<1x1x128xi32, #tpu.memory_space<vmem>>
      %dma_wait3A_156 = tpu.memref_squeeze %dma_wait3A_155 : memref<1x1x128xi32, #tpu.memory_space<vmem>> -> memref<128xi32, #tpu.memory_space<vmem>>
      %dma_wait3A_157 = arith.constant 0 : i32
      %dma_wait3A_158 = arith.constant 0 : i32
      %dma_wait3A_159 = tpu.memref_slice %arg10[%dma_wait3A_157, %dma_wait3A_158] : memref<50048x16xf32, #tpu.memory_space<vmem_shared>> -> memref<50048x16xf32, #tpu.memory_space<vmem_shared>>
      tpu.wait_indirect_dma semaphore(%arg13 : memref<!tpu.dma_semaphore, #tpu.memory_space<semaphore_mem>>) src(%dma_wait3A_153 : memref<128x16xf32, #tpu.memory_space<vmem>>) dst(%dma_wait3A_159 : memref<50048x16xf32, #tpu.memory_space<vmem_shared>>)
      %rem3A_160 = arith.constant 2 : i32
      %rem3A_161 = arith.remsi %sub3A_43, %rem3A_160 : i32
      %rem3A_162 = arith.constant 4 : i32
      %rem3A_163 = arith.remsi %sub3A_43, %rem3A_162 : i32
      %dma_wait3A_164 = arith.constant 7 : i32
      %dma_wait3A_165 = arith.constant 896 : i32
      %dma_wait3A_166 = arith.constant 0 : i32
      %dma_wait3A_167 = tpu.memref_slice %arg9[%rem3A_161, %dma_wait3A_165, %dma_wait3A_166] : memref<2x1280x16xf32, #tpu.memory_space<vmem>> -> memref<1x128x16xf32, #tpu.memory_space<vmem>>
      %dma_wait3A_168 = tpu.memref_squeeze %dma_wait3A_167 : memref<1x128x16xf32, #tpu.memory_space<vmem>> -> memref<128x16xf32, #tpu.memory_space<vmem>>
      %dma_wait3A_169 = arith.constant 0 : i32
      %dma_wait3A_170 = tpu.memref_slice %arg8[%rem3A_163, %dma_wait3A_164, %dma_wait3A_169] : memref<4x10x128xi32, #tpu.memory_space<vmem>> -> memref<1x1x128xi32, #tpu.memory_space<vmem>>
      %dma_wait3A_171 = tpu.memref_squeeze %dma_wait3A_170 : memref<1x1x128xi32, #tpu.memory_space<vmem>> -> memref<128xi32, #tpu.memory_space<vmem>>
      %dma_wait3A_172 = arith.constant 0 : i32
      %dma_wait3A_173 = arith.constant 0 : i32
      %dma_wait3A_174 = tpu.memref_slice %arg10[%dma_wait3A_172, %dma_wait3A_173] : memref<50048x16xf32, #tpu.memory_space<vmem_shared>> -> memref<50048x16xf32, #tpu.memory_space<vmem_shared>>
      tpu.wait_indirect_dma semaphore(%arg13 : memref<!tpu.dma_semaphore, #tpu.memory_space<semaphore_mem>>) src(%dma_wait3A_168 : memref<128x16xf32, #tpu.memory_space<vmem>>) dst(%dma_wait3A_174 : memref<50048x16xf32, #tpu.memory_space<vmem_shared>>)
      %rem3A_175 = arith.constant 2 : i32
      %rem3A_176 = arith.remsi %sub3A_43, %rem3A_175 : i32
      %rem3A_177 = arith.constant 4 : i32
      %rem3A_178 = arith.remsi %sub3A_43, %rem3A_177 : i32
      %dma_wait3A_179 = arith.constant 8 : i32
      %dma_wait3A_180 = arith.constant 1024 : i32
      %dma_wait3A_181 = arith.constant 0 : i32
      %dma_wait3A_182 = tpu.memref_slice %arg9[%rem3A_176, %dma_wait3A_180, %dma_wait3A_181] : memref<2x1280x16xf32, #tpu.memory_space<vmem>> -> memref<1x128x16xf32, #tpu.memory_space<vmem>>
      %dma_wait3A_183 = tpu.memref_squeeze %dma_wait3A_182 : memref<1x128x16xf32, #tpu.memory_space<vmem>> -> memref<128x16xf32, #tpu.memory_space<vmem>>
      %dma_wait3A_184 = arith.constant 0 : i32
      %dma_wait3A_185 = tpu.memref_slice %arg8[%rem3A_178, %dma_wait3A_179, %dma_wait3A_184] : memref<4x10x128xi32, #tpu.memory_space<vmem>> -> memref<1x1x128xi32, #tpu.memory_space<vmem>>
      %dma_wait3A_186 = tpu.memref_squeeze %dma_wait3A_185 : memref<1x1x128xi32, #tpu.memory_space<vmem>> -> memref<128xi32, #tpu.memory_space<vmem>>
      %dma_wait3A_187 = arith.constant 0 : i32
      %dma_wait3A_188 = arith.constant 0 : i32
      %dma_wait3A_189 = tpu.memref_slice %arg10[%dma_wait3A_187, %dma_wait3A_188] : memref<50048x16xf32, #tpu.memory_space<vmem_shared>> -> memref<50048x16xf32, #tpu.memory_space<vmem_shared>>
      tpu.wait_indirect_dma semaphore(%arg13 : memref<!tpu.dma_semaphore, #tpu.memory_space<semaphore_mem>>) src(%dma_wait3A_183 : memref<128x16xf32, #tpu.memory_space<vmem>>) dst(%dma_wait3A_189 : memref<50048x16xf32, #tpu.memory_space<vmem_shared>>)
      %rem3A_190 = arith.constant 2 : i32
      %rem3A_191 = arith.remsi %sub3A_43, %rem3A_190 : i32
      %rem3A_192 = arith.constant 4 : i32
      %rem3A_193 = arith.remsi %sub3A_43, %rem3A_192 : i32
      %dma_wait3A_194 = arith.constant 9 : i32
      %dma_wait3A_195 = arith.constant 1152 : i32
      %dma_wait3A_196 = arith.constant 0 : i32
      %dma_wait3A_197 = tpu.memref_slice %arg9[%rem3A_191, %dma_wait3A_195, %dma_wait3A_196] : memref<2x1280x16xf32, #tpu.memory_space<vmem>> -> memref<1x128x16xf32, #tpu.memory_space<vmem>>
      %dma_wait3A_198 = tpu.memref_squeeze %dma_wait3A_197 : memref<1x128x16xf32, #tpu.memory_space<vmem>> -> memref<128x16xf32, #tpu.memory_space<vmem>>
      %dma_wait3A_199 = arith.constant 0 : i32
      %dma_wait3A_200 = tpu.memref_slice %arg8[%rem3A_193, %dma_wait3A_194, %dma_wait3A_199] : memref<4x10x128xi32, #tpu.memory_space<vmem>> -> memref<1x1x128xi32, #tpu.memory_space<vmem>>
      %dma_wait3A_201 = tpu.memref_squeeze %dma_wait3A_200 : memref<1x1x128xi32, #tpu.memory_space<vmem>> -> memref<128xi32, #tpu.memory_space<vmem>>
      %dma_wait3A_202 = arith.constant 0 : i32
      %dma_wait3A_203 = arith.constant 0 : i32
      %dma_wait3A_204 = tpu.memref_slice %arg10[%dma_wait3A_202, %dma_wait3A_203] : memref<50048x16xf32, #tpu.memory_space<vmem_shared>> -> memref<50048x16xf32, #tpu.memory_space<vmem_shared>>
      tpu.wait_indirect_dma semaphore(%arg13 : memref<!tpu.dma_semaphore, #tpu.memory_space<semaphore_mem>>) src(%dma_wait3A_198 : memref<128x16xf32, #tpu.memory_space<vmem>>) dst(%dma_wait3A_204 : memref<50048x16xf32, #tpu.memory_space<vmem_shared>>)
    } else {
    }
    %sub3A_48 = arith.constant 1 : i32
    %sub3A_49 = arith.subi %select_n3A_19, %sub3A_48 : i32
    %ge3A_50 = arith.constant 0 : i32
    %ge3A_51 = arith.cmpi sge, %sub3A_49, %ge3A_50 : i32
    %convert_element_type3A_52 = arith.extui %ge3A_51 : i1 to i32
    %cond3A_53 = arith.constant 0 : i32
    %cond3A_54 = arith.cmpi ne, %convert_element_type3A_52, %cond3A_53 : i32
    scf.if %cond3A_54 {
      %rem3A_56 = arith.constant 2 : i32
      %rem3A_57 = arith.remsi %sub3A_49, %rem3A_56 : i32
      %rem3A_58 = arith.constant 4 : i32
      %rem3A_59 = arith.remsi %sub3A_49, %rem3A_58 : i32
      %dma_wait3A = arith.constant 0 : i32
      %dma_wait3A_60 = arith.constant 0 : i32
      %dma_wait3A_61 = arith.constant 0 : i32
      %dma_wait3A_62 = tpu.memref_slice %arg9[%rem3A_57, %dma_wait3A_60, %dma_wait3A_61] : memref<2x1280x16xf32, #tpu.memory_space<vmem>> -> memref<1x128x16xf32, #tpu.memory_space<vmem>>
      %dma_wait3A_63 = tpu.memref_squeeze %dma_wait3A_62 : memref<1x128x16xf32, #tpu.memory_space<vmem>> -> memref<128x16xf32, #tpu.memory_space<vmem>>
      %dma_wait3A_64 = arith.constant 0 : i32
      %dma_wait3A_65 = tpu.memref_slice %arg8[%rem3A_59, %dma_wait3A, %dma_wait3A_64] : memref<4x10x128xi32, #tpu.memory_space<vmem>> -> memref<1x1x128xi32, #tpu.memory_space<vmem>>
      %dma_wait3A_66 = tpu.memref_squeeze %dma_wait3A_65 : memref<1x1x128xi32, #tpu.memory_space<vmem>> -> memref<128xi32, #tpu.memory_space<vmem>>
      %dma_wait3A_67 = arith.constant 0 : i32
      %dma_wait3A_68 = arith.constant 0 : i32
      %dma_wait3A_69 = tpu.memref_slice %arg10[%dma_wait3A_67, %dma_wait3A_68] : memref<50048x16xf32, #tpu.memory_space<vmem_shared>> -> memref<50048x16xf32, #tpu.memory_space<vmem_shared>>
      tpu.wait_indirect_dma semaphore(%arg13 : memref<!tpu.dma_semaphore, #tpu.memory_space<semaphore_mem>>) src(%dma_wait3A_63 : memref<128x16xf32, #tpu.memory_space<vmem>>) dst(%dma_wait3A_69 : memref<50048x16xf32, #tpu.memory_space<vmem_shared>>)
      %rem3A_70 = arith.constant 2 : i32
      %rem3A_71 = arith.remsi %sub3A_49, %rem3A_70 : i32
      %rem3A_72 = arith.constant 4 : i32
      %rem3A_73 = arith.remsi %sub3A_49, %rem3A_72 : i32
      %dma_wait3A_74 = arith.constant 1 : i32
      %dma_wait3A_75 = arith.constant 128 : i32
      %dma_wait3A_76 = arith.constant 0 : i32
      %dma_wait3A_77 = tpu.memref_slice %arg9[%rem3A_71, %dma_wait3A_75, %dma_wait3A_76] : memref<2x1280x16xf32, #tpu.memory_space<vmem>> -> memref<1x128x16xf32, #tpu.memory_space<vmem>>
      %dma_wait3A_78 = tpu.memref_squeeze %dma_wait3A_77 : memref<1x128x16xf32, #tpu.memory_space<vmem>> -> memref<128x16xf32, #tpu.memory_space<vmem>>
      %dma_wait3A_79 = arith.constant 0 : i32
      %dma_wait3A_80 = tpu.memref_slice %arg8[%rem3A_73, %dma_wait3A_74, %dma_wait3A_79] : memref<4x10x128xi32, #tpu.memory_space<vmem>> -> memref<1x1x128xi32, #tpu.memory_space<vmem>>
      %dma_wait3A_81 = tpu.memref_squeeze %dma_wait3A_80 : memref<1x1x128xi32, #tpu.memory_space<vmem>> -> memref<128xi32, #tpu.memory_space<vmem>>
      %dma_wait3A_82 = arith.constant 0 : i32
      %dma_wait3A_83 = arith.constant 0 : i32
      %dma_wait3A_84 = tpu.memref_slice %arg10[%dma_wait3A_82, %dma_wait3A_83] : memref<50048x16xf32, #tpu.memory_space<vmem_shared>> -> memref<50048x16xf32, #tpu.memory_space<vmem_shared>>
      tpu.wait_indirect_dma semaphore(%arg13 : memref<!tpu.dma_semaphore, #tpu.memory_space<semaphore_mem>>) src(%dma_wait3A_78 : memref<128x16xf32, #tpu.memory_space<vmem>>) dst(%dma_wait3A_84 : memref<50048x16xf32, #tpu.memory_space<vmem_shared>>)
      %rem3A_85 = arith.constant 2 : i32
      %rem3A_86 = arith.remsi %sub3A_49, %rem3A_85 : i32
      %rem3A_87 = arith.constant 4 : i32
      %rem3A_88 = arith.remsi %sub3A_49, %rem3A_87 : i32
      %dma_wait3A_89 = arith.constant 2 : i32
      %dma_wait3A_90 = arith.constant 256 : i32
      %dma_wait3A_91 = arith.constant 0 : i32
      %dma_wait3A_92 = tpu.memref_slice %arg9[%rem3A_86, %dma_wait3A_90, %dma_wait3A_91] : memref<2x1280x16xf32, #tpu.memory_space<vmem>> -> memref<1x128x16xf32, #tpu.memory_space<vmem>>
      %dma_wait3A_93 = tpu.memref_squeeze %dma_wait3A_92 : memref<1x128x16xf32, #tpu.memory_space<vmem>> -> memref<128x16xf32, #tpu.memory_space<vmem>>
      %dma_wait3A_94 = arith.constant 0 : i32
      %dma_wait3A_95 = tpu.memref_slice %arg8[%rem3A_88, %dma_wait3A_89, %dma_wait3A_94] : memref<4x10x128xi32, #tpu.memory_space<vmem>> -> memref<1x1x128xi32, #tpu.memory_space<vmem>>
      %dma_wait3A_96 = tpu.memref_squeeze %dma_wait3A_95 : memref<1x1x128xi32, #tpu.memory_space<vmem>> -> memref<128xi32, #tpu.memory_space<vmem>>
      %dma_wait3A_97 = arith.constant 0 : i32
      %dma_wait3A_98 = arith.constant 0 : i32
      %dma_wait3A_99 = tpu.memref_slice %arg10[%dma_wait3A_97, %dma_wait3A_98] : memref<50048x16xf32, #tpu.memory_space<vmem_shared>> -> memref<50048x16xf32, #tpu.memory_space<vmem_shared>>
      tpu.wait_indirect_dma semaphore(%arg13 : memref<!tpu.dma_semaphore, #tpu.memory_space<semaphore_mem>>) src(%dma_wait3A_93 : memref<128x16xf32, #tpu.memory_space<vmem>>) dst(%dma_wait3A_99 : memref<50048x16xf32, #tpu.memory_space<vmem_shared>>)
      %rem3A_100 = arith.constant 2 : i32
      %rem3A_101 = arith.remsi %sub3A_49, %rem3A_100 : i32
      %rem3A_102 = arith.constant 4 : i32
      %rem3A_103 = arith.remsi %sub3A_49, %rem3A_102 : i32
      %dma_wait3A_104 = arith.constant 3 : i32
      %dma_wait3A_105 = arith.constant 384 : i32
      %dma_wait3A_106 = arith.constant 0 : i32
      %dma_wait3A_107 = tpu.memref_slice %arg9[%rem3A_101, %dma_wait3A_105, %dma_wait3A_106] : memref<2x1280x16xf32, #tpu.memory_space<vmem>> -> memref<1x128x16xf32, #tpu.memory_space<vmem>>
      %dma_wait3A_108 = tpu.memref_squeeze %dma_wait3A_107 : memref<1x128x16xf32, #tpu.memory_space<vmem>> -> memref<128x16xf32, #tpu.memory_space<vmem>>
      %dma_wait3A_109 = arith.constant 0 : i32
      %dma_wait3A_110 = tpu.memref_slice %arg8[%rem3A_103, %dma_wait3A_104, %dma_wait3A_109] : memref<4x10x128xi32, #tpu.memory_space<vmem>> -> memref<1x1x128xi32, #tpu.memory_space<vmem>>
      %dma_wait3A_111 = tpu.memref_squeeze %dma_wait3A_110 : memref<1x1x128xi32, #tpu.memory_space<vmem>> -> memref<128xi32, #tpu.memory_space<vmem>>
      %dma_wait3A_112 = arith.constant 0 : i32
      %dma_wait3A_113 = arith.constant 0 : i32
      %dma_wait3A_114 = tpu.memref_slice %arg10[%dma_wait3A_112, %dma_wait3A_113] : memref<50048x16xf32, #tpu.memory_space<vmem_shared>> -> memref<50048x16xf32, #tpu.memory_space<vmem_shared>>
      tpu.wait_indirect_dma semaphore(%arg13 : memref<!tpu.dma_semaphore, #tpu.memory_space<semaphore_mem>>) src(%dma_wait3A_108 : memref<128x16xf32, #tpu.memory_space<vmem>>) dst(%dma_wait3A_114 : memref<50048x16xf32, #tpu.memory_space<vmem_shared>>)
      %rem3A_115 = arith.constant 2 : i32
      %rem3A_116 = arith.remsi %sub3A_49, %rem3A_115 : i32
      %rem3A_117 = arith.constant 4 : i32
      %rem3A_118 = arith.remsi %sub3A_49, %rem3A_117 : i32
      %dma_wait3A_119 = arith.constant 4 : i32
      %dma_wait3A_120 = arith.constant 512 : i32
      %dma_wait3A_121 = arith.constant 0 : i32
      %dma_wait3A_122 = tpu.memref_slice %arg9[%rem3A_116, %dma_wait3A_120, %dma_wait3A_121] : memref<2x1280x16xf32, #tpu.memory_space<vmem>> -> memref<1x128x16xf32, #tpu.memory_space<vmem>>
      %dma_wait3A_123 = tpu.memref_squeeze %dma_wait3A_122 : memref<1x128x16xf32, #tpu.memory_space<vmem>> -> memref<128x16xf32, #tpu.memory_space<vmem>>
      %dma_wait3A_124 = arith.constant 0 : i32
      %dma_wait3A_125 = tpu.memref_slice %arg8[%rem3A_118, %dma_wait3A_119, %dma_wait3A_124] : memref<4x10x128xi32, #tpu.memory_space<vmem>> -> memref<1x1x128xi32, #tpu.memory_space<vmem>>
      %dma_wait3A_126 = tpu.memref_squeeze %dma_wait3A_125 : memref<1x1x128xi32, #tpu.memory_space<vmem>> -> memref<128xi32, #tpu.memory_space<vmem>>
      %dma_wait3A_127 = arith.constant 0 : i32
      %dma_wait3A_128 = arith.constant 0 : i32
      %dma_wait3A_129 = tpu.memref_slice %arg10[%dma_wait3A_127, %dma_wait3A_128] : memref<50048x16xf32, #tpu.memory_space<vmem_shared>> -> memref<50048x16xf32, #tpu.memory_space<vmem_shared>>
      tpu.wait_indirect_dma semaphore(%arg13 : memref<!tpu.dma_semaphore, #tpu.memory_space<semaphore_mem>>) src(%dma_wait3A_123 : memref<128x16xf32, #tpu.memory_space<vmem>>) dst(%dma_wait3A_129 : memref<50048x16xf32, #tpu.memory_space<vmem_shared>>)
      %rem3A_130 = arith.constant 2 : i32
      %rem3A_131 = arith.remsi %sub3A_49, %rem3A_130 : i32
      %rem3A_132 = arith.constant 4 : i32
      %rem3A_133 = arith.remsi %sub3A_49, %rem3A_132 : i32
      %dma_wait3A_134 = arith.constant 5 : i32
      %dma_wait3A_135 = arith.constant 640 : i32
      %dma_wait3A_136 = arith.constant 0 : i32
      %dma_wait3A_137 = tpu.memref_slice %arg9[%rem3A_131, %dma_wait3A_135, %dma_wait3A_136] : memref<2x1280x16xf32, #tpu.memory_space<vmem>> -> memref<1x128x16xf32, #tpu.memory_space<vmem>>
      %dma_wait3A_138 = tpu.memref_squeeze %dma_wait3A_137 : memref<1x128x16xf32, #tpu.memory_space<vmem>> -> memref<128x16xf32, #tpu.memory_space<vmem>>
      %dma_wait3A_139 = arith.constant 0 : i32
      %dma_wait3A_140 = tpu.memref_slice %arg8[%rem3A_133, %dma_wait3A_134, %dma_wait3A_139] : memref<4x10x128xi32, #tpu.memory_space<vmem>> -> memref<1x1x128xi32, #tpu.memory_space<vmem>>
      %dma_wait3A_141 = tpu.memref_squeeze %dma_wait3A_140 : memref<1x1x128xi32, #tpu.memory_space<vmem>> -> memref<128xi32, #tpu.memory_space<vmem>>
      %dma_wait3A_142 = arith.constant 0 : i32
      %dma_wait3A_143 = arith.constant 0 : i32
      %dma_wait3A_144 = tpu.memref_slice %arg10[%dma_wait3A_142, %dma_wait3A_143] : memref<50048x16xf32, #tpu.memory_space<vmem_shared>> -> memref<50048x16xf32, #tpu.memory_space<vmem_shared>>
      tpu.wait_indirect_dma semaphore(%arg13 : memref<!tpu.dma_semaphore, #tpu.memory_space<semaphore_mem>>) src(%dma_wait3A_138 : memref<128x16xf32, #tpu.memory_space<vmem>>) dst(%dma_wait3A_144 : memref<50048x16xf32, #tpu.memory_space<vmem_shared>>)
      %rem3A_145 = arith.constant 2 : i32
      %rem3A_146 = arith.remsi %sub3A_49, %rem3A_145 : i32
      %rem3A_147 = arith.constant 4 : i32
      %rem3A_148 = arith.remsi %sub3A_49, %rem3A_147 : i32
      %dma_wait3A_149 = arith.constant 6 : i32
      %dma_wait3A_150 = arith.constant 768 : i32
      %dma_wait3A_151 = arith.constant 0 : i32
      %dma_wait3A_152 = tpu.memref_slice %arg9[%rem3A_146, %dma_wait3A_150, %dma_wait3A_151] : memref<2x1280x16xf32, #tpu.memory_space<vmem>> -> memref<1x128x16xf32, #tpu.memory_space<vmem>>
      %dma_wait3A_153 = tpu.memref_squeeze %dma_wait3A_152 : memref<1x128x16xf32, #tpu.memory_space<vmem>> -> memref<128x16xf32, #tpu.memory_space<vmem>>
      %dma_wait3A_154 = arith.constant 0 : i32
      %dma_wait3A_155 = tpu.memref_slice %arg8[%rem3A_148, %dma_wait3A_149, %dma_wait3A_154] : memref<4x10x128xi32, #tpu.memory_space<vmem>> -> memref<1x1x128xi32, #tpu.memory_space<vmem>>
      %dma_wait3A_156 = tpu.memref_squeeze %dma_wait3A_155 : memref<1x1x128xi32, #tpu.memory_space<vmem>> -> memref<128xi32, #tpu.memory_space<vmem>>
      %dma_wait3A_157 = arith.constant 0 : i32
      %dma_wait3A_158 = arith.constant 0 : i32
      %dma_wait3A_159 = tpu.memref_slice %arg10[%dma_wait3A_157, %dma_wait3A_158] : memref<50048x16xf32, #tpu.memory_space<vmem_shared>> -> memref<50048x16xf32, #tpu.memory_space<vmem_shared>>
      tpu.wait_indirect_dma semaphore(%arg13 : memref<!tpu.dma_semaphore, #tpu.memory_space<semaphore_mem>>) src(%dma_wait3A_153 : memref<128x16xf32, #tpu.memory_space<vmem>>) dst(%dma_wait3A_159 : memref<50048x16xf32, #tpu.memory_space<vmem_shared>>)
      %rem3A_160 = arith.constant 2 : i32
      %rem3A_161 = arith.remsi %sub3A_49, %rem3A_160 : i32
      %rem3A_162 = arith.constant 4 : i32
      %rem3A_163 = arith.remsi %sub3A_49, %rem3A_162 : i32
      %dma_wait3A_164 = arith.constant 7 : i32
      %dma_wait3A_165 = arith.constant 896 : i32
      %dma_wait3A_166 = arith.constant 0 : i32
      %dma_wait3A_167 = tpu.memref_slice %arg9[%rem3A_161, %dma_wait3A_165, %dma_wait3A_166] : memref<2x1280x16xf32, #tpu.memory_space<vmem>> -> memref<1x128x16xf32, #tpu.memory_space<vmem>>
      %dma_wait3A_168 = tpu.memref_squeeze %dma_wait3A_167 : memref<1x128x16xf32, #tpu.memory_space<vmem>> -> memref<128x16xf32, #tpu.memory_space<vmem>>
      %dma_wait3A_169 = arith.constant 0 : i32
      %dma_wait3A_170 = tpu.memref_slice %arg8[%rem3A_163, %dma_wait3A_164, %dma_wait3A_169] : memref<4x10x128xi32, #tpu.memory_space<vmem>> -> memref<1x1x128xi32, #tpu.memory_space<vmem>>
      %dma_wait3A_171 = tpu.memref_squeeze %dma_wait3A_170 : memref<1x1x128xi32, #tpu.memory_space<vmem>> -> memref<128xi32, #tpu.memory_space<vmem>>
      %dma_wait3A_172 = arith.constant 0 : i32
      %dma_wait3A_173 = arith.constant 0 : i32
      %dma_wait3A_174 = tpu.memref_slice %arg10[%dma_wait3A_172, %dma_wait3A_173] : memref<50048x16xf32, #tpu.memory_space<vmem_shared>> -> memref<50048x16xf32, #tpu.memory_space<vmem_shared>>
      tpu.wait_indirect_dma semaphore(%arg13 : memref<!tpu.dma_semaphore, #tpu.memory_space<semaphore_mem>>) src(%dma_wait3A_168 : memref<128x16xf32, #tpu.memory_space<vmem>>) dst(%dma_wait3A_174 : memref<50048x16xf32, #tpu.memory_space<vmem_shared>>)
      %rem3A_175 = arith.constant 2 : i32
      %rem3A_176 = arith.remsi %sub3A_49, %rem3A_175 : i32
      %rem3A_177 = arith.constant 4 : i32
      %rem3A_178 = arith.remsi %sub3A_49, %rem3A_177 : i32
      %dma_wait3A_179 = arith.constant 8 : i32
      %dma_wait3A_180 = arith.constant 1024 : i32
      %dma_wait3A_181 = arith.constant 0 : i32
      %dma_wait3A_182 = tpu.memref_slice %arg9[%rem3A_176, %dma_wait3A_180, %dma_wait3A_181] : memref<2x1280x16xf32, #tpu.memory_space<vmem>> -> memref<1x128x16xf32, #tpu.memory_space<vmem>>
      %dma_wait3A_183 = tpu.memref_squeeze %dma_wait3A_182 : memref<1x128x16xf32, #tpu.memory_space<vmem>> -> memref<128x16xf32, #tpu.memory_space<vmem>>
      %dma_wait3A_184 = arith.constant 0 : i32
      %dma_wait3A_185 = tpu.memref_slice %arg8[%rem3A_178, %dma_wait3A_179, %dma_wait3A_184] : memref<4x10x128xi32, #tpu.memory_space<vmem>> -> memref<1x1x128xi32, #tpu.memory_space<vmem>>
      %dma_wait3A_186 = tpu.memref_squeeze %dma_wait3A_185 : memref<1x1x128xi32, #tpu.memory_space<vmem>> -> memref<128xi32, #tpu.memory_space<vmem>>
      %dma_wait3A_187 = arith.constant 0 : i32
      %dma_wait3A_188 = arith.constant 0 : i32
      %dma_wait3A_189 = tpu.memref_slice %arg10[%dma_wait3A_187, %dma_wait3A_188] : memref<50048x16xf32, #tpu.memory_space<vmem_shared>> -> memref<50048x16xf32, #tpu.memory_space<vmem_shared>>
      tpu.wait_indirect_dma semaphore(%arg13 : memref<!tpu.dma_semaphore, #tpu.memory_space<semaphore_mem>>) src(%dma_wait3A_183 : memref<128x16xf32, #tpu.memory_space<vmem>>) dst(%dma_wait3A_189 : memref<50048x16xf32, #tpu.memory_space<vmem_shared>>)
      %rem3A_190 = arith.constant 2 : i32
      %rem3A_191 = arith.remsi %sub3A_49, %rem3A_190 : i32
      %rem3A_192 = arith.constant 4 : i32
      %rem3A_193 = arith.remsi %sub3A_49, %rem3A_192 : i32
      %dma_wait3A_194 = arith.constant 9 : i32
      %dma_wait3A_195 = arith.constant 1152 : i32
      %dma_wait3A_196 = arith.constant 0 : i32
      %dma_wait3A_197 = tpu.memref_slice %arg9[%rem3A_191, %dma_wait3A_195, %dma_wait3A_196] : memref<2x1280x16xf32, #tpu.memory_space<vmem>> -> memref<1x128x16xf32, #tpu.memory_space<vmem>>
      %dma_wait3A_198 = tpu.memref_squeeze %dma_wait3A_197 : memref<1x128x16xf32, #tpu.memory_space<vmem>> -> memref<128x16xf32, #tpu.memory_space<vmem>>
      %dma_wait3A_199 = arith.constant 0 : i32
      %dma_wait3A_200 = tpu.memref_slice %arg8[%rem3A_193, %dma_wait3A_194, %dma_wait3A_199] : memref<4x10x128xi32, #tpu.memory_space<vmem>> -> memref<1x1x128xi32, #tpu.memory_space<vmem>>
      %dma_wait3A_201 = tpu.memref_squeeze %dma_wait3A_200 : memref<1x1x128xi32, #tpu.memory_space<vmem>> -> memref<128xi32, #tpu.memory_space<vmem>>
      %dma_wait3A_202 = arith.constant 0 : i32
      %dma_wait3A_203 = arith.constant 0 : i32
      %dma_wait3A_204 = tpu.memref_slice %arg10[%dma_wait3A_202, %dma_wait3A_203] : memref<50048x16xf32, #tpu.memory_space<vmem_shared>> -> memref<50048x16xf32, #tpu.memory_space<vmem_shared>>
      tpu.wait_indirect_dma semaphore(%arg13 : memref<!tpu.dma_semaphore, #tpu.memory_space<semaphore_mem>>) src(%dma_wait3A_198 : memref<128x16xf32, #tpu.memory_space<vmem>>) dst(%dma_wait3A_204 : memref<50048x16xf32, #tpu.memory_space<vmem_shared>>)
    } else {
    }
    %barrier3A_55 = arith.constant 0 : index
    tpu.barrier barrier_id(%barrier3A_55)
    "tpu.region"() ({
      %run_scoped3A = tpu.sem_alloc : memref<!tpu.dma_semaphore, #tpu.memory_space<semaphore_mem>>
      %dma_start3A = arith.constant 0 : i32
      %dma_start3A_56 = tpu.memref_slice %arg6[%arg0, %mul3A_25, %dma_start3A] : memref<2x50048x16xf32, #tpu.memory_space<hbm>> -> memref<1x3128x16xf32, #tpu.memory_space<hbm>>
      %dma_start3A_57 = tpu.memref_squeeze %dma_start3A_56 : memref<1x3128x16xf32, #tpu.memory_space<hbm>> -> memref<3128x16xf32, #tpu.memory_space<hbm>>
      %dma_start3A_58 = arith.constant 0 : i32
      %dma_start3A_59 = tpu.memref_slice %arg10[%mul3A_25, %dma_start3A_58] : memref<50048x16xf32, #tpu.memory_space<vmem_shared>> -> memref<3128x16xf32, #tpu.memory_space<vmem_shared>>
      tpu.enqueue_dma source(%dma_start3A_59 : memref<3128x16xf32, #tpu.memory_space<vmem_shared>>) target(%dma_start3A_57 : memref<3128x16xf32, #tpu.memory_space<hbm>>) target_semaphore(%run_scoped3A : memref<!tpu.dma_semaphore, #tpu.memory_space<semaphore_mem>>)
      %dma_wait3A = arith.constant 0 : i32
      %dma_wait3A_60 = tpu.memref_slice %arg6[%arg0, %mul3A_25, %dma_wait3A] : memref<2x50048x16xf32, #tpu.memory_space<hbm>> -> memref<1x3128x16xf32, #tpu.memory_space<hbm>>
      %dma_wait3A_61 = tpu.memref_squeeze %dma_wait3A_60 : memref<1x3128x16xf32, #tpu.memory_space<hbm>> -> memref<3128x16xf32, #tpu.memory_space<hbm>>
      %dma_wait3A_62 = arith.constant 0 : i32
      %dma_wait3A_63 = tpu.memref_slice %arg10[%mul3A_25, %dma_wait3A_62] : memref<50048x16xf32, #tpu.memory_space<vmem_shared>> -> memref<3128x16xf32, #tpu.memory_space<vmem_shared>>
      tpu.wait_dma2 semaphore(%run_scoped3A : memref<!tpu.dma_semaphore, #tpu.memory_space<semaphore_mem>>) src(%dma_wait3A_63 : memref<3128x16xf32, #tpu.memory_space<vmem_shared>>) dst(%dma_wait3A_61 : memref<3128x16xf32, #tpu.memory_space<hbm>>)
      tpu.yield
    }) : () -> ()
    return
  }
}

module attributes {stable_mosaic.version = 14 : i64} {
  func.func @_x_table_body(%arg0: i32, %arg1: memref<2048x10xf32, #tpu.memory_space<vmem>>, %arg2: memref<10x128xf32, #tpu.memory_space<vmem>>, %arg3: memref<2048x128xf32, #tpu.memory_space<vmem>>) attributes {dimension_semantics = [#tpu.dimension_semantics<arbitrary>], iteration_bounds = array<i64: 25>, scalar_prefetch = 0 : i64, scratch_operands = 0 : i64, tpu.core_type = #tpu.core_type<tc>, window_params = [{transform_indices = @transform_0, window_bounds = array<i64: 2048, 10>}, {pipeline_mode = #tpu.pipeline_mode<synchronous>, transform_indices = @transform_1, window_bounds = array<i64: 10, 128>}, {transform_indices = @transform_2, window_bounds = array<i64: 2048, 128>}]} {
    %get3A = arith.constant 0 : index
    %get3A_0 = arith.constant 0 : index
    %get3A_1 = vector.load %arg1[%get3A, %get3A_0] : memref<2048x10xf32, #tpu.memory_space<vmem>>, vector<2048x10xf32>
    %get3A_2 = arith.constant 0 : index
    %get3A_3 = arith.constant 0 : index
    %get3A_4 = vector.load %arg2[%get3A_2, %get3A_3] : memref<10x128xf32, #tpu.memory_space<vmem>>, vector<10x128xf32>
    %dot_general3A = arith.constant dense<0.000000e+00> : vector<2048x128xf32>
    %dot_general3A_5 = tpu.matmul %get3A_1, %get3A_4, %dot_general3A {dimension_numbers = #tpu.dot_dimension_numbers<[1], [0], [0], [1], [0, 0, 1, 1], [], []>, transpose_lhs_hint = false} : vector<2048x10xf32>, vector<10x128xf32>, vector<2048x128xf32> -> vector<2048x128xf32>
    %swap3A = arith.constant 0 : index
    %swap3A_6 = arith.constant 0 : index
    %swap3A_7 = vector.load %arg3[%swap3A, %swap3A_6] : memref<2048x128xf32, #tpu.memory_space<vmem>>, vector<2048x128xf32>
    tpu.vector_store %arg3[%swap3A, %swap3A_6], %dot_general3A_5 {strides = array<i32>} : memref<2048x128xf32, #tpu.memory_space<vmem>>, vector<2048x128xf32>,
    return
  }
  func.func @transform_0(%arg0: i32) -> (i32, i32) {
    %c0_i32 = arith.constant 0 : i32
    %c0_i32_0 = arith.constant 0 : i32
    return %arg0, %c0_i32 : i32, i32
  }
  func.func @transform_1(%arg0: i32) -> (i32, i32) {
    %c0_i32 = arith.constant 0 : i32
    %c0_i32_0 = arith.constant 0 : i32
    %c0_i32_1 = arith.constant 0 : i32
    return %c0_i32, %c0_i32_0 : i32, i32
  }
  func.func @transform_2(%arg0: i32) -> (i32, i32) {
    %c0_i32 = arith.constant 0 : i32
    %c0_i32_0 = arith.constant 0 : i32
    return %arg0, %c0_i32 : i32, i32
  }
}

module attributes {stable_mosaic.version = 14 : i64} {
  func.func @_h_gates_body(%arg0: i32, %arg1: memref<256x128xf32, #tpu.memory_space<vmem>>, %arg2: memref<128x128xf32, #tpu.memory_space<vmem>>, %arg3: memref<128x128xf32, #tpu.memory_space<vmem>>, %arg4: memref<128x128xf32, #tpu.memory_space<vmem>>, %arg5: memref<1x128xf32, #tpu.memory_space<vmem>>, %arg6: memref<1x128xf32, #tpu.memory_space<vmem>>, %arg7: memref<1x128xf32, #tpu.memory_space<vmem>>, %arg8: memref<256x128xf32, #tpu.memory_space<vmem>>, %arg9: memref<256x128xf32, #tpu.memory_space<vmem>>, %arg10: memref<256x128xf32, #tpu.memory_space<vmem>>) attributes {dimension_semantics = [#tpu.dimension_semantics<arbitrary>], iteration_bounds = array<i64: 25>, scalar_prefetch = 0 : i64, scratch_operands = 0 : i64, tpu.core_type = #tpu.core_type<tc>, window_params = [{transform_indices = @transform_0, window_bounds = array<i64: 256, 128>}, {pipeline_mode = #tpu.pipeline_mode<synchronous>, transform_indices = @transform_1, window_bounds = array<i64: 128, 128>}, {pipeline_mode = #tpu.pipeline_mode<synchronous>, transform_indices = @transform_2, window_bounds = array<i64: 128, 128>}, {pipeline_mode = #tpu.pipeline_mode<synchronous>, transform_indices = @transform_3, window_bounds = array<i64: 128, 128>}, {pipeline_mode = #tpu.pipeline_mode<synchronous>, transform_indices = @transform_4, window_bounds = array<i64: 1, 128>}, {pipeline_mode = #tpu.pipeline_mode<synchronous>, transform_indices = @transform_5, window_bounds = array<i64: 1, 128>}, {pipeline_mode = #tpu.pipeline_mode<synchronous>, transform_indices = @transform_6, window_bounds = array<i64: 1, 128>}, {transform_indices = @transform_7, window_bounds = array<i64: 256, 128>}, {transform_indices = @transform_8, window_bounds = array<i64: 256, 128>}, {transform_indices = @transform_9, window_bounds = array<i64: 256, 128>}]} {
    %get3A = arith.constant 0 : index
    %get3A_0 = arith.constant 0 : index
    %get3A_1 = vector.load %arg1[%get3A, %get3A_0] : memref<256x128xf32, #tpu.memory_space<vmem>>, vector<256x128xf32>
    %get3A_2 = arith.constant 0 : index
    %get3A_3 = arith.constant 0 : index
    %get3A_4 = vector.load %arg2[%get3A_2, %get3A_3] : memref<128x128xf32, #tpu.memory_space<vmem>>, vector<128x128xf32>
    %dot_general3A = arith.constant dense<0.000000e+00> : vector<256x128xf32>
    %dot_general3A_5 = tpu.matmul %get3A_1, %get3A_4, %dot_general3A {dimension_numbers = #tpu.dot_dimension_numbers<[1], [0], [0], [1], [0, 0, 1, 1], [], []>, transpose_lhs_hint = false} : vector<256x128xf32>, vector<128x128xf32>, vector<256x128xf32> -> vector<256x128xf32>
    %get3A_6 = arith.constant 0 : index
    %get3A_7 = arith.constant 0 : index
    %get3A_8 = vector.load %arg5[%get3A_6, %get3A_7] : memref<1x128xf32, #tpu.memory_space<vmem>>, vector<1x128xf32>
    %add3A = vector.broadcast %get3A_8 : vector<1x128xf32> to vector<256x128xf32>
    %add3A_9 = arith.addf %dot_general3A_5, %add3A : vector<256x128xf32>
    %swap3A = arith.constant 0 : index
    %swap3A_10 = arith.constant 0 : index
    %swap3A_11 = vector.load %arg8[%swap3A, %swap3A_10] : memref<256x128xf32, #tpu.memory_space<vmem>>, vector<256x128xf32>
    tpu.vector_store %arg8[%swap3A, %swap3A_10], %add3A_9 {strides = array<i32>} : memref<256x128xf32, #tpu.memory_space<vmem>>, vector<256x128xf32>,
    %get3A_12 = arith.constant 0 : index
    %get3A_13 = arith.constant 0 : index
    %get3A_14 = vector.load %arg3[%get3A_12, %get3A_13] : memref<128x128xf32, #tpu.memory_space<vmem>>, vector<128x128xf32>
    %dot_general3A_15 = arith.constant dense<0.000000e+00> : vector<256x128xf32>
    %dot_general3A_16 = tpu.matmul %get3A_1, %get3A_14, %dot_general3A_15 {dimension_numbers = #tpu.dot_dimension_numbers<[1], [0], [0], [1], [0, 0, 1, 1], [], []>, transpose_lhs_hint = false} : vector<256x128xf32>, vector<128x128xf32>, vector<256x128xf32> -> vector<256x128xf32>
    %get3A_17 = arith.constant 0 : index
    %get3A_18 = arith.constant 0 : index
    %get3A_19 = vector.load %arg6[%get3A_17, %get3A_18] : memref<1x128xf32, #tpu.memory_space<vmem>>, vector<1x128xf32>
    %add3A_20 = vector.broadcast %get3A_19 : vector<1x128xf32> to vector<256x128xf32>
    %add3A_21 = arith.addf %dot_general3A_16, %add3A_20 : vector<256x128xf32>
    %swap3A_22 = arith.constant 0 : index
    %swap3A_23 = arith.constant 0 : index
    %swap3A_24 = vector.load %arg9[%swap3A_22, %swap3A_23] : memref<256x128xf32, #tpu.memory_space<vmem>>, vector<256x128xf32>
    tpu.vector_store %arg9[%swap3A_22, %swap3A_23], %add3A_21 {strides = array<i32>} : memref<256x128xf32, #tpu.memory_space<vmem>>, vector<256x128xf32>,
    %get3A_25 = arith.constant 0 : index
    %get3A_26 = arith.constant 0 : index
    %get3A_27 = vector.load %arg4[%get3A_25, %get3A_26] : memref<128x128xf32, #tpu.memory_space<vmem>>, vector<128x128xf32>
    %dot_general3A_28 = arith.constant dense<0.000000e+00> : vector<256x128xf32>
    %dot_general3A_29 = tpu.matmul %get3A_1, %get3A_27, %dot_general3A_28 {dimension_numbers = #tpu.dot_dimension_numbers<[1], [0], [0], [1], [0, 0, 1, 1], [], []>, transpose_lhs_hint = false} : vector<256x128xf32>, vector<128x128xf32>, vector<256x128xf32> -> vector<256x128xf32>
    %get3A_30 = arith.constant 0 : index
    %get3A_31 = arith.constant 0 : index
    %get3A_32 = vector.load %arg7[%get3A_30, %get3A_31] : memref<1x128xf32, #tpu.memory_space<vmem>>, vector<1x128xf32>
    %add3A_33 = vector.broadcast %get3A_32 : vector<1x128xf32> to vector<256x128xf32>
    %add3A_34 = arith.addf %dot_general3A_29, %add3A_33 : vector<256x128xf32>
    %swap3A_35 = arith.constant 0 : index
    %swap3A_36 = arith.constant 0 : index
    %swap3A_37 = vector.load %arg10[%swap3A_35, %swap3A_36] : memref<256x128xf32, #tpu.memory_space<vmem>>, vector<256x128xf32>
    tpu.vector_store %arg10[%swap3A_35, %swap3A_36], %add3A_34 {strides = array<i32>} : memref<256x128xf32, #tpu.memory_space<vmem>>, vector<256x128xf32>,
    return
  }
  func.func @transform_0(%arg0: i32) -> (i32, i32) {
    %c0_i32 = arith.constant 0 : i32
    %c0_i32_0 = arith.constant 0 : i32
    return %arg0, %c0_i32 : i32, i32
  }
  func.func @transform_1(%arg0: i32) -> (i32, i32) {
    %c0_i32 = arith.constant 0 : i32
    %c0_i32_0 = arith.constant 0 : i32
    %c0_i32_1 = arith.constant 0 : i32
    return %c0_i32, %c0_i32_0 : i32, i32
  }
  func.func @transform_2(%arg0: i32) -> (i32, i32) {
    %c0_i32 = arith.constant 0 : i32
    %c0_i32_0 = arith.constant 0 : i32
    %c0_i32_1 = arith.constant 0 : i32
    return %c0_i32, %c0_i32_0 : i32, i32
  }
  func.func @transform_3(%arg0: i32) -> (i32, i32) {
    %c0_i32 = arith.constant 0 : i32
    %c0_i32_0 = arith.constant 0 : i32
    %c0_i32_1 = arith.constant 0 : i32
    return %c0_i32, %c0_i32_0 : i32, i32
  }
  func.func @transform_4(%arg0: i32) -> (i32, i32) {
    %c0_i32 = arith.constant 0 : i32
    %c0_i32_0 = arith.constant 0 : i32
    %c0_i32_1 = arith.constant 0 : i32
    return %c0_i32, %c0_i32_0 : i32, i32
  }
  func.func @transform_5(%arg0: i32) -> (i32, i32) {
    %c0_i32 = arith.constant 0 : i32
    %c0_i32_0 = arith.constant 0 : i32
    %c0_i32_1 = arith.constant 0 : i32
    return %c0_i32, %c0_i32_0 : i32, i32
  }
  func.func @transform_6(%arg0: i32) -> (i32, i32) {
    %c0_i32 = arith.constant 0 : i32
    %c0_i32_0 = arith.constant 0 : i32
    %c0_i32_1 = arith.constant 0 : i32
    return %c0_i32, %c0_i32_0 : i32, i32
  }
  func.func @transform_7(%arg0: i32) -> (i32, i32) {
    %c0_i32 = arith.constant 0 : i32
    %c0_i32_0 = arith.constant 0 : i32
    return %arg0, %c0_i32 : i32, i32
  }
  func.func @transform_8(%arg0: i32) -> (i32, i32) {
    %c0_i32 = arith.constant 0 : i32
    %c0_i32_0 = arith.constant 0 : i32
    return %arg0, %c0_i32 : i32, i32
  }
  func.func @transform_9(%arg0: i32) -> (i32, i32) {
    %c0_i32 = arith.constant 0 : i32
    %c0_i32_0 = arith.constant 0 : i32
    return %arg0, %c0_i32 : i32, i32
  }
}

module attributes {stable_mosaic.version = 14 : i64} {
  func.func @_dense_post_body(%arg0: i32, %arg1: memref<1x256x128xf32, #tpu.memory_space<vmem>>, %arg2: memref<1x256x128xf32, #tpu.memory_space<vmem>>, %arg3: memref<256x128xf32, #tpu.memory_space<vmem>>, %arg4: memref<256x128xf32, #tpu.memory_space<vmem>>, %arg5: memref<256x128xf32, #tpu.memory_space<vmem>>, %arg6: memref<256x128xf32, #tpu.memory_space<vmem>>, %arg7: memref<128x128xf32, #tpu.memory_space<vmem>>, %arg8: memref<128x128xf32, #tpu.memory_space<vmem>>, %arg9: memref<128x128xf32, #tpu.memory_space<vmem>>, %arg10: memref<1x128xf32, #tpu.memory_space<vmem>>, %arg11: memref<1x128xf32, #tpu.memory_space<vmem>>, %arg12: memref<1x128xf32, #tpu.memory_space<vmem>>, %arg13: memref<128x128xf32, #tpu.memory_space<vmem>>, %arg14: memref<1x128xf32, #tpu.memory_space<vmem>>, %arg15: memref<256x128xf32, #tpu.memory_space<vmem>>) attributes {dimension_semantics = [#tpu.dimension_semantics<arbitrary>], iteration_bounds = array<i64: 25>, scalar_prefetch = 0 : i64, scratch_operands = 0 : i64, tpu.core_type = #tpu.core_type<tc>, window_params = [{transform_indices = @transform_0, window_bounds = array<i64: 1, 256, 128>}, {transform_indices = @transform_1, window_bounds = array<i64: 1, 256, 128>}, {transform_indices = @transform_2, window_bounds = array<i64: 256, 128>}, {transform_indices = @transform_3, window_bounds = array<i64: 256, 128>}, {transform_indices = @transform_4, window_bounds = array<i64: 256, 128>}, {transform_indices = @transform_5, window_bounds = array<i64: 256, 128>}, {pipeline_mode = #tpu.pipeline_mode<synchronous>, transform_indices = @transform_6, window_bounds = array<i64: 128, 128>}, {pipeline_mode = #tpu.pipeline_mode<synchronous>, transform_indices = @transform_7, window_bounds = array<i64: 128, 128>}, {pipeline_mode = #tpu.pipeline_mode<synchronous>, transform_indices = @transform_8, window_bounds = array<i64: 128, 128>}, {pipeline_mode = #tpu.pipeline_mode<synchronous>, transform_indices = @transform_9, window_bounds = array<i64: 1, 128>}, {pipeline_mode = #tpu.pipeline_mode<synchronous>, transform_indices = @transform_10, window_bounds = array<i64: 1, 128>}, {pipeline_mode = #tpu.pipeline_mode<synchronous>, transform_indices = @transform_11, window_bounds = array<i64: 1, 128>}, {pipeline_mode = #tpu.pipeline_mode<synchronous>, transform_indices = @transform_12, window_bounds = array<i64: 128, 128>}, {pipeline_mode = #tpu.pipeline_mode<synchronous>, transform_indices = @transform_13, window_bounds = array<i64: 1, 128>}, {transform_indices = @transform_14, window_bounds = array<i64: 256, 128>}]} {
    %get3A = arith.constant 0 : index
    %get3A_0 = arith.constant 0 : index
    %get3A_1 = arith.constant 0 : index
    %get3A_2 = vector.load %arg1[%get3A, %get3A_0, %get3A_1] : memref<1x256x128xf32, #tpu.memory_space<vmem>>, vector<1x256x128xf32>
    %get3A_3 = vector.shape_cast %get3A_2 : vector<1x256x128xf32> to vector<256x128xf32>
    %get3A_4 = arith.constant 0 : index
    %get3A_5 = arith.constant 0 : index
    %get3A_6 = arith.constant 0 : index
    %get3A_7 = vector.load %arg2[%get3A_4, %get3A_5, %get3A_6] : memref<1x256x128xf32, #tpu.memory_space<vmem>>, vector<1x256x128xf32>
    %get3A_8 = vector.shape_cast %get3A_7 : vector<1x256x128xf32> to vector<256x128xf32>
    %add3A = arith.addf %get3A_3, %get3A_8 : vector<256x128xf32>
    %get3A_9 = arith.constant 0 : index
    %get3A_10 = arith.constant 0 : index
    %get3A_11 = vector.load %arg7[%get3A_9, %get3A_10] : memref<128x128xf32, #tpu.memory_space<vmem>>, vector<128x128xf32>
    %dot_general3A = arith.constant dense<0.000000e+00> : vector<256x128xf32>
    %dot_general3A_12 = tpu.matmul %add3A, %get3A_11, %dot_general3A {dimension_numbers = #tpu.dot_dimension_numbers<[1], [0], [0], [1], [0, 0, 1, 1], [], []>, transpose_lhs_hint = false} : vector<256x128xf32>, vector<128x128xf32>, vector<256x128xf32> -> vector<256x128xf32>
    %get3A_13 = arith.constant 0 : index
    %get3A_14 = arith.constant 0 : index
    %get3A_15 = vector.load %arg10[%get3A_13, %get3A_14] : memref<1x128xf32, #tpu.memory_space<vmem>>, vector<1x128xf32>
    %add3A_16 = vector.broadcast %get3A_15 : vector<1x128xf32> to vector<256x128xf32>
    %add3A_17 = arith.addf %dot_general3A_12, %add3A_16 : vector<256x128xf32>
    %get3A_18 = arith.constant 0 : index
    %get3A_19 = arith.constant 0 : index
    %get3A_20 = vector.load %arg8[%get3A_18, %get3A_19] : memref<128x128xf32, #tpu.memory_space<vmem>>, vector<128x128xf32>
    %dot_general3A_21 = arith.constant dense<0.000000e+00> : vector<256x128xf32>
    %dot_general3A_22 = tpu.matmul %add3A, %get3A_20, %dot_general3A_21 {dimension_numbers = #tpu.dot_dimension_numbers<[1], [0], [0], [1], [0, 0, 1, 1], [], []>, transpose_lhs_hint = false} : vector<256x128xf32>, vector<128x128xf32>, vector<256x128xf32> -> vector<256x128xf32>
    %get3A_23 = arith.constant 0 : index
    %get3A_24 = arith.constant 0 : index
    %get3A_25 = vector.load %arg11[%get3A_23, %get3A_24] : memref<1x128xf32, #tpu.memory_space<vmem>>, vector<1x128xf32>
    %add3A_26 = vector.broadcast %get3A_25 : vector<1x128xf32> to vector<256x128xf32>
    %add3A_27 = arith.addf %dot_general3A_22, %add3A_26 : vector<256x128xf32>
    %get3A_28 = arith.constant 0 : index
    %get3A_29 = arith.constant 0 : index
    %get3A_30 = vector.load %arg9[%get3A_28, %get3A_29] : memref<128x128xf32, #tpu.memory_space<vmem>>, vector<128x128xf32>
    %dot_general3A_31 = arith.constant dense<0.000000e+00> : vector<256x128xf32>
    %dot_general3A_32 = tpu.matmul %add3A, %get3A_30, %dot_general3A_31 {dimension_numbers = #tpu.dot_dimension_numbers<[1], [0], [0], [1], [0, 0, 1, 1], [], []>, transpose_lhs_hint = false} : vector<256x128xf32>, vector<128x128xf32>, vector<256x128xf32> -> vector<256x128xf32>
    %get3A_33 = arith.constant 0 : index
    %get3A_34 = arith.constant 0 : index
    %get3A_35 = vector.load %arg12[%get3A_33, %get3A_34] : memref<1x128xf32, #tpu.memory_space<vmem>>, vector<1x128xf32>
    %add3A_36 = vector.broadcast %get3A_35 : vector<1x128xf32> to vector<256x128xf32>
    %add3A_37 = arith.addf %dot_general3A_32, %add3A_36 : vector<256x128xf32>
    %get3A_38 = arith.constant 0 : index
    %get3A_39 = arith.constant 0 : index
    %get3A_40 = vector.load %arg3[%get3A_38, %get3A_39] : memref<256x128xf32, #tpu.memory_space<vmem>>, vector<256x128xf32>
    %add3A_41 = arith.addf %add3A_17, %get3A_40 : vector<256x128xf32>
    %logistic3A = arith.negf %add3A_41 : vector<256x128xf32>
    %logistic3A_42 = math.exp %logistic3A : vector<256x128xf32>
    %logistic3A_43 = arith.constant 1.000000e+00 : f32
    %logistic3A_44 = vector.broadcast %logistic3A_43 : f32 to vector<256x128xf32>
    %logistic3A_45 = arith.addf %logistic3A_44, %logistic3A_42 : vector<256x128xf32>
    %logistic3A_46 = arith.divf %logistic3A_44, %logistic3A_45 : vector<256x128xf32>
    %get3A_47 = arith.constant 0 : index
    %get3A_48 = arith.constant 0 : index
    %get3A_49 = vector.load %arg4[%get3A_47, %get3A_48] : memref<256x128xf32, #tpu.memory_space<vmem>>, vector<256x128xf32>
    %add3A_50 = arith.addf %add3A_27, %get3A_49 : vector<256x128xf32>
    %logistic3A_51 = arith.negf %add3A_50 : vector<256x128xf32>
    %logistic3A_52 = math.exp %logistic3A_51 : vector<256x128xf32>
    %logistic3A_53 = arith.constant 1.000000e+00 : f32
    %logistic3A_54 = vector.broadcast %logistic3A_53 : f32 to vector<256x128xf32>
    %logistic3A_55 = arith.addf %logistic3A_54, %logistic3A_52 : vector<256x128xf32>
    %logistic3A_56 = arith.divf %logistic3A_54, %logistic3A_55 : vector<256x128xf32>
    %get3A_57 = arith.constant 0 : index
    %get3A_58 = arith.constant 0 : index
    %get3A_59 = vector.load %arg5[%get3A_57, %get3A_58] : memref<256x128xf32, #tpu.memory_space<vmem>>, vector<256x128xf32>
    %mul3A = arith.mulf %logistic3A_46, %get3A_59 : vector<256x128xf32>
    %add3A_60 = arith.addf %add3A_37, %mul3A : vector<256x128xf32>
    %tanh3A = math.tanh %add3A_60 : vector<256x128xf32>
    %sub3A = arith.constant 1.000000e+00 : f32
    %sub3A_61 = vector.broadcast %sub3A : f32 to vector<256x128xf32>
    %sub3A_62 = arith.subf %sub3A_61, %logistic3A_56 : vector<256x128xf32>
    %mul3A_63 = arith.mulf %sub3A_62, %tanh3A : vector<256x128xf32>
    %get3A_64 = arith.constant 0 : index
    %get3A_65 = arith.constant 0 : index
    %get3A_66 = vector.load %arg6[%get3A_64, %get3A_65] : memref<256x128xf32, #tpu.memory_space<vmem>>, vector<256x128xf32>
    %mul3A_67 = arith.mulf %logistic3A_56, %get3A_66 : vector<256x128xf32>
    %add3A_68 = arith.addf %mul3A_63, %mul3A_67 : vector<256x128xf32>
    %get3A_69 = arith.constant 0 : index
    %get3A_70 = arith.constant 0 : index
    %get3A_71 = vector.load %arg13[%get3A_69, %get3A_70] : memref<128x128xf32, #tpu.memory_space<vmem>>, vector<128x128xf32>
    %dot_general3A_72 = arith.constant dense<0.000000e+00> : vector<256x128xf32>
    %dot_general3A_73 = tpu.matmul %add3A_68, %get3A_71, %dot_general3A_72 {dimension_numbers = #tpu.dot_dimension_numbers<[1], [0], [0], [1], [0, 0, 1, 1], [], []>, transpose_lhs_hint = false} : vector<256x128xf32>, vector<128x128xf32>, vector<256x128xf32> -> vector<256x128xf32>
    %get3A_74 = arith.constant 0 : index
    %get3A_75 = arith.constant 0 : index
    %get3A_76 = vector.load %arg14[%get3A_74, %get3A_75] : memref<1x128xf32, #tpu.memory_space<vmem>>, vector<1x128xf32>
    %add3A_77 = vector.broadcast %get3A_76 : vector<1x128xf32> to vector<256x128xf32>
    %add3A_78 = arith.addf %dot_general3A_73, %add3A_77 : vector<256x128xf32>
    %swap3A = arith.constant 0 : index
    %swap3A_79 = arith.constant 0 : index
    %swap3A_80 = vector.load %arg15[%swap3A, %swap3A_79] : memref<256x128xf32, #tpu.memory_space<vmem>>, vector<256x128xf32>
    tpu.vector_store %arg15[%swap3A, %swap3A_79], %add3A_78 {strides = array<i32>} : memref<256x128xf32, #tpu.memory_space<vmem>>, vector<256x128xf32>,
    return
  }
  func.func @transform_0(%arg0: i32) -> (i32, i32, i32) {
    %c0_i32 = arith.constant 0 : i32
    %c0_i32_0 = arith.constant 0 : i32
    %c0_i32_1 = arith.constant 0 : i32
    return %c0_i32, %arg0, %c0_i32_0 : i32, i32, i32
  }
  func.func @transform_1(%arg0: i32) -> (i32, i32, i32) {
    %c1_i32 = arith.constant 1 : i32
    %c0_i32 = arith.constant 0 : i32
    %c0_i32_0 = arith.constant 0 : i32
    return %c1_i32, %arg0, %c0_i32 : i32, i32, i32
  }
  func.func @transform_2(%arg0: i32) -> (i32, i32) {
    %c0_i32 = arith.constant 0 : i32
    %c0_i32_0 = arith.constant 0 : i32
    return %arg0, %c0_i32 : i32, i32
  }
  func.func @transform_3(%arg0: i32) -> (i32, i32) {
    %c0_i32 = arith.constant 0 : i32
    %c0_i32_0 = arith.constant 0 : i32
    return %arg0, %c0_i32 : i32, i32
  }
  func.func @transform_4(%arg0: i32) -> (i32, i32) {
    %c0_i32 = arith.constant 0 : i32
    %c0_i32_0 = arith.constant 0 : i32
    return %arg0, %c0_i32 : i32, i32
  }
  func.func @transform_5(%arg0: i32) -> (i32, i32) {
    %c0_i32 = arith.constant 0 : i32
    %c0_i32_0 = arith.constant 0 : i32
    return %arg0, %c0_i32 : i32, i32
  }
  func.func @transform_6(%arg0: i32) -> (i32, i32) {
    %c0_i32 = arith.constant 0 : i32
    %c0_i32_0 = arith.constant 0 : i32
    %c0_i32_1 = arith.constant 0 : i32
    return %c0_i32, %c0_i32_0 : i32, i32
  }
  func.func @transform_7(%arg0: i32) -> (i32, i32) {
    %c0_i32 = arith.constant 0 : i32
    %c0_i32_0 = arith.constant 0 : i32
    %c0_i32_1 = arith.constant 0 : i32
    return %c0_i32, %c0_i32_0 : i32, i32
  }
  func.func @transform_8(%arg0: i32) -> (i32, i32) {
    %c0_i32 = arith.constant 0 : i32
    %c0_i32_0 = arith.constant 0 : i32
    %c0_i32_1 = arith.constant 0 : i32
    return %c0_i32, %c0_i32_0 : i32, i32
  }
  func.func @transform_9(%arg0: i32) -> (i32, i32) {
    %c0_i32 = arith.constant 0 : i32
    %c0_i32_0 = arith.constant 0 : i32
    %c0_i32_1 = arith.constant 0 : i32
    return %c0_i32, %c0_i32_0 : i32, i32
  }
  func.func @transform_10(%arg0: i32) -> (i32, i32) {
    %c0_i32 = arith.constant 0 : i32
    %c0_i32_0 = arith.constant 0 : i32
    %c0_i32_1 = arith.constant 0 : i32
    return %c0_i32, %c0_i32_0 : i32, i32
  }
  func.func @transform_11(%arg0: i32) -> (i32, i32) {
    %c0_i32 = arith.constant 0 : i32
    %c0_i32_0 = arith.constant 0 : i32
    %c0_i32_1 = arith.constant 0 : i32
    return %c0_i32, %c0_i32_0 : i32, i32
  }
  func.func @transform_12(%arg0: i32) -> (i32, i32) {
    %c0_i32 = arith.constant 0 : i32
    %c0_i32_0 = arith.constant 0 : i32
    %c0_i32_1 = arith.constant 0 : i32
    return %c0_i32, %c0_i32_0 : i32, i32
  }
  func.func @transform_13(%arg0: i32) -> (i32, i32) {
    %c0_i32 = arith.constant 0 : i32
    %c0_i32_0 = arith.constant 0 : i32
    %c0_i32_1 = arith.constant 0 : i32
    return %c0_i32, %c0_i32_0 : i32, i32
  }
  func.func @transform_14(%arg0: i32) -> (i32, i32) {
    %c0_i32 = arith.constant 0 : i32
    %c0_i32_0 = arith.constant 0 : i32
    return %arg0, %c0_i32 : i32, i32
  }
}

</mosaic_0001>

<sc_bundles>
// kernel: kernel.6.cloned.1.call-start
scs
__scs_entry_jumppad:
0x0: {  	(pc) =	sbr.rel $0x88, $3  }
0x1: {  	(tag) =	ssettag $0x0;
	lr =	simm.s32 $0x1  }
0x2: {  	[smem:$0x3F96] =	sst lr;
	_ =	strace $0xD0000000  }
0x3: {  	_ = 	snop  }
0x4: {  	_ = 	snop  }
0x5: {  	_ = 	snop  }
0x6: {  	_ = 	snop  }
0x7: {  	_ = 	snop  }
__scs_overlays_trampoline_lowered:
0x8: {  	[smem:$0x3FA5] =	sst s0  }
0x9: {  	[smem:$0x3FA6] =	sst s1  }
0xa: {  	[smem:$0x3FA7] =	sst s2  }
0xb: {  	[smem:$0x3FA8] =	sst s3  }
0xc: {  	[smem:$0x3FA9] =	sst s4  }
0xd: {  	[smem:$0x3FAA] =	sst s5  }
0xe: {  	[smem:$0x3FAB] =	sst s6  }
0xf: {  	[smem:$0x3FAC] =	sst s7  }
0x10: {  	[smem:$0x3FAD] =	sst s8  }
0x11: {  	[smem:$0x3FAE] =	sst s9;
	s0 =	simm.s32 @!p0 $0x0  }
0x12: {  	s1 =	sld [smem:$0x3F94];
	s0 =	simm.s32 @p0 $0x1  }
0x13: {  	[smem:$0x3FAF] =	sst s0;
	s0 =	simm.s32 @!p1 $0x0  }
0x14: {  	s2 =	sld [smem:$0x3F93];
	s0 =	simm.s32 @p1 $0x1  }
0x15: {  	[smem:$0x3FB0] =	sst s0;
	s0 =	simm.s32 @!p2 $0x0  }
0x16: {  	s3 =	sld [smem:$0x3FDB];
	s0 =	simm.s32 @p2 $0x1  }
0x17: {  	s4 =	simm.s32 $0x1BF5;
	[smem:$0x3FB2] =	sst s0  }
0x18: {  	s0 =	sld [smem:$0x3F95];
	_ =	swait.ge [sflag:s4], $0x0  }
0x19: {  	s7 =	sld [smem:$0x3F96]  }
0x1a: {  	s8 =	sadd.s32 $0xFFFFE003, lr  }
0x1b: {  	s9 =	sadd.s32 $0xFFFFFEF7, lr;
	s5 =	simm.s32 $0xFFFFFFFF;
	p2 =	slt.u32 s8, $0xFFFFF086  }
0x1c: {  	p1 =	slt.u32 s9, $0xF7A;
	s5 =	simm.s32 @!p2 $0x0  }
0x1d: {  	s5 =	simm.s32 @p1 $0x1;
	p0 =	seq.s32 s7, s2  }
0x1e: {  	s7 =	smul.u32 @!p0 $0xF7A, s2;
	p2 =	seq.s32 @!p0 s5, $0x0  }
0x1f: {  	s9 =	smul.u32 $0xF7A, s1;
	s8 =	simm.s32 @!p0 $0x1BF5;
	p2 =	por !p2, p0  }
0x20: {  	[sflag:s8] =	ssyncset.s32 @!p0 $0xFFFFF086;
	s6 =	sadd.s32 @!p0 s3, s7;
	s7 =	simm.s32 @!p0 $0x108  }
0x21: {  	s3 =	sadd.s32 s3, s9;
	s6 =	sadd.s32 @!p0 $0x88, s6;
	s7 =	simm.s32 @p2 $0x1082  }
0x22: {  	[simem:s7], [sflag:s8] =	dma.local @!p0 [hbm:s6], $0xF7A  }
0x23: {  	s9 =	sor.u32 $0xD0000000, s2;
	s6 =	simm.s32 $0x108;
	_ =	swait.ge @!p0 [sflag:s8], $0x0  }
0x24: {  	s3 =	sadd.s32 $0x88, s3;
	s6 =	simm.s32 @!p1 $0x1082;
	[sflag:s4] =	ssyncset.s32 $0xFFFFF086  }
0x25: {  	[simem:s6], [sflag:s4] =	dma.local [hbm:s3], $0xF7A  }
0x26: {  	[smem:$0x3F96] =	sst s1;
	(tag) =	ssettag s2;
	_ =	strace s9  }
0x27: {  	s1 =	sld [smem:$0x3FA6]  }
0x28: {  	s2 =	sld [smem:$0x3FA7]  }
0x29: {  	s4 =	sld [smem:$0x3FA9]  }
0x2a: {  	p0 =	seq.s32 s5, $0x0;
	s5 =	sld [smem:$0x3FAA]  }
0x2b: {  	s6 =	sld [smem:$0x3FAB]  }
0x2c: {  	s7 =	sld [smem:$0x3FAC]  }
0x2d: {  	s3 =	simm.s32 $0x108;
	s8 =	sld [smem:$0x3FAD]  }
0x2e: {  	s3 =	simm.s32 @!p0 $0x1082;
	s9 =	sld [smem:$0x3FAE]  }
0x2f: {  	lr =	sadd.s32 s0, s3;
	s0 =	sld [smem:$0x3FA5]  }
0x30: {  	s3 =	sld [smem:$0x3FA8]  }
0x31: {  	[smem:$0x3FB1] =	sst s10  }
0x32: {  	s10 =	sld [smem:$0x3FAF];
	_ =	sdelay $0x3  }
0x33: {  	p0 =	seq.s32 s10, $0x1;
	s10 =	sld [smem:$0x3FB1];
	_ =	sdelay $0x3  }
0x34: {  	[smem:$0x3FB1] =	sst s10  }
0x35: {  	s10 =	sld [smem:$0x3FB0];
	_ =	sdelay $0x3  }
0x36: {  	p1 =	seq.s32 s10, $0x1;
	s10 =	sld [smem:$0x3FB1];
	_ =	sdelay $0x3  }
0x37: {  	[smem:$0x3FB1] =	sst s10  }
0x38: {  	s10 =	sld [smem:$0x3FB2]  }
0x39: {  	_ = 	snop;
	(pc) =	sbr.ind lr, $3  }
0x3a: {  	_ = 	snop  }
0x3b: {  	_ = 	snop  }
0x3c: {  	p2 =	seq.s32 s10, $0x1;
	s10 =	sld [smem:$0x3FB1]  }
0x3d: {  	_ =	shalt  }
0x3e: {  	_ =	shalt  }
0x3f: {  	_ =	shalt  }
0x40: {  	_ =	shalt  }
0x41: {  	_ =	shalt  }
0x42: {  	_ =	shalt  }
0x43: {  	_ =	shalt  }
0x44: {  	_ =	shalt  }
0x45: {  	_ =	shalt  }
0x46: {  	_ =	shalt  }
0x47: {  	_ =	shalt  }
0x48: {  	_ =	shalt  }
0x49: {  	_ =	shalt  }
0x4a: {  	_ =	shalt  }
0x4b: {  	_ =	shalt  }
0x4c: {  	_ =	shalt  }
0x4d: {  	_ =	shalt  }
0x4e: {  	_ =	shalt  }
0x4f: {  	_ =	shalt  }
0x50: {  	_ =	shalt  }
0x51: {  	_ =	shalt  }
0x52: {  	_ =	shalt  }
0x53: {  	_ =	shalt  }
0x54: {  	_ =	shalt  }
0x55: {  	_ =	shalt  }
0x56: {  	_ =	shalt  }
0x57: {  	_ =	shalt  }
0x58: {  	_ =	shalt  }
0x59: {  	_ =	shalt  }
0x5a: {  	_ =	shalt  }
0x5b: {  	_ =	shalt  }
0x5c: {  	_ =	shalt  }
0x5d: {  	_ =	shalt  }
0x5e: {  	_ =	shalt  }
0x5f: {  	_ =	shalt  }
0x60: {  	_ =	shalt  }
0x61: {  	_ =	shalt  }
0x62: {  	_ =	shalt  }
0x63: {  	_ =	shalt  }
0x64: {  	_ =	shalt  }
0x65: {  	_ =	shalt  }
0x66: {  	_ =	shalt  }
0x67: {  	_ =	shalt  }
0x68: {  	_ =	shalt  }
0x69: {  	_ =	shalt  }
0x6a: {  	_ =	shalt  }
0x6b: {  	_ =	shalt  }
0x6c: {  	_ =	shalt  }
0x6d: {  	_ =	shalt  }
0x6e: {  	_ =	shalt  }
0x6f: {  	_ =	shalt  }
0x70: {  	_ =	shalt  }
0x71: {  	_ =	shalt  }
0x72: {  	_ =	shalt  }
0x73: {  	_ =	shalt  }
0x74: {  	_ =	shalt  }
0x75: {  	_ =	shalt  }
0x76: {  	_ =	shalt  }
0x77: {  	_ =	shalt  }
0x78: {  	_ =	shalt  }
0x79: {  	_ =	shalt  }
0x7a: {  	_ =	shalt  }
0x7b: {  	_ =	shalt  }
0x7c: {  	_ =	shalt  }
0x7d: {  	_ =	shalt  }
0x7e: {  	_ =	shalt  }
0x7f: {  	_ =	shalt  }
0x80: {  	_ =	shalt  }
0x81: {  	_ =	shalt  }
0x82: {  	_ =	shalt  }
0x83: {  	_ =	shalt  }
0x84: {  	_ =	shalt  }
0x85: {  	_ =	shalt  }
0x86: {  	_ =	shalt  }
0x87: {  	_ =	shalt  }
.Lfunc_end0:
.L_simem_size_0:
called_computation_lowered:
.L_overlay_start_0:
0x88: {  	s2 =	sld [smem:$0x3FD9]  }
0x89: {  	s3 =	sld [smem:$0x3FFE];
	_ =	sdelay $0x1  }
0x8a: {  	s1 =	srdreg.scid  }
0x8b: {  	s0 =	sand.u32 $0x1, s1  }
0x8c: {  	s17 =	sshll.u32 s0, $0xA;
	s2 =	sadd.s32 s3, s2  }
0x8d: {  	s2 =	sadd.s32 s2, s17  }
0x8e: {  	[smem:$0x3FBD] =	sst s2  }
0x8f: {  	_ = 	snop  }
0x90: {  	s2 =	sld [smem:$0x3FD0];
	(tm) =	ssettm $0x1  }
0x91: {  	s18 =	sld [smem:$0x3FFB];
	_ =	sdelay $0x3  }
0x92: {  	_ =	strace s18  }
0x93: {  	s3 =	sld [smem:$0x3FFC];
	_ =	sdelay $0x3  }
0x94: {  	_ =	strace s3  }
0x95: {  	s3 =	sld [smem:$0x3FFD];
	_ =	sdelay $0x3  }
0x96: {  	_ =	strace s3  }
0x97: {  	_ =	strace $0x8FFFFFFF  }
0x98: {  	s19 =	sld [smem:$0x3FDB];
	_ =	sdelay $0x1  }
0x99: {  	s4 =	simm.s32 $_scs_section_size  }
0x9a: {  	s5 =	simm.s32 $_size__tile_overlayer_lowered;
	s6 =	simm.s32 $_tile_overlayer_lowered  }
0x9b: {  	s22 =	simm.s32 $0x1BFF;
	s21 =	sshll.u32 s6, $0x1;
	s3 =	sadd.s32 s4, s19  }
0x9c: {  	s7 =	simm.s32 $0x0;
	s20 =	sshll.u32 s5, $0x1;
	s5 =	sadd.s32 s21, s3  }
0x9d: {  	[timem:s7], [sflag:s22] =	dma.local [hbm:s5], s20  }
0x9e: {  	_ =	swait.ge [sflag:s22], s20  }
0x9f: {  	s4 =	ssub.s32 $0x0, s20;
	[sflag:s22] =	ssyncset.done $0x0  }
0xa0: {  	[sflag:s22] =	ssyncadd.s32 s4;
	_ =	sdelay $0x1  }
0xa1: {  	s23 =	simm.s32 $0x1B8B  }
0xa2: {  	_ =	swait.ge [sflag:s23], $0x1  }
0xa3: {  	[sflag:s23] =	ssyncset.done $0x0  }
0xa4: {  	s25 =	simm.s32 $0x1B8E;
	s24 =	sld [smem:$0x3FFE];
	[sflag:s23] =	ssyncadd.s32 $0xFFFFFFFF  }
0xa5: {  	s26 =	simm.s32 $execute0_lowered;
	[smem:$0x3FD2] =	sst s25  }
0xa6: {  	s5 =	sshll.u32 s26, $0x1;
	_ =	strace $0x80000046;
	[dreg:$0x1] =	wrdreg $0xFFFFFFFF  }
0xa7: {  	s28 =	simm.s32 $_size_execute0_lowered;
	s3 =	sadd.s32 s3, s5;
	[dreg:$0x0] =	wrdreg $0x0  }
0xa8: {  	s5 =	sshll.u32 s28, $0x1;
	[dreg:$0x2] =	wrdreg s3  }
0xa9: {  	[dreg:$0x3] =	wrdreg s5  }
0xaa: {  	[dreg:$0x4] =	wrdreg $0xC0  }
0xab: {  	_ =	task [dreg:s7], $0x5FFFF  }
0xac: {  	[dreg:$0x1] =	wrdreg $0xFFFFFFFF  }
0xad: {  	[dreg:$0x0] =	wrdreg $0x60  }
0xae: {  	[dreg:$0x2] =	wrdreg s2  }
0xaf: {  	[dreg:$0x3] =	wrdreg s24  }
0xb0: {  	[dreg:$0x4] =	wrdreg $0xC8000  }
0xb1: {  	[dreg:$0x5] =	wrdreg $0x9  }
0xb2: {  	_ =	task.clear_ibuf [dreg:s7], $0x6FFFF;
	_ =	strace $0x90000046  }
0xb3: {  	s29 =	simm.s32 $0x9;
	_ =	strace $0x80000048  }
0xb4: {  	_ =	swait.ge [sflag:s29], $0x1  }
0xb5: {  	[sflag:s29] =	ssyncadd.s32 $0xFFFFFFFF  }
0xb6: {  	_ =	strace $0x90000048  }
0xb7: {  	_ =	sfence  }
0xb8: {  	s30 =	sld [smem:$0x0];
	_ =	sdelay $0x2  }
0xb9: {  	s31 =	sshll.u32 s1, $0xD;
	s1 =	sshrl.u32 s1, $0x2  }
0xba: {  	s3 =	sand.u32 $0x4000, s31;
	s1 =	sadd.s32 s1, s30  }
0xbb: {  	s0 =	sor.u32 s3, s0;
	s1 =	sshll.u32 s1, $0x11  }
0xbc: {  	s0 =	sor.u32 s1, s0  }
0xbd: {  	s0 =	sadd.s32 $0x8F2B, s0  }
0xbe: {  	[sflag:s0] =	ssyncadd.remote.s32 $0x1  }
0xbf: {  	_ =	sfence.sel $0xFFFF  }
0xc0: {  	[dreg:$0x0] =	wrdreg $0xFFFFFFFF;
	(pc) =	sbr.abs _section_cstart, $3  }
0xc1: {  	[dreg:$0x1] =	wrdreg $0xFFFFFFFF  }
0xc2: {  	_ =	task.clear_ibuf [dreg:s7], $0x2FFFF;
	_ =	strace $0x9FFFFFFF  }
0xc3: {  	(tm) =	ssettm $0x7FFFFFFF  }
tec
execute0_lowered:
.L_overlay_start_1:
0x0: {  	(tag) =	ssettag $0x1  }
0x1: {  	s0 =	rddreg [dreg:$0x0]  }
0x2: {  	s2 =	rddreg [dreg:$0x1]  }
0x3: {  	s1 =	rddreg [dreg:$0x2];
	s4 =	simm.s32 $0x0;
	s3 =	srdreg.scid  }
0x4: {  	s12 =	stileid.u32;
	s31 =	simm.s32 $0x5000;
	[smem:$0x7FF] =	sst s4  }
0x5: {  	s3 =	sand.u32 $0x1, s3;
	s6 =	smul.u32 $0xC380, s12;
	s4 =	simm.s32 $0x118  }
0x6: {  	s7 =	sadd.s32 $0xC6200, s2;
	s9 =	sadd.s32 $0xDF200, s2;
	s21 =	sshll.u32 s12, $0x6  }
0x7: {  	p0 =	seq.s32 s3, $0x0;
	s5 =	smul.u32 $0xC3800, s3;
	_ =	strace $0x80000047  }
0x8: {  	s10 =	smul.u32 $0x1180, s3;
	s3 =	ssub.s32 $0x2, s3;
	s4 =	simm.s32 @!p0 $0x78  }
0x9: {  	[dreg:$0x4] =	wrdreg s31;
	s18 =	sshrl.u32 s3, $0x1;
	s8 =	smul.u32 $0x199A, s4  }
0xa: {  	s20 =	sadd.s32 s6, s1;
	s5 =	sadd.s32 s6, s5;
	s11 =	smul.u32 s12, s4  }
0xb: {  	s4 =	sadd.s32 $0xF8200, s2;
	s3 =	ssub.s32 s3, s18;
	s6 =	sshrl.u32 s6, $0x3  }
0xc: {  	s5 =	sshrl.u32 s5, $0x3;
	s0 =	sadd.s32 s0, s6;
	s29 =	smax.u32 s3, $0x1  }
0xd: {  	s2 =	sadd.s32 s5, s2;
	s5 =	sshrl.u32 s8, $0x10;
	[dreg:$0x6] =	wrdreg s0  }
0xe: {  	s19 =	sadd.s32 s10, s11;
	s11 =	sor.u32 $0x1C04, s21;
	[dreg:$0xd] =	wrdreg s29  }
0xf: {  	s28 =	sadd.s32 $0xFFFFFFFE, s5;
	[dreg:$0x7] =	wrdreg s11  }
0x10: {  	s22 =	sshll.u32 s19, $0x4;
	s2 =	sadd.s32 $0x2C00, s2;
	[dreg:$0x5] =	wrdreg s28  }
0x11: {  	s23 =	sadd.s32 s7, s22;
	[dreg:$0xc] =	wrdreg s2  }
0x12: {  	s24 =	sadd.s32 s9, s22;
	[dreg:$0x8] =	wrdreg s23  }
0x13: {  	s25 =	sadd.s32 $0xA0, s22;
	s2 =	sshrl.u32 s20, $0x3;
	[dreg:$0x9] =	wrdreg s24  }
0x14: {  	s3 =	simm.s32 $0x4;
	s26 =	sadd.s32 s7, s25;
	[dreg:$0x10] =	wrdreg s2  }
0x15: {  	s0 =	sadd.s32 $0x140, s22;
	s6 =	sadd.s32 s9, s25;
	[dreg:$0xa] =	wrdreg s26  }
0x16: {  	s22 =	simm.s32 $0x80;
	s30 =	sadd.s32 s0, s7;
	[dreg:$0xb] =	wrdreg s6  }
0x17: {  	s0 =	sadd.s32 s0, s9;
	s23 =	simm.s32 $0x2;
	[dreg:$0xe] =	wrdreg s30  }
0x18: {  	s7 =	simm.s32 $0x0;
	[dreg:$0xf] =	wrdreg s0;
	s6 =	simm.s32 $0x1  }
.LBB2_1:
0x19: {  	[dreg:$0x11] =	wrdreg s7  }
0x1a: {  	s0 =	rddreg [dreg:$0x6]  }
0x1b: {  	[spmem:s2], [sflag:s11] =	dma.local [hbm:s0], $0x1870  }
0x1c: {  	_ =	swait.ge [sflag:s3], $0x1870  }
0x1d: {  	[sflag:s3] =	ssyncset.done $0x0  }
0x1e: {  	[sflag:s3] =	ssyncadd.s32 $0xFFFFE790  }
0x1f: {  	[bflag:$0x0] =	sbarrier.arrive $0xFFFF  }
0x20: {  	s16 =	simm.s32 $0x0;
	s18 =	rddreg [dreg:$0x8]  }
0x21: {  	[tilespmem:s16], [sflag:$0x1] =	stream.linear.gather [hbm4b:s18+s16], $0x500, $0x38;
	[tilespmem:$0x18B80] =	vst v63  }
0x22: {  	s20 =	simm.s32 $0x1400;
	s19 =	rddreg [dreg:$0x9]  }
0x23: {  	[tilespmem:s20], [sflag:$0x1] =	stream.linear.gather [hbm4b:s19+s16], $0x500, $0x38;
	[tilespmem:$0x18B80] =	vst v63  }
0x24: {  	s24 =	simm.s32 $0x500;
	s21 =	rddreg [dreg:$0xa]  }
0x25: {  	[tilespmem:s24], [sflag:$0x1] =	stream.linear.gather [hbm4b:s21+s16], $0x500, $0x38;
	[tilespmem:$0x18B80] =	vst v63  }
0x26: {  	s26 =	simm.s32 $0x1900;
	s25 =	rddreg [dreg:$0xb]  }
0x27: {  	[tilespmem:s26], [sflag:$0x1] =	stream.linear.gather [hbm4b:s25+s16], $0x500, $0x38;
	[tilespmem:$0x18B80] =	vst v63  }
0x28: {  	_ =	swait.ge [sflag:s6], $0x500  }
0x29: {  	[sflag:s6] =	ssyncset.done $0x0  }
0x2a: {  	[sflag:s6] =	ssyncadd.s32 $0xFFFFFB00  }
0x2b: {  	_ =	swait.ge [sflag:s6], $0x500  }
0x2c: {  	p0 =	por $0x1, $0x1;
	[sflag:s6] =	ssyncset.done $0x0  }
0x2d: {  	s2 =	simm.s32 @!p0 $0x3;
	[sflag:s6] =	ssyncadd.s32 $0xFFFFFB00  }
0x2e: {  	_ =	swait.ge @!p0 [sflag:s2], $0x800  }
0x2f: {  	[sflag:s2] =	ssyncset.done @!p0 $0x0  }
0x30: {  	[sflag:s2] =	ssyncadd.s32 @!p0 $0xFFFFF800  }
0x31: {  	_ =	swait.ge @!p0 [sflag:s2], $0x800  }
0x32: {  	[sflag:s2] =	ssyncset.done @!p0 $0x0  }
0x33: {  	[sflag:s2] =	ssyncadd.s32 @!p0 $0xFFFFF800  }
0x34: {  	_ =	swait.ge @!p0 [sflag:s2], $0x800  }
0x35: {  	[sflag:s2] =	ssyncset.done @!p0 $0x0  }
0x36: {  	[sflag:s2] =	ssyncadd.s32 @!p0 $0xFFFFF800  }
0x37: {  	_ =	swait.ge @!p0 [sflag:s2], $0x800  }
0x38: {  	[sflag:s2] =	ssyncset.done @!p0 $0x0  }
0x39: {  	[sflag:s2] =	ssyncadd.s32 @!p0 $0xFFFFF800  }
0x3a: {  	_ =	swait.ge @!p0 [sflag:s2], $0x800  }
0x3b: {  	[sflag:s2] =	ssyncset.done @!p0 $0x0  }
0x3c: {  	[sflag:s2] =	ssyncadd.s32 @!p0 $0xFFFFF800  }
0x3d: {  	_ =	swait.ge @!p0 [sflag:s2], $0x800  }
0x3e: {  	[sflag:s2] =	ssyncset.done @!p0 $0x0  }
0x3f: {  	[sflag:s2] =	ssyncadd.s32 @!p0 $0xFFFFF800  }
0x40: {  	_ =	swait.ge @!p0 [sflag:s2], $0x800  }
0x41: {  	[sflag:s2] =	ssyncset.done @!p0 $0x0  }
0x42: {  	[sflag:s2] =	ssyncadd.s32 @!p0 $0xFFFFF800  }
0x43: {  	_ =	swait.ge @!p0 [sflag:s2], $0x800  }
0x44: {  	[sflag:s2] =	ssyncset.done @!p0 $0x0  }
0x45: {  	[sflag:s2] =	ssyncadd.s32 @!p0 $0xFFFFF800  }
0x46: {  	_ =	swait.ge @!p0 [sflag:s2], $0x800  }
0x47: {  	[sflag:s2] =	ssyncset.done @!p0 $0x0  }
0x48: {  	[sflag:s2] =	ssyncadd.s32 @!p0 $0xFFFFF800  }
0x49: {  	s31 =	sand.u32 $0x1, s16;
	_ =	swait.ge @!p0 [sflag:s2], $0x800  }
0x4a: {  	p1 =	seq.s32 s31, $0x1;
	s3 =	sand.u32 $0x3, s16;
	s17 =	rddreg [dreg:$0x4]  }
0x4b: {  	s0 =	smul.u32 $0x500, s3;
	[sflag:s2] =	ssyncset.done @!p0 $0x0;
	s17 =	simm.s32 @!p1 $0x0  }
0x4c: {  	[sflag:s2] =	ssyncadd.s32 @!p0 $0xFFFFF800;
	s3 =	sor.u32 $0x2800, s17  }
0x4d: {  	[tilespmem:s3], [sflag:$0x2] =	stream.indirect.gather [hbm4b:s4+s22], $0x10, s0, s22, $0xb8;
	[tilespmem:$0x18B80] =	vst v63  }
0x4e: {  	s8 =	sor.u32 $0x80, s0;
	s7 =	sadd.s32 $0x3000, s17  }
0x4f: {  	[tilespmem:s7], [sflag:$0x2] =	stream.indirect.gather [hbm4b:s4+s22], $0x10, s8, s22, $0xb8;
	[tilespmem:$0x18B80] =	vst v63  }
0x50: {  	s10 =	sadd.s32 $0x100, s0;
	s11 =	sadd.s32 $0x3800, s17  }
0x51: {  	[tilespmem:s11], [sflag:$0x2] =	stream.indirect.gather [hbm4b:s4+s22], $0x10, s10, s22, $0xb8;
	[tilespmem:$0x18B80] =	vst v63  }
0x52: {  	s12 =	sadd.s32 $0x180, s0;
	s9 =	sadd.s32 $0x4000, s17  }
0x53: {  	[tilespmem:s9], [sflag:$0x2] =	stream.indirect.gather [hbm4b:s4+s22], $0x10, s12, s22, $0xb8;
	[tilespmem:$0x18B80] =	vst v63  }
0x54: {  	s14 =	sadd.s32 $0x200, s0;
	s31 =	sadd.s32 $0x4800, s17  }
0x55: {  	[tilespmem:s31], [sflag:$0x2] =	stream.indirect.gather [hbm4b:s4+s22], $0x10, s14, s22, $0xb8;
	[tilespmem:$0x18B80] =	vst v63  }
0x56: {  	s18 =	sadd.s32 $0x300, s0;
	s16 =	sadd.s32 $0x280, s0;
	s13 =	sadd.s32 $0x5000, s17  }
0x57: {  	[tilespmem:s13], [sflag:$0x2] =	stream.indirect.gather [hbm4b:s4+s22], $0x10, s16, s22, $0xb8;
	[tilespmem:$0x18B80] =	vst v63  }
0x58: {  	s29 =	sadd.s32 $0x400, s0;
	s20 =	sadd.s32 $0x380, s0;
	s15 =	sadd.s32 $0x5800, s17  }
0x59: {  	[tilespmem:s15], [sflag:$0x2] =	stream.indirect.gather [hbm4b:s4+s22], $0x10, s18, s22, $0xb8;
	[tilespmem:$0x18B80] =	vst v63  }
0x5a: {  	s26 =	simm.s32 $0x2;
	s25 =	rddreg [dreg:$0x5];
	s19 =	sadd.s32 $0x6000, s17  }
0x5b: {  	[tilespmem:s19], [sflag:$0x2] =	stream.indirect.gather [hbm4b:s4+s22], $0x10, s20, s22, $0xb8;
	[tilespmem:$0x18B80] =	vst v63  }
0x5c: {  	s26 =	sand.u32 $0x3, s26;
	p0 =	sle.u32 s25, $0x0;
	s28 =	sadd.s32 $0x6800, s17  }
0x5d: {  	[tilespmem:s28], [sflag:$0x2] =	stream.indirect.gather [hbm4b:s4+s22], $0x10, s29, s22, $0xb8;
	[tilespmem:$0x18B80] =	vst v63  }
0x5e: {  	s6 =	sadd.s32 $0x480, s0;
	s30 =	sadd.s32 $0x7000, s17;
	s17 =	smul.u32 @!p0 $0x500, s26  }
0x5f: {  	[tilespmem:s30], [sflag:$0x2] =	stream.indirect.gather [hbm4b:s4+s22], $0x10, s6, s22, $0xb8;
	[tilespmem:$0x18B80] =	vst v63  }
0x60: {  	s21 =	rddreg [dreg:$0xe];
	s25 =	simm.s32 @!p0 $0x0  }
0x61: {  	[tilespmem:s17], [sflag:$0x1] =	stream.linear.gather @!p0 [hbm4b:s21+s25], $0x500, $0x38;
	[tilespmem:$0x18B80] =	vst v63  }
0x62: {  	s24 =	rddreg [dreg:$0xf];
	s17 =	sadd.s32 @!p0 $0x1400, s17  }
0x63: {  	[tilespmem:s17], [sflag:$0x1] =	stream.linear.gather @!p0 [hbm4b:s24+s25], $0x500, $0x38;
	[tilespmem:$0x18B80] =	vst v63  }
0x64: {  	_ =	swait.ge [sflag:s23], $0x800  }
0x65: {  	[sflag:s23] =	ssyncset.done $0x0  }
0x66: {  	[sflag:s23] =	ssyncadd.s32 $0xFFFFF800  }
0x67: {  	_ =	swait.ge [sflag:s23], $0x800  }
0x68: {  	[sflag:s23] =	ssyncset.done $0x0  }
0x69: {  	[sflag:s23] =	ssyncadd.s32 $0xFFFFF800  }
0x6a: {  	_ =	swait.ge [sflag:s23], $0x800  }
0x6b: {  	[sflag:s23] =	ssyncset.done $0x0  }
0x6c: {  	[sflag:s23] =	ssyncadd.s32 $0xFFFFF800  }
0x6d: {  	_ =	swait.ge [sflag:s23], $0x800  }
0x6e: {  	[sflag:s23] =	ssyncset.done $0x0  }
0x6f: {  	[sflag:s23] =	ssyncadd.s32 $0xFFFFF800  }
0x70: {  	_ =	swait.ge [sflag:s23], $0x800  }
0x71: {  	[sflag:s23] =	ssyncset.done $0x0  }
0x72: {  	[sflag:s23] =	ssyncadd.s32 $0xFFFFF800  }
0x73: {  	_ =	swait.ge [sflag:s23], $0x800  }
0x74: {  	[sflag:s23] =	ssyncset.done $0x0  }
0x75: {  	[sflag:s23] =	ssyncadd.s32 $0xFFFFF800  }
0x76: {  	_ =	swait.ge [sflag:s23], $0x800  }
0x77: {  	[sflag:s23] =	ssyncset.done $0x0  }
0x78: {  	[sflag:s23] =	ssyncadd.s32 $0xFFFFF800  }
0x79: {  	_ =	swait.ge [sflag:s23], $0x800  }
0x7a: {  	[sflag:s23] =	ssyncset.done $0x0  }
0x7b: {  	[sflag:s23] =	ssyncadd.s32 $0xFFFFF800  }
0x7c: {  	_ =	swait.ge [sflag:s23], $0x800  }
0x7d: {  	[sflag:s23] =	ssyncset.done $0x0  }
0x7e: {  	[sflag:s23] =	ssyncadd.s32 $0xFFFFF800  }
0x7f: {  	_ =	swait.ge [sflag:s23], $0x800  }
0x80: {  	[sflag:s23] =	ssyncset.done $0x0  }
0x81: {  	s0 =	sadd.s32 $0x1400, s0;
	[sflag:s23] =	ssyncadd.s32 $0xFFFFF800  }
0x82: {  	[spmem:s1] =	stream.indirect.scatter.add.f32 [tilespmem:s3], [sflag:$0x3], $0x10, s0, s22, $0xb8;
	[tilespmem:$0x18B80] =	vst v63  }
0x83: {  	s8 =	sadd.s32 $0x1400, s8  }
0x84: {  	[spmem:s1] =	stream.indirect.scatter.add.f32 [tilespmem:s7], [sflag:$0x3], $0x10, s8, s22, $0xb8;
	[tilespmem:$0x18B80] =	vst v63  }
0x85: {  	s10 =	sadd.s32 $0x1400, s10  }
0x86: {  	[spmem:s1] =	stream.indirect.scatter.add.f32 [tilespmem:s11], [sflag:$0x3], $0x10, s10, s22, $0xb8;
	[tilespmem:$0x18B80] =	vst v63  }
0x87: {  	s12 =	sadd.s32 $0x1400, s12  }
0x88: {  	[spmem:s1] =	stream.indirect.scatter.add.f32 [tilespmem:s9], [sflag:$0x3], $0x10, s12, s22, $0xb8;
	[tilespmem:$0x18B80] =	vst v63  }
0x89: {  	s14 =	sadd.s32 $0x1400, s14  }
0x8a: {  	[spmem:s1] =	stream.indirect.scatter.add.f32 [tilespmem:s31], [sflag:$0x3], $0x10, s14, s22, $0xb8;
	[tilespmem:$0x18B80] =	vst v63  }
0x8b: {  	s17 =	sadd.s32 $0x1400, s16  }
0x8c: {  	[spmem:s1] =	stream.indirect.scatter.add.f32 [tilespmem:s13], [sflag:$0x3], $0x10, s17, s22, $0xb8;
	[tilespmem:$0x18B80] =	vst v63  }
0x8d: {  	s25 =	sadd.s32 $0x1400, s18;
	p0 =	sne.s32 s5, $0x1  }
0x8e: {  	[spmem:s1] =	stream.indirect.scatter.add.f32 [tilespmem:s15], [sflag:$0x3], $0x10, s25, s22, $0xb8;
	[tilespmem:$0x18B80] =	vst v63  }
.Ltmp0:
0x8f: {  	s26 =	sadd.s32 $0x1400, s20;
	(pc) =	sbr.rel @!p0 .LBB2_3-.Ltmp0, $4  }
0x90: {  	[spmem:s1] =	stream.indirect.scatter.add.f32 [tilespmem:s19], [sflag:$0x3], $0x10, s26, s22, $0xb8;
	[tilespmem:$0x18B80] =	vst v63  }
0x91: {  	s0 =	sadd.s32 $0x1400, s6;
	s31 =	sadd.s32 $0x1400, s29  }
0x92: {  	[spmem:s1] =	stream.indirect.scatter.add.f32 [tilespmem:s28], [sflag:$0x3], $0x10, s31, s22, $0xb8;
	[tilespmem:$0x18B80] =	vst v63  }
0x93: {  	s29 =	smov.u32 s24;
	s26 =	simm.s32 $0x1;
	s28 =	smov.u32 s21  }
.LBB2_2:
0x94: {  	[spmem:s1] =	stream.indirect.scatter.add.f32 [tilespmem:s30], [sflag:$0x3], $0x10, s0, s22, $0xb8;
	[tilespmem:$0x18B80] =	vst v63  }
0x95: {  	s21 =	simm.s32 $0x1  }
0x96: {  	_ =	swait.ge [sflag:s21], $0x500  }
0x97: {  	[sflag:s21] =	ssyncset.done $0x0  }
0x98: {  	[sflag:s21] =	ssyncadd.s32 $0xFFFFFB00  }
0x99: {  	s31 =	smov.u32 s26;
	_ =	swait.ge [sflag:s21], $0x500  }
0x9a: {  	p1 =	slt.u32 s31, $0x2;
	[sflag:s21] =	ssyncset.done $0x0  }
0x9b: {  	s0 =	simm.s32 @!p1 $0x3;
	[sflag:s21] =	ssyncadd.s32 $0xFFFFFB00  }
0x9c: {  	_ =	swait.ge @!p1 [sflag:s0], $0x800  }
0x9d: {  	[sflag:s0] =	ssyncset.done @!p1 $0x0  }
0x9e: {  	[sflag:s0] =	ssyncadd.s32 @!p1 $0xFFFFF800  }
0x9f: {  	_ =	swait.ge @!p1 [sflag:s0], $0x800  }
0xa0: {  	[sflag:s0] =	ssyncset.done @!p1 $0x0  }
0xa1: {  	[sflag:s0] =	ssyncadd.s32 @!p1 $0xFFFFF800  }
0xa2: {  	_ =	swait.ge @!p1 [sflag:s0], $0x800  }
0xa3: {  	[sflag:s0] =	ssyncset.done @!p1 $0x0  }
0xa4: {  	[sflag:s0] =	ssyncadd.s32 @!p1 $0xFFFFF800  }
0xa5: {  	_ =	swait.ge @!p1 [sflag:s0], $0x800  }
0xa6: {  	[sflag:s0] =	ssyncset.done @!p1 $0x0  }
0xa7: {  	[sflag:s0] =	ssyncadd.s32 @!p1 $0xFFFFF800  }
0xa8: {  	_ =	swait.ge @!p1 [sflag:s0], $0x800  }
0xa9: {  	[sflag:s0] =	ssyncset.done @!p1 $0x0  }
0xaa: {  	[sflag:s0] =	ssyncadd.s32 @!p1 $0xFFFFF800  }
0xab: {  	_ =	swait.ge @!p1 [sflag:s0], $0x800  }
0xac: {  	[sflag:s0] =	ssyncset.done @!p1 $0x0  }
0xad: {  	[sflag:s0] =	ssyncadd.s32 @!p1 $0xFFFFF800  }
0xae: {  	_ =	swait.ge @!p1 [sflag:s0], $0x800  }
0xaf: {  	[sflag:s0] =	ssyncset.done @!p1 $0x0  }
0xb0: {  	[sflag:s0] =	ssyncadd.s32 @!p1 $0xFFFFF800  }
0xb1: {  	_ =	swait.ge @!p1 [sflag:s0], $0x800  }
0xb2: {  	[sflag:s0] =	ssyncset.done @!p1 $0x0  }
0xb3: {  	[sflag:s0] =	ssyncadd.s32 @!p1 $0xFFFFF800  }
0xb4: {  	_ =	swait.ge @!p1 [sflag:s0], $0x800  }
0xb5: {  	[sflag:s0] =	ssyncset.done @!p1 $0x0  }
0xb6: {  	[sflag:s0] =	ssyncadd.s32 @!p1 $0xFFFFF800  }
0xb7: {  	s2 =	sand.u32 $0x1, s31;
	_ =	swait.ge @!p1 [sflag:s0], $0x800  }
0xb8: {  	s3 =	sand.u32 $0x3, s31;
	p2 =	seq.s32 s2, $0x1;
	s30 =	rddreg [dreg:$0x4]  }
0xb9: {  	s20 =	smul.u32 $0x500, s3;
	[sflag:s0] =	ssyncset.done @!p1 $0x0;
	s30 =	simm.s32 @!p2 $0x0  }
0xba: {  	[sflag:s0] =	ssyncadd.s32 @!p1 $0xFFFFF800;
	s0 =	sor.u32 $0x2800, s30  }
0xbb: {  	[tilespmem:s0], [sflag:$0x2] =	stream.indirect.gather [hbm4b:s4+s22], $0x10, s20, s22, $0xb8;
	[tilespmem:$0x18B80] =	vst v63  }
0xbc: {  	s11 =	sor.u32 $0x80, s20;
	s2 =	sadd.s32 $0x3000, s30  }
0xbd: {  	[tilespmem:s2], [sflag:$0x2] =	stream.indirect.gather [hbm4b:s4+s22], $0x10, s11, s22, $0xb8;
	[tilespmem:$0x18B80] =	vst v63  }
0xbe: {  	s26 =	sadd.s32 $0x1, s26;
	s13 =	sadd.s32 $0x100, s20;
	s18 =	sadd.s32 $0x3800, s30  }
0xbf: {  	[tilespmem:s18], [sflag:$0x2] =	stream.indirect.gather [hbm4b:s4+s22], $0x10, s13, s22, $0xb8;
	[tilespmem:$0x18B80] =	vst v63  }
0xc0: {  	p0 =	sne.s32 s5, s26;
	s7 =	sadd.s32 $0x180, s20;
	s6 =	sadd.s32 $0x4000, s30  }
0xc1: {  	[tilespmem:s6], [sflag:$0x2] =	stream.indirect.gather [hbm4b:s4+s22], $0x10, s7, s22, $0xb8;
	[tilespmem:$0x18B80] =	vst v63  }
0xc2: {  	s16 =	sadd.s32 $0x200, s20;
	s15 =	sadd.s32 $0x280, s20;
	s8 =	sadd.s32 $0x4800, s30  }
0xc3: {  	[tilespmem:s8], [sflag:$0x2] =	stream.indirect.gather [hbm4b:s4+s22], $0x10, s16, s22, $0xb8;
	[tilespmem:$0x18B80] =	vst v63  }
0xc4: {  	s3 =	sadd.s32 $0x300, s20;
	s17 =	sadd.s32 $0x380, s20;
	s9 =	sadd.s32 $0x5000, s30  }
0xc5: {  	[tilespmem:s9], [sflag:$0x2] =	stream.indirect.gather [hbm4b:s4+s22], $0x10, s15, s22, $0xb8;
	[tilespmem:$0x18B80] =	vst v63  }
0xc6: {  	s25 =	sadd.s32 $0x400, s20;
	s21 =	smov.u32 s5;
	s10 =	sadd.s32 $0x5800, s30  }
0xc7: {  	[tilespmem:s10], [sflag:$0x2] =	stream.indirect.gather [hbm4b:s4+s22], $0x10, s3, s22, $0xb8;
	[tilespmem:$0x18B80] =	vst v63  }
0xc8: {  	s5 =	sadd.s32 $0x2, s31;
	s24 =	rddreg [dreg:$0x5];
	s12 =	sadd.s32 $0x6000, s30  }
0xc9: {  	[tilespmem:s12], [sflag:$0x2] =	stream.indirect.gather [hbm4b:s4+s22], $0x10, s17, s22, $0xb8;
	[tilespmem:$0x18B80] =	vst v63  }
0xca: {  	s5 =	sand.u32 $0x3, s5;
	p1 =	sge.u32 s31, s24;
	s14 =	sadd.s32 $0x6800, s30  }
0xcb: {  	[tilespmem:s14], [sflag:$0x2] =	stream.indirect.gather [hbm4b:s4+s22], $0x10, s25, s22, $0xb8;
	[tilespmem:$0x18B80] =	vst v63  }
0xcc: {  	s19 =	sadd.s32 $0x480, s20;
	s30 =	sadd.s32 $0x7000, s30;
	s5 =	smul.u32 @!p1 $0x500, s5  }
0xcd: {  	[tilespmem:s30], [sflag:$0x2] =	stream.indirect.gather [hbm4b:s4+s22], $0x10, s19, s22, $0xb8;
	[tilespmem:$0x18B80] =	vst v63  }
0xce: {  	s28 =	sadd.s32 $0xA0, s28;
	s24 =	simm.s32 @!p1 $0x0  }
0xcf: {  	[tilespmem:s5], [sflag:$0x1] =	stream.linear.gather @!p1 [hbm4b:s28+s24], $0x500, $0x38;
	[tilespmem:$0x18B80] =	vst v63  }
0xd0: {  	s29 =	sadd.s32 $0xA0, s29;
	s5 =	sadd.s32 @!p1 $0x1400, s5  }
0xd1: {  	[tilespmem:s5], [sflag:$0x1] =	stream.linear.gather @!p1 [hbm4b:s29+s24], $0x500, $0x38;
	[tilespmem:$0x18B80] =	vst v63  }
0xd2: {  	_ =	swait.ge [sflag:s23], $0x800  }
0xd3: {  	[sflag:s23] =	ssyncset.done $0x0  }
0xd4: {  	[sflag:s23] =	ssyncadd.s32 $0xFFFFF800  }
0xd5: {  	_ =	swait.ge [sflag:s23], $0x800  }
0xd6: {  	[sflag:s23] =	ssyncset.done $0x0  }
0xd7: {  	[sflag:s23] =	ssyncadd.s32 $0xFFFFF800  }
0xd8: {  	_ =	swait.ge [sflag:s23], $0x800  }
0xd9: {  	[sflag:s23] =	ssyncset.done $0x0  }
0xda: {  	[sflag:s23] =	ssyncadd.s32 $0xFFFFF800  }
0xdb: {  	_ =	swait.ge [sflag:s23], $0x800  }
0xdc: {  	[sflag:s23] =	ssyncset.done $0x0  }
0xdd: {  	[sflag:s23] =	ssyncadd.s32 $0xFFFFF800  }
0xde: {  	_ =	swait.ge [sflag:s23], $0x800  }
0xdf: {  	[sflag:s23] =	ssyncset.done $0x0  }
0xe0: {  	[sflag:s23] =	ssyncadd.s32 $0xFFFFF800  }
0xe1: {  	_ =	swait.ge [sflag:s23], $0x800  }
0xe2: {  	[sflag:s23] =	ssyncset.done $0x0  }
0xe3: {  	[sflag:s23] =	ssyncadd.s32 $0xFFFFF800  }
0xe4: {  	_ =	swait.ge [sflag:s23], $0x800  }
0xe5: {  	[sflag:s23] =	ssyncset.done $0x0  }
0xe6: {  	[sflag:s23] =	ssyncadd.s32 $0xFFFFF800  }
0xe7: {  	_ =	swait.ge [sflag:s23], $0x800  }
0xe8: {  	[sflag:s23] =	ssyncset.done $0x0  }
0xe9: {  	[sflag:s23] =	ssyncadd.s32 $0xFFFFF800  }
0xea: {  	_ =	swait.ge [sflag:s23], $0x800  }
0xeb: {  	[sflag:s23] =	ssyncset.done $0x0  }
0xec: {  	[sflag:s23] =	ssyncadd.s32 $0xFFFFF800  }
0xed: {  	_ =	swait.ge [sflag:s23], $0x800  }
0xee: {  	[sflag:s23] =	ssyncset.done $0x0  }
0xef: {  	s24 =	sadd.s32 $0x1400, s20;
	[sflag:s23] =	ssyncadd.s32 $0xFFFFF800  }
0xf0: {  	[spmem:s1] =	stream.indirect.scatter.add.f32 [tilespmem:s0], [sflag:$0x3], $0x10, s24, s22, $0xb8;
	[tilespmem:$0x18B80] =	vst v63  }
0xf1: {  	s11 =	sadd.s32 $0x1400, s11  }
0xf2: {  	[spmem:s1] =	stream.indirect.scatter.add.f32 [tilespmem:s2], [sflag:$0x3], $0x10, s11, s22, $0xb8;
	[tilespmem:$0x18B80] =	vst v63  }
0xf3: {  	s31 =	sadd.s32 $0x1400, s13  }
0xf4: {  	[spmem:s1] =	stream.indirect.scatter.add.f32 [tilespmem:s18], [sflag:$0x3], $0x10, s31, s22, $0xb8;
	[tilespmem:$0x18B80] =	vst v63  }
0xf5: {  	s13 =	sadd.s32 $0x1400, s7  }
0xf6: {  	[spmem:s1] =	stream.indirect.scatter.add.f32 [tilespmem:s6], [sflag:$0x3], $0x10, s13, s22, $0xb8;
	[tilespmem:$0x18B80] =	vst v63  }
0xf7: {  	s18 =	sadd.s32 $0x1400, s16  }
0xf8: {  	[spmem:s1] =	stream.indirect.scatter.add.f32 [tilespmem:s8], [sflag:$0x3], $0x10, s18, s22, $0xb8;
	[tilespmem:$0x18B80] =	vst v63  }
0xf9: {  	s20 =	sadd.s32 $0x1400, s15  }
0xfa: {  	[spmem:s1] =	stream.indirect.scatter.add.f32 [tilespmem:s9], [sflag:$0x3], $0x10, s20, s22, $0xb8;
	[tilespmem:$0x18B80] =	vst v63  }
0xfb: {  	s5 =	smov.u32 s21;
	s21 =	sadd.s32 $0x1400, s3  }
0xfc: {  	[spmem:s1] =	stream.indirect.scatter.add.f32 [tilespmem:s10], [sflag:$0x3], $0x10, s21, s22, $0xb8;
	[tilespmem:$0x18B80] =	vst v63  }
.Ltmp1:
0xfd: {  	_ = 	snop;
	(pc) =	sbr.rel @p0 .LBB2_2-.Ltmp1, $4  }
0xfe: {  	s24 =	sadd.s32 $0x1400, s17  }
0xff: {  	[spmem:s1] =	stream.indirect.scatter.add.f32 [tilespmem:s12], [sflag:$0x3], $0x10, s24, s22, $0xb8;
	[tilespmem:$0x18B80] =	vst v63  }
0x100: {  	s0 =	sadd.s32 $0x1400, s19;
	s31 =	sadd.s32 $0x1400, s25  }
0x101: {  	[spmem:s1] =	stream.indirect.scatter.add.f32 [tilespmem:s14], [sflag:$0x3], $0x10, s31, s22, $0xb8;
	[tilespmem:$0x18B80] =	vst v63  }
.LBB2_3:
0x102: {  	[spmem:s1] =	stream.indirect.scatter.add.f32 [tilespmem:s30], [sflag:$0x3], $0x10, s0, s22, $0xb8;
	[tilespmem:$0x18B80] =	vst v63  }
0x103: {  	s29 =	simm.s32 $0x3  }
0x104: {  	_ =	swait.ge [sflag:s29], $0x800  }
0x105: {  	[sflag:s29] =	ssyncset.done $0x0  }
0x106: {  	[sflag:s29] =	ssyncadd.s32 $0xFFFFF800  }
0x107: {  	_ =	swait.ge [sflag:s29], $0x800  }
0x108: {  	[sflag:s29] =	ssyncset.done $0x0  }
0x109: {  	[sflag:s29] =	ssyncadd.s32 $0xFFFFF800  }
0x10a: {  	_ =	swait.ge [sflag:s29], $0x800  }
0x10b: {  	[sflag:s29] =	ssyncset.done $0x0  }
0x10c: {  	[sflag:s29] =	ssyncadd.s32 $0xFFFFF800  }
0x10d: {  	_ =	swait.ge [sflag:s29], $0x800  }
0x10e: {  	[sflag:s29] =	ssyncset.done $0x0  }
0x10f: {  	[sflag:s29] =	ssyncadd.s32 $0xFFFFF800  }
0x110: {  	_ =	swait.ge [sflag:s29], $0x800  }
0x111: {  	[sflag:s29] =	ssyncset.done $0x0  }
0x112: {  	[sflag:s29] =	ssyncadd.s32 $0xFFFFF800  }
0x113: {  	_ =	swait.ge [sflag:s29], $0x800  }
0x114: {  	[sflag:s29] =	ssyncset.done $0x0  }
0x115: {  	[sflag:s29] =	ssyncadd.s32 $0xFFFFF800  }
0x116: {  	_ =	swait.ge [sflag:s29], $0x800  }
0x117: {  	[sflag:s29] =	ssyncset.done $0x0  }
0x118: {  	[sflag:s29] =	ssyncadd.s32 $0xFFFFF800  }
0x119: {  	_ =	swait.ge [sflag:s29], $0x800  }
0x11a: {  	[sflag:s29] =	ssyncset.done $0x0  }
0x11b: {  	[sflag:s29] =	ssyncadd.s32 $0xFFFFF800  }
0x11c: {  	_ =	swait.ge [sflag:s29], $0x800  }
0x11d: {  	[sflag:s29] =	ssyncset.done $0x0  }
0x11e: {  	[sflag:s29] =	ssyncadd.s32 $0xFFFFF800  }
0x11f: {  	_ =	swait.ge [sflag:s29], $0x800  }
0x120: {  	[sflag:s29] =	ssyncset.done $0x0  }
0x121: {  	[sflag:s29] =	ssyncadd.s32 $0xFFFFF800  }
0x122: {  	_ =	swait.ge [sflag:s29], $0x800  }
0x123: {  	[sflag:s29] =	ssyncset.done $0x0  }
0x124: {  	[sflag:s29] =	ssyncadd.s32 $0xFFFFF800  }
0x125: {  	_ =	swait.ge [sflag:s29], $0x800  }
0x126: {  	[sflag:s29] =	ssyncset.done $0x0  }
0x127: {  	[sflag:s29] =	ssyncadd.s32 $0xFFFFF800  }
0x128: {  	_ =	swait.ge [sflag:s29], $0x800  }
0x129: {  	[sflag:s29] =	ssyncset.done $0x0  }
0x12a: {  	[sflag:s29] =	ssyncadd.s32 $0xFFFFF800  }
0x12b: {  	_ =	swait.ge [sflag:s29], $0x800  }
0x12c: {  	[sflag:s29] =	ssyncset.done $0x0  }
0x12d: {  	[sflag:s29] =	ssyncadd.s32 $0xFFFFF800  }
0x12e: {  	_ =	swait.ge [sflag:s29], $0x800  }
0x12f: {  	[sflag:s29] =	ssyncset.done $0x0  }
0x130: {  	[sflag:s29] =	ssyncadd.s32 $0xFFFFF800  }
0x131: {  	_ =	swait.ge [sflag:s29], $0x800  }
0x132: {  	[sflag:s29] =	ssyncset.done $0x0  }
0x133: {  	[sflag:s29] =	ssyncadd.s32 $0xFFFFF800  }
0x134: {  	_ =	swait.ge [sflag:s29], $0x800  }
0x135: {  	[sflag:s29] =	ssyncset.done $0x0  }
0x136: {  	[sflag:s29] =	ssyncadd.s32 $0xFFFFF800  }
0x137: {  	_ =	swait.ge [sflag:s29], $0x800  }
0x138: {  	[sflag:s29] =	ssyncset.done $0x0  }
0x139: {  	[sflag:s29] =	ssyncadd.s32 $0xFFFFF800  }
0x13a: {  	_ =	swait.ge [sflag:s29], $0x800  }
0x13b: {  	[sflag:s29] =	ssyncset.done $0x0  }
0x13c: {  	[sflag:s29] =	ssyncadd.s32 $0xFFFFF800  }
0x13d: {  	_ =	swait.ge [sflag:s29], $0x800  }
0x13e: {  	[sflag:s29] =	ssyncset.done $0x0  }
0x13f: {  	[sflag:s29] =	ssyncadd.s32 $0xFFFFF800  }
0x140: {  	[bflag:$0x0] =	sbarrier.arrive $0xFFFF  }
0x141: {  	s11 =	rddreg [dreg:$0x7]  }
0x142: {  	s30 =	rddreg [dreg:$0xc]  }
0x143: {  	s3 =	simm.s32 $0x4;
	s2 =	rddreg [dreg:$0x10]  }
0x144: {  	[hbm:s30], [sflag:s11] =	dma.local [spmem:s2], $0x1870  }
0x145: {  	_ =	swait.ge [sflag:s3], $0x1870  }
0x146: {  	s7 =	rddreg [dreg:$0x11]  }
0x147: {  	s31 =	rddreg [dreg:$0xd];
	s7 =	sadd.s32 $0x1, s7  }
0x148: {  	p0 =	sne.s32 s7, s31  }
.Ltmp2:
0x149: {  	_ = 	snop;
	(pc) =	sbr.rel @p0 .LBB2_1-.Ltmp2, $3  }
0x14a: {  	_ =	sdelay $0x1  }
0x14b: {  	[sflag:s3] =	ssyncset.done $0x0  }
0x14c: {  	s6 =	simm.s32 $0x1;
	[sflag:s3] =	ssyncadd.s32 $0xFFFFE790  }
0x14d: {  	_ =	sfence.sel $0x180000  }
0x14e: {  	[bflag:$0x0] =	sbarrier.arrive $0xFFFF  }
0x14f: {  	_ =	strace $0x90000047  }
0x150: {  	s0 =	stileid.u32;
	[bflag:$0x2] =	sbarrier.arrive $0xFFFF  }
0x151: {  	p0 =	sne.s32 s0, $0x0;
	s0 =	rddreg [dreg:$0x3]  }
0x152: {  	s0 =	sadd.s32 @!p0 $0x100000, s0  }
0x153: {  	[sflag:s0] =	ssyncadd.tile.s32 @!p0 $0x1;
	_ =	shalt  }
.Lfunc_end2:
_tile_overlayer_lowered:
.L_overlay_start_2:
0x154: {  	(tag) =	ssettag $0x2  }
0x155: {  	s0 =	rddreg [dreg:$0x0];
	s2 =	stileid.u32  }
0x156: {  	s1 =	rddreg [dreg:$0x1];
	p0 =	sne.s32 s2, $0x0  }
0x157: {  	s3 =	rddreg [dreg:$0x2];
	[bflag:$0x3] =	sbarrier.arrive $0xFFFF;
	s2 =	simm.s32 @!p0 $0x1C04  }
0x158: {  	[timem:s3], [sflag:s2] =	dma.local @!p0 [hbm:s0], s1  }
0x159: {  	s0 =	simm.s32 @!p0 $0x4  }
0x15a: {  	_ =	swait.ge @!p0 [sflag:s0], s1  }
0x15b: {  	s1 =	ssub.s32 @!p0 $0x0, s1;
	[sflag:s0] =	ssyncset.done @!p0 $0x0  }
0x15c: {  	[sflag:s0] =	ssyncadd.s32 @!p0 s1  }
0x15d: {  	[bflag:$0x3] =	sbarrier.arrive $0xFFFF  }
0x15e: {  	_ =	shalt  }

</sc_bundles>
